<compile_context>
chip_gen: v7x
topology: tpu7x:2x2x1
jax: 0.10.2.dev20260603
libtpu: 0.0.44.dev20260713+nightly
codegen_flags: <defaults>
</compile_context>

<pallas_src>
import functools

import jax
import jax.numpy as jnp
from jax import lax
from jax.experimental import pallas as pl
from jax.experimental.pallas import tpu as pltpu
from jax.experimental.pallas import tpu_sc as plsc

VOCAB = 100000
HIDDEN = 128
SEQ = 200
BATCH = 1024
EPS = 1e-5

NC = 2
NS = 16
NW = NC * NS
TOKENS = BATCH * SEQ
PER_W = TOKENS // NW
CHUNKS = PER_W // SEQ
NH = HIDDEN // 16


def _rsqrt(v):
    vi = lax.bitcast_convert_type(v, jnp.int32)
    yi = jnp.int32(0x5F3759DF) - lax.shift_right_logical(vi, 1)
    y = lax.bitcast_convert_type(yi, jnp.float32)
    for _ in range(2):
        y = y * (jnp.float32(1.5) - jnp.float32(0.5) * v * y * y)
    return y


def _body(ids_hbm, sids_hbm, tok_hbm, pos_hbm, seg_hbm, gam_hbm, bet_hbm,
          out_hbm, ps_v, gam_v, bet_v, ids_v, segs_v, rows_v, ssum_v, qsum_v,
          gsem, ssem):
    wid = lax.axis_index("s") * NC + lax.axis_index("c")
    base = wid * PER_W

    pltpu.sync_copy(ids_hbm.at[pl.ds(base, PER_W)], ids_v)
    pltpu.sync_copy(sids_hbm.at[pl.ds(base, PER_W)],
                    segs_v.at[pl.ds(0, PER_W)])
    pltpu.sync_copy(pos_hbm.at[pl.ds(0, SEQ)], ps_v.at[0])
    pltpu.sync_copy(gam_hbm, gam_v)
    pltpu.sync_copy(bet_hbm, bet_v)

    gam = [gam_v[pl.ds(16 * h, 16)] for h in range(NH)]
    bet = [bet_v[pl.ds(16 * h, 16)] for h in range(NH)]

    s_rows = [[None] * NH for _ in range(2)]
    pltpu.sync_copy(seg_hbm, rows_v.at[0, pl.ds(0, 2)])
    for si in range(2):
        for h in range(NH):
            s_rows[si][h] = rows_v[0, si, pl.ds(16 * h, 16)]

    @plsc.parallel_loop(0, SEQ, 1, unroll=4)
    def buildrow(j):
        for h in range(NH):
            sl = pl.ds(16 * h, 16)
            p = ps_v[0, j, sl]
            ps_v[1, j, sl] = p + s_rows[1][h]
            ps_v[0, j, sl] = p + s_rows[0][h]

    def gather_start(buf, chunk):
        pltpu.async_copy(
            tok_hbm.at[ids_v.at[pl.ds(chunk * SEQ, SEQ)]],
            rows_v.at[buf], gsem.at[buf])

    def gather_wait(buf, chunk):
        pltpu.make_async_copy(
            tok_hbm.at[ids_v.at[pl.ds(chunk * SEQ, SEQ)]],
            rows_v.at[buf], gsem.at[buf]).wait()

    def store_start(buf, chunk):
        off = base + chunk * SEQ
        pltpu.async_copy(rows_v.at[buf], out_hbm.at[pl.ds(off, SEQ)],
                         ssem.at[buf])

    def store_wait(buf, chunk):
        off = base + chunk * SEQ
        pltpu.make_async_copy(rows_v.at[buf], out_hbm.at[pl.ds(off, SEQ)],
                              ssem.at[buf]).wait()

    iota = lax.iota(jnp.int32, 16)
    lane15 = iota == jnp.int32(15)

    def compute(buf, chunk, ssum_v, qsum_v):
        @plsc.parallel_loop(0, SEQ, 1, unroll=4)
        def row_stats(j):
            segi = segs_v[pl.ds(chunk * SEQ + j, 16)][0]
            x = []
            for h in range(NH):
                sl = pl.ds(16 * h, 16)
                v = rows_v[buf, j, sl] + ps_v[segi, j, sl]
                rows_v[buf, j, sl] = v
                x.append(v)
            s = ((x[0] + x[1]) + (x[2] + x[3])) + ((x[4] + x[5]) + (x[6] + x[7]))
            q = (((x[0] * x[0] + x[1] * x[1]) + (x[2] * x[2] + x[3] * x[3]))
                 + ((x[4] * x[4] + x[5] * x[5]) + (x[6] * x[6] + x[7] * x[7])))
            jsplat = jnp.full((16,), j, jnp.int32)
            plsc.store_scatter(ssum_v, [jsplat], plsc.cumsum(s), mask=lane15)
            plsc.store_scatter(qsum_v, [jsplat], plsc.cumsum(q), mask=lane15)

        @plsc.parallel_loop(0, (SEQ + 15) // 16, 1, unroll=2)
        def grp_stats(g):
            sl = pl.ds(16 * g, 16)
            mean = ssum_v[sl] * jnp.float32(1.0 / HIDDEN)
            var = qsum_v[sl] * jnp.float32(1.0 / HIDDEN) - mean * mean
            ssum_v[sl] = mean
            qsum_v[sl] = _rsqrt(var + jnp.float32(EPS))

        @plsc.parallel_loop(0, SEQ, 1, unroll=4)
        def row_norm(j):
            jsplat = jnp.full((16,), j, jnp.int32)
            mean = plsc.load_gather(ssum_v, [jsplat])
            rs = plsc.load_gather(qsum_v, [jsplat])
            for h in range(NH):
                sl = pl.ds(16 * h, 16)
                x = rows_v[buf, j, sl]
                rows_v[buf, j, sl] = (x - mean) * (rs * gam[h]) + bet[h]

    gather_start(0, 0)

    def chunk_body(c, _):
        b = c % 2
        nb = 1 - b

        @pl.when(c + 1 < CHUNKS)
        def _():
            @pl.when(c >= 1)
            def _():
                store_wait(nb, c - 1)
            gather_start(nb, c + 1)

        gather_wait(b, c)
        compute(b, c, ssum_v, qsum_v)
        store_start(b, c)
        return 0

    lax.fori_loop(0, CHUNKS, chunk_body, 0)
    store_wait(0, CHUNKS - 2)
    store_wait(1, CHUNKS - 1)


@jax.jit
def _run(ids, sids, tok, pos, seg, gam, bet):
    kern = pl.kernel(
        _body,
        out_type=jax.ShapeDtypeStruct((TOKENS, HIDDEN), jnp.float32),
        mesh=plsc.VectorSubcoreMesh(core_axis_name="c", subcore_axis_name="s"),
        scratch_types=[
            pltpu.VMEM((2, SEQ, HIDDEN), jnp.float32),
            pltpu.VMEM((HIDDEN,), jnp.float32),
            pltpu.VMEM((HIDDEN,), jnp.float32),
            pltpu.VMEM((PER_W,), jnp.int32),
            pltpu.VMEM((PER_W + 16,), jnp.int32),
            pltpu.VMEM((2, SEQ, HIDDEN), jnp.float32),
            pltpu.VMEM((SEQ + 16,), jnp.float32),
            pltpu.VMEM((SEQ + 16,), jnp.float32),
            pltpu.SemaphoreType.DMA((2,)),
            pltpu.SemaphoreType.DMA((2,)),
        ],
        compiler_params=pltpu.CompilerParams(use_tc_tiling_on_sc=False,
                                             needs_layout_passes=False),
    )
    return kern(ids, sids, tok, pos, seg, gam, bet)


def kernel(input_ids, segment_ids, token_table, pos_table, seg_table,
           ln_gamma, ln_beta):
    ids = input_ids.reshape(-1).astype(jnp.int32)
    sids = segment_ids.reshape(-1).astype(jnp.int32)
    out = _run(ids, sids, token_table, pos_table, seg_table,
               ln_gamma, ln_beta)
    return out.reshape(BATCH, SEQ, HIDDEN)

# --- scband reference (transcript-rebuilt; emitter-appended) ---
"""Pipeline reference for scband-bert-embedding-74981539053581 (READ-ONLY COPY).

The authoritative reference and input builder live on the scoring server;
editing this copy changes nothing except your own understanding.
"""

import jax, jax.numpy as jnp
import numpy as np

VOCAB = 100000
HIDDEN = 128
MAX_POS = 512
TYPE_VOCAB = 2
BATCH = 1024
SEQ = 200
EPS = 1e-5


def setup_inputs(seed: int = 0) -> dict:
    key = jax.random.key(seed)
    k1, k2, k3, k4, k5 = jax.random.split(key, 5)
    input_ids = jax.random.randint(k1, (BATCH, SEQ), 0, VOCAB, dtype=jnp.int64 if jax.config.jax_enable_x64 else jnp.int32)
    segment_ids = jax.random.randint(k2, (BATCH, SEQ), 0, TYPE_VOCAB, dtype=jnp.int64 if jax.config.jax_enable_x64 else jnp.int32)
    token_table = jax.random.normal(k3, (VOCAB, HIDDEN), dtype=jnp.float32)
    pos_table = jax.random.normal(k4, (MAX_POS, HIDDEN), dtype=jnp.float32)
    seg_table = jax.random.normal(k5, (TYPE_VOCAB, HIDDEN), dtype=jnp.float32)
    ln_gamma = jnp.ones((HIDDEN,), dtype=jnp.float32)
    ln_beta = jnp.zeros((HIDDEN,), dtype=jnp.float32)
    return {
        "input_ids": input_ids,
        "segment_ids": segment_ids,
        "token_table": token_table,
        "pos_table": pos_table,
        "seg_table": seg_table,
        "ln_gamma": ln_gamma,
        "ln_beta": ln_beta,
    }


def reference(input_ids, segment_ids, token_table, pos_table, seg_table, ln_gamma, ln_beta):
    # token embedding: gather rows from large table (memory-bound)
    token_emb = jnp.take(token_table, input_ids, axis=0)
    # position embedding: arange, broadcast over batch
    seq_len = input_ids.shape[1]
    position_ids = jnp.arange(seq_len)
    position_emb = jnp.take(pos_table, position_ids, axis=0)[None, :, :]
    # segment embedding
    segment_emb = jnp.take(seg_table, segment_ids, axis=0)
    embeddings = token_emb + position_emb + segment_emb
    # LayerNorm over last dim (torch default: biased variance, eps=1e-5)
    mean = jnp.mean(embeddings, axis=-1, keepdims=True)
    var = jnp.mean(jnp.square(embeddings - mean), axis=-1, keepdims=True)
    normed = (embeddings - mean) * jax.lax.rsqrt(var + EPS)
    out = normed * ln_gamma + ln_beta
    # dropout is identity in eval/inference mode
    return out

if __name__ == "__main__":
    import jax
    _d = setup_inputs()
    print(jax.jit(kernel)(*tuple(_d.values())))

</pallas_src>

<mosaic_0001>
#map = affine_map<(d0, d1) -> (0)>
#map1 = affine_map<(d0, d1) -> (0, 0)>
module attributes {stable_mosaic.version = 14 : i64} {
  func.func @_body(%arg0: i32, %arg1: i32, %arg2: memref<204800xi32, #tpu.memory_space<hbm>>, %arg3: memref<204800xi32, #tpu.memory_space<hbm>>, %arg4: memref<100000x128xf32, #tpu.memory_space<hbm>>, %arg5: memref<512x128xf32, #tpu.memory_space<hbm>>, %arg6: memref<2x128xf32, #tpu.memory_space<hbm>>, %arg7: memref<128xf32, #tpu.memory_space<hbm>>, %arg8: memref<128xf32, #tpu.memory_space<hbm>>, %arg9: memref<204800x128xf32, #tpu.memory_space<hbm>>, %arg10: memref<2x200x128xf32, #tpu.memory_space<vmem>>, %arg11: memref<128xf32, #tpu.memory_space<vmem>>, %arg12: memref<128xf32, #tpu.memory_space<vmem>>, %arg13: memref<6400xi32, #tpu.memory_space<vmem>>, %arg14: memref<6416xi32, #tpu.memory_space<vmem>>, %arg15: memref<2x200x128xf32, #tpu.memory_space<vmem>>, %arg16: memref<216xf32, #tpu.memory_space<vmem>>, %arg17: memref<216xf32, #tpu.memory_space<vmem>>, %arg18: memref<2x!tpu.dma_semaphore, #tpu.memory_space<semaphore_mem>>, %arg19: memref<2x!tpu.dma_semaphore, #tpu.memory_space<semaphore_mem>>) attributes {dimension_semantics = [#tpu.dimension_semantics<core_parallel>, #tpu.dimension_semantics<subcore_parallel>], iteration_bounds = array<i64: 2, 16>, scalar_prefetch = 0 : i64, scratch_operands = 10 : i64, tpu.core_type = #tpu.core_type<sc_vector_subcore>, window_params = [{transform_indices = #map}, {transform_indices = #map}, {transform_indices = #map1}, {transform_indices = #map1}, {transform_indices = #map1}, {transform_indices = #map}, {transform_indices = #map}, {transform_indices = #map1}]} {
    %mul3A = arith.constant 2 : i32
    %mul3A_0 = arith.muli %arg1, %mul3A : i32
    %add3A = arith.addi %mul3A_0, %arg0 : i32
    %mul3A_1 = arith.constant 6400 : i32
    %mul3A_2 = arith.muli %add3A, %mul3A_1 : i32
    "tpu.region"() ({
      %run_scoped3A_188 = tpu.sem_alloc : memref<!tpu.dma_semaphore, #tpu.memory_space<semaphore_mem>>
      %dma_start3A_189 = tpu.memref_slice %arg2[%mul3A_2] : memref<204800xi32, #tpu.memory_space<hbm>> -> memref<6400xi32, #tpu.memory_space<hbm>>
      %dma_start3A_190 = tpu.memref_slice %arg2[%mul3A_2] : memref<204800xi32, #tpu.memory_space<hbm>> -> memref<6400xi32, #tpu.memory_space<hbm>>
      tpu.enqueue_dma source(%dma_start3A_190 : memref<6400xi32, #tpu.memory_space<hbm>>) target(%arg13 : memref<6400xi32, #tpu.memory_space<vmem>>) target_semaphore(%run_scoped3A_188 : memref<!tpu.dma_semaphore, #tpu.memory_space<semaphore_mem>>)
      %dma_wait3A_191 = tpu.memref_slice %arg2[%mul3A_2] : memref<204800xi32, #tpu.memory_space<hbm>> -> memref<6400xi32, #tpu.memory_space<hbm>>
      %dma_wait3A_192 = tpu.memref_slice %arg2[%mul3A_2] : memref<204800xi32, #tpu.memory_space<hbm>> -> memref<6400xi32, #tpu.memory_space<hbm>>
      tpu.wait_dma2 semaphore(%run_scoped3A_188 : memref<!tpu.dma_semaphore, #tpu.memory_space<semaphore_mem>>) src(%dma_wait3A_192 : memref<6400xi32, #tpu.memory_space<hbm>>) dst(%arg13 : memref<6400xi32, #tpu.memory_space<vmem>>)
      tpu.yield
    }) : () -> ()
    "tpu.region"() ({
      %run_scoped3A_188 = tpu.sem_alloc : memref<!tpu.dma_semaphore, #tpu.memory_space<semaphore_mem>>
      %dma_start3A_189 = arith.constant 0 : i32
      %dma_start3A_190 = tpu.memref_slice %arg14[%dma_start3A_189] : memref<6416xi32, #tpu.memory_space<vmem>> -> memref<6400xi32, #tpu.memory_space<vmem>>
      %dma_start3A_191 = tpu.memref_slice %arg3[%mul3A_2] : memref<204800xi32, #tpu.memory_space<hbm>> -> memref<6400xi32, #tpu.memory_space<hbm>>
      %dma_start3A_192 = arith.constant 0 : i32
      %dma_start3A_193 = tpu.memref_slice %arg14[%dma_start3A_192] : memref<6416xi32, #tpu.memory_space<vmem>> -> memref<6400xi32, #tpu.memory_space<vmem>>
      %dma_start3A_194 = tpu.memref_slice %arg3[%mul3A_2] : memref<204800xi32, #tpu.memory_space<hbm>> -> memref<6400xi32, #tpu.memory_space<hbm>>
      tpu.enqueue_dma source(%dma_start3A_194 : memref<6400xi32, #tpu.memory_space<hbm>>) target(%dma_start3A_193 : memref<6400xi32, #tpu.memory_space<vmem>>) target_semaphore(%run_scoped3A_188 : memref<!tpu.dma_semaphore, #tpu.memory_space<semaphore_mem>>)
      %dma_wait3A_195 = arith.constant 0 : i32
      %dma_wait3A_196 = tpu.memref_slice %arg14[%dma_wait3A_195] : memref<6416xi32, #tpu.memory_space<vmem>> -> memref<6400xi32, #tpu.memory_space<vmem>>
      %dma_wait3A_197 = tpu.memref_slice %arg3[%mul3A_2] : memref<204800xi32, #tpu.memory_space<hbm>> -> memref<6400xi32, #tpu.memory_space<hbm>>
      %dma_wait3A_198 = arith.constant 0 : i32
      %dma_wait3A_199 = tpu.memref_slice %arg14[%dma_wait3A_198] : memref<6416xi32, #tpu.memory_space<vmem>> -> memref<6400xi32, #tpu.memory_space<vmem>>
      %dma_wait3A_200 = tpu.memref_slice %arg3[%mul3A_2] : memref<204800xi32, #tpu.memory_space<hbm>> -> memref<6400xi32, #tpu.memory_space<hbm>>
      tpu.wait_dma2 semaphore(%run_scoped3A_188 : memref<!tpu.dma_semaphore, #tpu.memory_space<semaphore_mem>>) src(%dma_wait3A_200 : memref<6400xi32, #tpu.memory_space<hbm>>) dst(%dma_wait3A_199 : memref<6400xi32, #tpu.memory_space<vmem>>)
      tpu.yield
    }) : () -> ()
    %run_scoped3A = arith.constant 0 : i32
    "tpu.region"() ({
      %run_scoped3A_188 = tpu.sem_alloc : memref<!tpu.dma_semaphore, #tpu.memory_space<semaphore_mem>>
      %dma_start3A_189 = arith.constant 0 : i32
      %dma_start3A_190 = arith.constant 0 : i32
      %dma_start3A_191 = tpu.memref_slice %arg10[%run_scoped3A, %dma_start3A_189, %dma_start3A_190] : memref<2x200x128xf32, #tpu.memory_space<vmem>> -> memref<1x200x128xf32, #tpu.memory_space<vmem>>
      %dma_start3A_192 = tpu.memref_squeeze %dma_start3A_191 : memref<1x200x128xf32, #tpu.memory_space<vmem>> -> memref<200x128xf32, #tpu.memory_space<vmem>>
      %dma_start3A_193 = arith.constant 0 : i32
      %dma_start3A_194 = arith.constant 0 : i32
      %dma_start3A_195 = tpu.memref_slice %arg5[%dma_start3A_193, %dma_start3A_194] : memref<512x128xf32, #tpu.memory_space<hbm>> -> memref<200x128xf32, #tpu.memory_space<hbm>>
      %dma_start3A_196 = arith.constant 0 : i32
      %dma_start3A_197 = arith.constant 0 : i32
      %dma_start3A_198 = tpu.memref_slice %arg10[%run_scoped3A, %dma_start3A_196, %dma_start3A_197] : memref<2x200x128xf32, #tpu.memory_space<vmem>> -> memref<1x200x128xf32, #tpu.memory_space<vmem>>
      %dma_start3A_199 = tpu.memref_squeeze %dma_start3A_198 : memref<1x200x128xf32, #tpu.memory_space<vmem>> -> memref<200x128xf32, #tpu.memory_space<vmem>>
      %dma_start3A_200 = arith.constant 0 : i32
      %dma_start3A_201 = arith.constant 0 : i32
      %dma_start3A_202 = tpu.memref_slice %arg5[%dma_start3A_200, %dma_start3A_201] : memref<512x128xf32, #tpu.memory_space<hbm>> -> memref<200x128xf32, #tpu.memory_space<hbm>>
      tpu.enqueue_dma source(%dma_start3A_202 : memref<200x128xf32, #tpu.memory_space<hbm>>) target(%dma_start3A_199 : memref<200x128xf32, #tpu.memory_space<vmem>>) target_semaphore(%run_scoped3A_188 : memref<!tpu.dma_semaphore, #tpu.memory_space<semaphore_mem>>)
      %dma_wait3A_203 = arith.constant 0 : i32
      %dma_wait3A_204 = arith.constant 0 : i32
      %dma_wait3A_205 = tpu.memref_slice %arg10[%run_scoped3A, %dma_wait3A_203, %dma_wait3A_204] : memref<2x200x128xf32, #tpu.memory_space<vmem>> -> memref<1x200x128xf32, #tpu.memory_space<vmem>>
      %dma_wait3A_206 = tpu.memref_squeeze %dma_wait3A_205 : memref<1x200x128xf32, #tpu.memory_space<vmem>> -> memref<200x128xf32, #tpu.memory_space<vmem>>
      %dma_wait3A_207 = arith.constant 0 : i32
      %dma_wait3A_208 = arith.constant 0 : i32
      %dma_wait3A_209 = tpu.memref_slice %arg5[%dma_wait3A_207, %dma_wait3A_208] : memref<512x128xf32, #tpu.memory_space<hbm>> -> memref<200x128xf32, #tpu.memory_space<hbm>>
      %dma_wait3A_210 = arith.constant 0 : i32
      %dma_wait3A_211 = arith.constant 0 : i32
      %dma_wait3A_212 = tpu.memref_slice %arg10[%run_scoped3A, %dma_wait3A_210, %dma_wait3A_211] : memref<2x200x128xf32, #tpu.memory_space<vmem>> -> memref<1x200x128xf32, #tpu.memory_space<vmem>>
      %dma_wait3A_213 = tpu.memref_squeeze %dma_wait3A_212 : memref<1x200x128xf32, #tpu.memory_space<vmem>> -> memref<200x128xf32, #tpu.memory_space<vmem>>
      %dma_wait3A_214 = arith.constant 0 : i32
      %dma_wait3A_215 = arith.constant 0 : i32
      %dma_wait3A_216 = tpu.memref_slice %arg5[%dma_wait3A_214, %dma_wait3A_215] : memref<512x128xf32, #tpu.memory_space<hbm>> -> memref<200x128xf32, #tpu.memory_space<hbm>>
      tpu.wait_dma2 semaphore(%run_scoped3A_188 : memref<!tpu.dma_semaphore, #tpu.memory_space<semaphore_mem>>) src(%dma_wait3A_216 : memref<200x128xf32, #tpu.memory_space<hbm>>) dst(%dma_wait3A_213 : memref<200x128xf32, #tpu.memory_space<vmem>>)
      tpu.yield
    }) : () -> ()
    "tpu.region"() ({
      %run_scoped3A_188 = tpu.sem_alloc : memref<!tpu.dma_semaphore, #tpu.memory_space<semaphore_mem>>
      tpu.enqueue_dma source(%arg7 : memref<128xf32, #tpu.memory_space<hbm>>) target(%arg11 : memref<128xf32, #tpu.memory_space<vmem>>) target_semaphore(%run_scoped3A_188 : memref<!tpu.dma_semaphore, #tpu.memory_space<semaphore_mem>>)
      tpu.wait_dma2 semaphore(%run_scoped3A_188 : memref<!tpu.dma_semaphore, #tpu.memory_space<semaphore_mem>>) src(%arg7 : memref<128xf32, #tpu.memory_space<hbm>>) dst(%arg11 : memref<128xf32, #tpu.memory_space<vmem>>)
      tpu.yield
    }) : () -> ()
    "tpu.region"() ({
      %run_scoped3A_188 = tpu.sem_alloc : memref<!tpu.dma_semaphore, #tpu.memory_space<semaphore_mem>>
      tpu.enqueue_dma source(%arg8 : memref<128xf32, #tpu.memory_space<hbm>>) target(%arg12 : memref<128xf32, #tpu.memory_space<vmem>>) target_semaphore(%run_scoped3A_188 : memref<!tpu.dma_semaphore, #tpu.memory_space<semaphore_mem>>)
      tpu.wait_dma2 semaphore(%run_scoped3A_188 : memref<!tpu.dma_semaphore, #tpu.memory_space<semaphore_mem>>) src(%arg8 : memref<128xf32, #tpu.memory_space<hbm>>) dst(%arg12 : memref<128xf32, #tpu.memory_space<vmem>>)
      tpu.yield
    }) : () -> ()
    %get3A = arith.constant 0 : index
    %get3A_3 = tpu.vector_load %arg11[%get3A] {strides = array<i32>} : memref<128xf32, #tpu.memory_space<vmem>>, vector<16xf32>,
    %get3A_4 = arith.constant 16 : index
    %get3A_5 = tpu.vector_load %arg11[%get3A_4] {strides = array<i32>} : memref<128xf32, #tpu.memory_space<vmem>>, vector<16xf32>,
    %get3A_6 = arith.constant 32 : index
    %get3A_7 = tpu.vector_load %arg11[%get3A_6] {strides = array<i32>} : memref<128xf32, #tpu.memory_space<vmem>>, vector<16xf32>,
    %get3A_8 = arith.constant 48 : index
    %get3A_9 = tpu.vector_load %arg11[%get3A_8] {strides = array<i32>} : memref<128xf32, #tpu.memory_space<vmem>>, vector<16xf32>,
    %get3A_10 = arith.constant 64 : index
    %get3A_11 = tpu.vector_load %arg11[%get3A_10] {strides = array<i32>} : memref<128xf32, #tpu.memory_space<vmem>>, vector<16xf32>,
    %get3A_12 = arith.constant 80 : index
    %get3A_13 = tpu.vector_load %arg11[%get3A_12] {strides = array<i32>} : memref<128xf32, #tpu.memory_space<vmem>>, vector<16xf32>,
    %get3A_14 = arith.constant 96 : index
    %get3A_15 = tpu.vector_load %arg11[%get3A_14] {strides = array<i32>} : memref<128xf32, #tpu.memory_space<vmem>>, vector<16xf32>,
    %get3A_16 = arith.constant 112 : index
    %get3A_17 = tpu.vector_load %arg11[%get3A_16] {strides = array<i32>} : memref<128xf32, #tpu.memory_space<vmem>>, vector<16xf32>,
    %get3A_18 = arith.constant 0 : index
    %get3A_19 = tpu.vector_load %arg12[%get3A_18] {strides = array<i32>} : memref<128xf32, #tpu.memory_space<vmem>>, vector<16xf32>,
    %get3A_20 = arith.constant 16 : index
    %get3A_21 = tpu.vector_load %arg12[%get3A_20] {strides = array<i32>} : memref<128xf32, #tpu.memory_space<vmem>>, vector<16xf32>,
    %get3A_22 = arith.constant 32 : index
    %get3A_23 = tpu.vector_load %arg12[%get3A_22] {strides = array<i32>} : memref<128xf32, #tpu.memory_space<vmem>>, vector<16xf32>,
    %get3A_24 = arith.constant 48 : index
    %get3A_25 = tpu.vector_load %arg12[%get3A_24] {strides = array<i32>} : memref<128xf32, #tpu.memory_space<vmem>>, vector<16xf32>,
    %get3A_26 = arith.constant 64 : index
    %get3A_27 = tpu.vector_load %arg12[%get3A_26] {strides = array<i32>} : memref<128xf32, #tpu.memory_space<vmem>>, vector<16xf32>,
    %get3A_28 = arith.constant 80 : index
    %get3A_29 = tpu.vector_load %arg12[%get3A_28] {strides = array<i32>} : memref<128xf32, #tpu.memory_space<vmem>>, vector<16xf32>,
    %get3A_30 = arith.constant 96 : index
    %get3A_31 = tpu.vector_load %arg12[%get3A_30] {strides = array<i32>} : memref<128xf32, #tpu.memory_space<vmem>>, vector<16xf32>,
    %get3A_32 = arith.constant 112 : index
    %get3A_33 = tpu.vector_load %arg12[%get3A_32] {strides = array<i32>} : memref<128xf32, #tpu.memory_space<vmem>>, vector<16xf32>,
    %run_scoped3A_34 = arith.constant 0 : i32
    "tpu.region"() ({
      %run_scoped3A_188 = tpu.sem_alloc : memref<!tpu.dma_semaphore, #tpu.memory_space<semaphore_mem>>
      %dma_start3A_189 = arith.constant 0 : i32
      %dma_start3A_190 = arith.constant 0 : i32
      %dma_start3A_191 = tpu.memref_slice %arg15[%run_scoped3A_34, %dma_start3A_189, %dma_start3A_190] : memref<2x200x128xf32, #tpu.memory_space<vmem>> -> memref<1x2x128xf32, #tpu.memory_space<vmem>>
      %dma_start3A_192 = tpu.memref_squeeze %dma_start3A_191 : memref<1x2x128xf32, #tpu.memory_space<vmem>> -> memref<2x128xf32, #tpu.memory_space<vmem>>
      %dma_start3A_193 = arith.constant 0 : i32
      %dma_start3A_194 = arith.constant 0 : i32
      %dma_start3A_195 = tpu.memref_slice %arg15[%run_scoped3A_34, %dma_start3A_193, %dma_start3A_194] : memref<2x200x128xf32, #tpu.memory_space<vmem>> -> memref<1x2x128xf32, #tpu.memory_space<vmem>>
      %dma_start3A_196 = tpu.memref_squeeze %dma_start3A_195 : memref<1x2x128xf32, #tpu.memory_space<vmem>> -> memref<2x128xf32, #tpu.memory_space<vmem>>
      tpu.enqueue_dma source(%arg6 : memref<2x128xf32, #tpu.memory_space<hbm>>) target(%dma_start3A_196 : memref<2x128xf32, #tpu.memory_space<vmem>>) target_semaphore(%run_scoped3A_188 : memref<!tpu.dma_semaphore, #tpu.memory_space<semaphore_mem>>)
      %dma_wait3A_197 = arith.constant 0 : i32
      %dma_wait3A_198 = arith.constant 0 : i32
      %dma_wait3A_199 = tpu.memref_slice %arg15[%run_scoped3A_34, %dma_wait3A_197, %dma_wait3A_198] : memref<2x200x128xf32, #tpu.memory_space<vmem>> -> memref<1x2x128xf32, #tpu.memory_space<vmem>>
      %dma_wait3A_200 = tpu.memref_squeeze %dma_wait3A_199 : memref<1x2x128xf32, #tpu.memory_space<vmem>> -> memref<2x128xf32, #tpu.memory_space<vmem>>
      %dma_wait3A_201 = arith.constant 0 : i32
      %dma_wait3A_202 = arith.constant 0 : i32
      %dma_wait3A_203 = tpu.memref_slice %arg15[%run_scoped3A_34, %dma_wait3A_201, %dma_wait3A_202] : memref<2x200x128xf32, #tpu.memory_space<vmem>> -> memref<1x2x128xf32, #tpu.memory_space<vmem>>
      %dma_wait3A_204 = tpu.memref_squeeze %dma_wait3A_203 : memref<1x2x128xf32, #tpu.memory_space<vmem>> -> memref<2x128xf32, #tpu.memory_space<vmem>>
      tpu.wait_dma2 semaphore(%run_scoped3A_188 : memref<!tpu.dma_semaphore, #tpu.memory_space<semaphore_mem>>) src(%arg6 : memref<2x128xf32, #tpu.memory_space<hbm>>) dst(%dma_wait3A_204 : memref<2x128xf32, #tpu.memory_space<vmem>>)
      tpu.yield
    }) : () -> ()
    %get3A_35 = arith.constant 0 : i32
    %get3A_36 = arith.constant 0 : i32
    %get3A_37 = arith.index_cast %get3A_35 : i32 to index
    %get3A_38 = arith.index_cast %get3A_36 : i32 to index
    %get3A_39 = arith.constant 0 : index
    %get3A_40 = tpu.vector_load %arg15[%get3A_37, %get3A_38, %get3A_39] {strides = array<i32>} : memref<2x200x128xf32, #tpu.memory_space<vmem>>, vector<16xf32>,
    %get3A_41 = arith.constant 0 : i32
    %get3A_42 = arith.constant 0 : i32
    %get3A_43 = arith.index_cast %get3A_41 : i32 to index
    %get3A_44 = arith.index_cast %get3A_42 : i32 to index
    %get3A_45 = arith.constant 16 : index
    %get3A_46 = tpu.vector_load %arg15[%get3A_43, %get3A_44, %get3A_45] {strides = array<i32>} : memref<2x200x128xf32, #tpu.memory_space<vmem>>, vector<16xf32>,
    %get3A_47 = arith.constant 0 : i32
    %get3A_48 = arith.constant 0 : i32
    %get3A_49 = arith.index_cast %get3A_47 : i32 to index
    %get3A_50 = arith.index_cast %get3A_48 : i32 to index
    %get3A_51 = arith.constant 32 : index
    %get3A_52 = tpu.vector_load %arg15[%get3A_49, %get3A_50, %get3A_51] {strides = array<i32>} : memref<2x200x128xf32, #tpu.memory_space<vmem>>, vector<16xf32>,
    %get3A_53 = arith.constant 0 : i32
    %get3A_54 = arith.constant 0 : i32
    %get3A_55 = arith.index_cast %get3A_53 : i32 to index
    %get3A_56 = arith.index_cast %get3A_54 : i32 to index
    %get3A_57 = arith.constant 48 : index
    %get3A_58 = tpu.vector_load %arg15[%get3A_55, %get3A_56, %get3A_57] {strides = array<i32>} : memref<2x200x128xf32, #tpu.memory_space<vmem>>, vector<16xf32>,
    %get3A_59 = arith.constant 0 : i32
    %get3A_60 = arith.constant 0 : i32
    %get3A_61 = arith.index_cast %get3A_59 : i32 to index
    %get3A_62 = arith.index_cast %get3A_60 : i32 to index
    %get3A_63 = arith.constant 64 : index
    %get3A_64 = tpu.vector_load %arg15[%get3A_61, %get3A_62, %get3A_63] {strides = array<i32>} : memref<2x200x128xf32, #tpu.memory_space<vmem>>, vector<16xf32>,
    %get3A_65 = arith.constant 0 : i32
    %get3A_66 = arith.constant 0 : i32
    %get3A_67 = arith.index_cast %get3A_65 : i32 to index
    %get3A_68 = arith.index_cast %get3A_66 : i32 to index
    %get3A_69 = arith.constant 80 : index
    %get3A_70 = tpu.vector_load %arg15[%get3A_67, %get3A_68, %get3A_69] {strides = array<i32>} : memref<2x200x128xf32, #tpu.memory_space<vmem>>, vector<16xf32>,
    %get3A_71 = arith.constant 0 : i32
    %get3A_72 = arith.constant 0 : i32
    %get3A_73 = arith.index_cast %get3A_71 : i32 to index
    %get3A_74 = arith.index_cast %get3A_72 : i32 to index
    %get3A_75 = arith.constant 96 : index
    %get3A_76 = tpu.vector_load %arg15[%get3A_73, %get3A_74, %get3A_75] {strides = array<i32>} : memref<2x200x128xf32, #tpu.memory_space<vmem>>, vector<16xf32>,
    %get3A_77 = arith.constant 0 : i32
    %get3A_78 = arith.constant 0 : i32
    %get3A_79 = arith.index_cast %get3A_77 : i32 to index
    %get3A_80 = arith.index_cast %get3A_78 : i32 to index
    %get3A_81 = arith.constant 112 : index
    %get3A_82 = tpu.vector_load %arg15[%get3A_79, %get3A_80, %get3A_81] {strides = array<i32>} : memref<2x200x128xf32, #tpu.memory_space<vmem>>, vector<16xf32>,
    %get3A_83 = arith.constant 0 : i32
    %get3A_84 = arith.constant 1 : i32
    %get3A_85 = arith.index_cast %get3A_83 : i32 to index
    %get3A_86 = arith.index_cast %get3A_84 : i32 to index
    %get3A_87 = arith.constant 0 : index
    %get3A_88 = tpu.vector_load %arg15[%get3A_85, %get3A_86, %get3A_87] {strides = array<i32>} : memref<2x200x128xf32, #tpu.memory_space<vmem>>, vector<16xf32>,
    %get3A_89 = arith.constant 0 : i32
    %get3A_90 = arith.constant 1 : i32
    %get3A_91 = arith.index_cast %get3A_89 : i32 to index
    %get3A_92 = arith.index_cast %get3A_90 : i32 to index
    %get3A_93 = arith.constant 16 : index
    %get3A_94 = tpu.vector_load %arg15[%get3A_91, %get3A_92, %get3A_93] {strides = array<i32>} : memref<2x200x128xf32, #tpu.memory_space<vmem>>, vector<16xf32>,
    %get3A_95 = arith.constant 0 : i32
    %get3A_96 = arith.constant 1 : i32
    %get3A_97 = arith.index_cast %get3A_95 : i32 to index
    %get3A_98 = arith.index_cast %get3A_96 : i32 to index
    %get3A_99 = arith.constant 32 : index
    %get3A_100 = tpu.vector_load %arg15[%get3A_97, %get3A_98, %get3A_99] {strides = array<i32>} : memref<2x200x128xf32, #tpu.memory_space<vmem>>, vector<16xf32>,
    %get3A_101 = arith.constant 0 : i32
    %get3A_102 = arith.constant 1 : i32
    %get3A_103 = arith.index_cast %get3A_101 : i32 to index
    %get3A_104 = arith.index_cast %get3A_102 : i32 to index
    %get3A_105 = arith.constant 48 : index
    %get3A_106 = tpu.vector_load %arg15[%get3A_103, %get3A_104, %get3A_105] {strides = array<i32>} : memref<2x200x128xf32, #tpu.memory_space<vmem>>, vector<16xf32>,
    %get3A_107 = arith.constant 0 : i32
    %get3A_108 = arith.constant 1 : i32
    %get3A_109 = arith.index_cast %get3A_107 : i32 to index
    %get3A_110 = arith.index_cast %get3A_108 : i32 to index
    %get3A_111 = arith.constant 64 : index
    %get3A_112 = tpu.vector_load %arg15[%get3A_109, %get3A_110, %get3A_111] {strides = array<i32>} : memref<2x200x128xf32, #tpu.memory_space<vmem>>, vector<16xf32>,
    %get3A_113 = arith.constant 0 : i32
    %get3A_114 = arith.constant 1 : i32
    %get3A_115 = arith.index_cast %get3A_113 : i32 to index
    %get3A_116 = arith.index_cast %get3A_114 : i32 to index
    %get3A_117 = arith.constant 80 : index
    %get3A_118 = tpu.vector_load %arg15[%get3A_115, %get3A_116, %get3A_117] {strides = array<i32>} : memref<2x200x128xf32, #tpu.memory_space<vmem>>, vector<16xf32>,
    %get3A_119 = arith.constant 0 : i32
    %get3A_120 = arith.constant 1 : i32
    %get3A_121 = arith.index_cast %get3A_119 : i32 to index
    %get3A_122 = arith.index_cast %get3A_120 : i32 to index
    %get3A_123 = arith.constant 96 : index
    %get3A_124 = tpu.vector_load %arg15[%get3A_121, %get3A_122, %get3A_123] {strides = array<i32>} : memref<2x200x128xf32, #tpu.memory_space<vmem>>, vector<16xf32>,
    %get3A_125 = arith.constant 0 : i32
    %get3A_126 = arith.constant 1 : i32
    %get3A_127 = arith.index_cast %get3A_125 : i32 to index
    %get3A_128 = arith.index_cast %get3A_126 : i32 to index
    %get3A_129 = arith.constant 112 : index
    %get3A_130 = tpu.vector_load %arg15[%get3A_127, %get3A_128, %get3A_129] {strides = array<i32>} : memref<2x200x128xf32, #tpu.memory_space<vmem>>, vector<16xf32>,
    %parallel_loop3A = arith.constant 0 : i32
    %parallel_loop3A_131 = arith.constant 200 : i32
    %parallel_loop3A_132 = arith.constant 1 : i32
    scf.for %parallel_loop3A_188 = %parallel_loop3A to %parallel_loop3A_131 step %parallel_loop3A_132  : i32 {
      %parallel_loop3A_189 = arith.constant 0 : i32
      %parallel_loop3A_190 = arith.index_cast %parallel_loop3A_189 : i32 to index
      %parallel_loop3A_191 = arith.index_cast %parallel_loop3A_188 : i32 to index
      %parallel_loop3A_192 = arith.constant 0 : index
      %parallel_loop3A_193 = tpu.vector_load %arg10[%parallel_loop3A_190, %parallel_loop3A_191, %parallel_loop3A_192] {strides = array<i32>} : memref<2x200x128xf32, #tpu.memory_space<vmem>>, vector<16xf32>,
      %parallel_loop3A_194 = arith.addf %parallel_loop3A_193, %get3A_88 : vector<16xf32>
      %parallel_loop3A_195 = arith.constant 1 : i32
      %parallel_loop3A_196 = arith.index_cast %parallel_loop3A_195 : i32 to index
      %parallel_loop3A_197 = arith.index_cast %parallel_loop3A_188 : i32 to index
      %parallel_loop3A_198 = arith.constant 0 : index
      %parallel_loop3A_199 = tpu.vector_load %arg10[%parallel_loop3A_196, %parallel_loop3A_197, %parallel_loop3A_198] {strides = array<i32>} : memref<2x200x128xf32, #tpu.memory_space<vmem>>, vector<16xf32>,
      tpu.vector_store %arg10[%parallel_loop3A_196, %parallel_loop3A_197, %parallel_loop3A_198], %parallel_loop3A_194 {strides = array<i32>} : memref<2x200x128xf32, #tpu.memory_space<vmem>>, vector<16xf32>,
      %parallel_loop3A_200 = arith.addf %parallel_loop3A_193, %get3A_40 : vector<16xf32>
      %parallel_loop3A_201 = arith.constant 0 : i32
      %parallel_loop3A_202 = arith.index_cast %parallel_loop3A_201 : i32 to index
      %parallel_loop3A_203 = arith.index_cast %parallel_loop3A_188 : i32 to index
      %parallel_loop3A_204 = arith.constant 0 : index
      %parallel_loop3A_205 = tpu.vector_load %arg10[%parallel_loop3A_202, %parallel_loop3A_203, %parallel_loop3A_204] {strides = array<i32>} : memref<2x200x128xf32, #tpu.memory_space<vmem>>, vector<16xf32>,
      tpu.vector_store %arg10[%parallel_loop3A_202, %parallel_loop3A_203, %parallel_loop3A_204], %parallel_loop3A_200 {strides = array<i32>} : memref<2x200x128xf32, #tpu.memory_space<vmem>>, vector<16xf32>,
      %parallel_loop3A_206 = arith.constant 0 : i32
      %parallel_loop3A_207 = arith.index_cast %parallel_loop3A_206 : i32 to index
      %parallel_loop3A_208 = arith.index_cast %parallel_loop3A_188 : i32 to index
      %parallel_loop3A_209 = arith.constant 16 : index
      %parallel_loop3A_210 = tpu.vector_load %arg10[%parallel_loop3A_207, %parallel_loop3A_208, %parallel_loop3A_209] {strides = array<i32>} : memref<2x200x128xf32, #tpu.memory_space<vmem>>, vector<16xf32>,
      %parallel_loop3A_211 = arith.addf %parallel_loop3A_210, %get3A_94 : vector<16xf32>
      %parallel_loop3A_212 = arith.constant 1 : i32
      %parallel_loop3A_213 = arith.index_cast %parallel_loop3A_212 : i32 to index
      %parallel_loop3A_214 = arith.index_cast %parallel_loop3A_188 : i32 to index
      %parallel_loop3A_215 = arith.constant 16 : index
      %parallel_loop3A_216 = tpu.vector_load %arg10[%parallel_loop3A_213, %parallel_loop3A_214, %parallel_loop3A_215] {strides = array<i32>} : memref<2x200x128xf32, #tpu.memory_space<vmem>>, vector<16xf32>,
      tpu.vector_store %arg10[%parallel_loop3A_213, %parallel_loop3A_214, %parallel_loop3A_215], %parallel_loop3A_211 {strides = array<i32>} : memref<2x200x128xf32, #tpu.memory_space<vmem>>, vector<16xf32>,
      %parallel_loop3A_217 = arith.addf %parallel_loop3A_210, %get3A_46 : vector<16xf32>
      %parallel_loop3A_218 = arith.constant 0 : i32
      %parallel_loop3A_219 = arith.index_cast %parallel_loop3A_218 : i32 to index
      %parallel_loop3A_220 = arith.index_cast %parallel_loop3A_188 : i32 to index
      %parallel_loop3A_221 = arith.constant 16 : index
      %parallel_loop3A_222 = tpu.vector_load %arg10[%parallel_loop3A_219, %parallel_loop3A_220, %parallel_loop3A_221] {strides = array<i32>} : memref<2x200x128xf32, #tpu.memory_space<vmem>>, vector<16xf32>,
      tpu.vector_store %arg10[%parallel_loop3A_219, %parallel_loop3A_220, %parallel_loop3A_221], %parallel_loop3A_217 {strides = array<i32>} : memref<2x200x128xf32, #tpu.memory_space<vmem>>, vector<16xf32>,
      %parallel_loop3A_223 = arith.constant 0 : i32
      %parallel_loop3A_224 = arith.index_cast %parallel_loop3A_223 : i32 to index
      %parallel_loop3A_225 = arith.index_cast %parallel_loop3A_188 : i32 to index
      %parallel_loop3A_226 = arith.constant 32 : index
      %parallel_loop3A_227 = tpu.vector_load %arg10[%parallel_loop3A_224, %parallel_loop3A_225, %parallel_loop3A_226] {strides = array<i32>} : memref<2x200x128xf32, #tpu.memory_space<vmem>>, vector<16xf32>,
      %parallel_loop3A_228 = arith.addf %parallel_loop3A_227, %get3A_100 : vector<16xf32>
      %parallel_loop3A_229 = arith.constant 1 : i32
      %parallel_loop3A_230 = arith.index_cast %parallel_loop3A_229 : i32 to index
      %parallel_loop3A_231 = arith.index_cast %parallel_loop3A_188 : i32 to index
      %parallel_loop3A_232 = arith.constant 32 : index
      %parallel_loop3A_233 = tpu.vector_load %arg10[%parallel_loop3A_230, %parallel_loop3A_231, %parallel_loop3A_232] {strides = array<i32>} : memref<2x200x128xf32, #tpu.memory_space<vmem>>, vector<16xf32>,
      tpu.vector_store %arg10[%parallel_loop3A_230, %parallel_loop3A_231, %parallel_loop3A_232], %parallel_loop3A_228 {strides = array<i32>} : memref<2x200x128xf32, #tpu.memory_space<vmem>>, vector<16xf32>,
      %parallel_loop3A_234 = arith.addf %parallel_loop3A_227, %get3A_52 : vector<16xf32>
      %parallel_loop3A_235 = arith.constant 0 : i32
      %parallel_loop3A_236 = arith.index_cast %parallel_loop3A_235 : i32 to index
      %parallel_loop3A_237 = arith.index_cast %parallel_loop3A_188 : i32 to index
      %parallel_loop3A_238 = arith.constant 32 : index
      %parallel_loop3A_239 = tpu.vector_load %arg10[%parallel_loop3A_236, %parallel_loop3A_237, %parallel_loop3A_238] {strides = array<i32>} : memref<2x200x128xf32, #tpu.memory_space<vmem>>, vector<16xf32>,
      tpu.vector_store %arg10[%parallel_loop3A_236, %parallel_loop3A_237, %parallel_loop3A_238], %parallel_loop3A_234 {strides = array<i32>} : memref<2x200x128xf32, #tpu.memory_space<vmem>>, vector<16xf32>,
      %parallel_loop3A_240 = arith.constant 0 : i32
      %parallel_loop3A_241 = arith.index_cast %parallel_loop3A_240 : i32 to index
      %parallel_loop3A_242 = arith.index_cast %parallel_loop3A_188 : i32 to index
      %parallel_loop3A_243 = arith.constant 48 : index
      %parallel_loop3A_244 = tpu.vector_load %arg10[%parallel_loop3A_241, %parallel_loop3A_242, %parallel_loop3A_243] {strides = array<i32>} : memref<2x200x128xf32, #tpu.memory_space<vmem>>, vector<16xf32>,
      %parallel_loop3A_245 = arith.addf %parallel_loop3A_244, %get3A_106 : vector<16xf32>
      %parallel_loop3A_246 = arith.constant 1 : i32
      %parallel_loop3A_247 = arith.index_cast %parallel_loop3A_246 : i32 to index
      %parallel_loop3A_248 = arith.index_cast %parallel_loop3A_188 : i32 to index
      %parallel_loop3A_249 = arith.constant 48 : index
      %parallel_loop3A_250 = tpu.vector_load %arg10[%parallel_loop3A_247, %parallel_loop3A_248, %parallel_loop3A_249] {strides = array<i32>} : memref<2x200x128xf32, #tpu.memory_space<vmem>>, vector<16xf32>,
      tpu.vector_store %arg10[%parallel_loop3A_247, %parallel_loop3A_248, %parallel_loop3A_249], %parallel_loop3A_245 {strides = array<i32>} : memref<2x200x128xf32, #tpu.memory_space<vmem>>, vector<16xf32>,
      %parallel_loop3A_251 = arith.addf %parallel_loop3A_244, %get3A_58 : vector<16xf32>
      %parallel_loop3A_252 = arith.constant 0 : i32
      %parallel_loop3A_253 = arith.index_cast %parallel_loop3A_252 : i32 to index
      %parallel_loop3A_254 = arith.index_cast %parallel_loop3A_188 : i32 to index
      %parallel_loop3A_255 = arith.constant 48 : index
      %parallel_loop3A_256 = tpu.vector_load %arg10[%parallel_loop3A_253, %parallel_loop3A_254, %parallel_loop3A_255] {strides = array<i32>} : memref<2x200x128xf32, #tpu.memory_space<vmem>>, vector<16xf32>,
      tpu.vector_store %arg10[%parallel_loop3A_253, %parallel_loop3A_254, %parallel_loop3A_255], %parallel_loop3A_251 {strides = array<i32>} : memref<2x200x128xf32, #tpu.memory_space<vmem>>, vector<16xf32>,
      %parallel_loop3A_257 = arith.constant 0 : i32
      %parallel_loop3A_258 = arith.index_cast %parallel_loop3A_257 : i32 to index
      %parallel_loop3A_259 = arith.index_cast %parallel_loop3A_188 : i32 to index
      %parallel_loop3A_260 = arith.constant 64 : index
      %parallel_loop3A_261 = tpu.vector_load %arg10[%parallel_loop3A_258, %parallel_loop3A_259, %parallel_loop3A_260] {strides = array<i32>} : memref<2x200x128xf32, #tpu.memory_space<vmem>>, vector<16xf32>,
      %parallel_loop3A_262 = arith.addf %parallel_loop3A_261, %get3A_112 : vector<16xf32>
      %parallel_loop3A_263 = arith.constant 1 : i32
      %parallel_loop3A_264 = arith.index_cast %parallel_loop3A_263 : i32 to index
      %parallel_loop3A_265 = arith.index_cast %parallel_loop3A_188 : i32 to index
      %parallel_loop3A_266 = arith.constant 64 : index
      %parallel_loop3A_267 = tpu.vector_load %arg10[%parallel_loop3A_264, %parallel_loop3A_265, %parallel_loop3A_266] {strides = array<i32>} : memref<2x200x128xf32, #tpu.memory_space<vmem>>, vector<16xf32>,
      tpu.vector_store %arg10[%parallel_loop3A_264, %parallel_loop3A_265, %parallel_loop3A_266], %parallel_loop3A_262 {strides = array<i32>} : memref<2x200x128xf32, #tpu.memory_space<vmem>>, vector<16xf32>,
      %parallel_loop3A_268 = arith.addf %parallel_loop3A_261, %get3A_64 : vector<16xf32>
      %parallel_loop3A_269 = arith.constant 0 : i32
      %parallel_loop3A_270 = arith.index_cast %parallel_loop3A_269 : i32 to index
      %parallel_loop3A_271 = arith.index_cast %parallel_loop3A_188 : i32 to index
      %parallel_loop3A_272 = arith.constant 64 : index
      %parallel_loop3A_273 = tpu.vector_load %arg10[%parallel_loop3A_270, %parallel_loop3A_271, %parallel_loop3A_272] {strides = array<i32>} : memref<2x200x128xf32, #tpu.memory_space<vmem>>, vector<16xf32>,
      tpu.vector_store %arg10[%parallel_loop3A_270, %parallel_loop3A_271, %parallel_loop3A_272], %parallel_loop3A_268 {strides = array<i32>} : memref<2x200x128xf32, #tpu.memory_space<vmem>>, vector<16xf32>,
      %parallel_loop3A_274 = arith.constant 0 : i32
      %parallel_loop3A_275 = arith.index_cast %parallel_loop3A_274 : i32 to index
      %parallel_loop3A_276 = arith.index_cast %parallel_loop3A_188 : i32 to index
      %parallel_loop3A_277 = arith.constant 80 : index
      %parallel_loop3A_278 = tpu.vector_load %arg10[%parallel_loop3A_275, %parallel_loop3A_276, %parallel_loop3A_277] {strides = array<i32>} : memref<2x200x128xf32, #tpu.memory_space<vmem>>, vector<16xf32>,
      %parallel_loop3A_279 = arith.addf %parallel_loop3A_278, %get3A_118 : vector<16xf32>
      %parallel_loop3A_280 = arith.constant 1 : i32
      %parallel_loop3A_281 = arith.index_cast %parallel_loop3A_280 : i32 to index
      %parallel_loop3A_282 = arith.index_cast %parallel_loop3A_188 : i32 to index
      %parallel_loop3A_283 = arith.constant 80 : index
      %parallel_loop3A_284 = tpu.vector_load %arg10[%parallel_loop3A_281, %parallel_loop3A_282, %parallel_loop3A_283] {strides = array<i32>} : memref<2x200x128xf32, #tpu.memory_space<vmem>>, vector<16xf32>,
      tpu.vector_store %arg10[%parallel_loop3A_281, %parallel_loop3A_282, %parallel_loop3A_283], %parallel_loop3A_279 {strides = array<i32>} : memref<2x200x128xf32, #tpu.memory_space<vmem>>, vector<16xf32>,
      %parallel_loop3A_285 = arith.addf %parallel_loop3A_278, %get3A_70 : vector<16xf32>
      %parallel_loop3A_286 = arith.constant 0 : i32
      %parallel_loop3A_287 = arith.index_cast %parallel_loop3A_286 : i32 to index
      %parallel_loop3A_288 = arith.index_cast %parallel_loop3A_188 : i32 to index
      %parallel_loop3A_289 = arith.constant 80 : index
      %parallel_loop3A_290 = tpu.vector_load %arg10[%parallel_loop3A_287, %parallel_loop3A_288, %parallel_loop3A_289] {strides = array<i32>} : memref<2x200x128xf32, #tpu.memory_space<vmem>>, vector<16xf32>,
      tpu.vector_store %arg10[%parallel_loop3A_287, %parallel_loop3A_288, %parallel_loop3A_289], %parallel_loop3A_285 {strides = array<i32>} : memref<2x200x128xf32, #tpu.memory_space<vmem>>, vector<16xf32>,
      %parallel_loop3A_291 = arith.constant 0 : i32
      %parallel_loop3A_292 = arith.index_cast %parallel_loop3A_291 : i32 to index
      %parallel_loop3A_293 = arith.index_cast %parallel_loop3A_188 : i32 to index
      %parallel_loop3A_294 = arith.constant 96 : index
      %parallel_loop3A_295 = tpu.vector_load %arg10[%parallel_loop3A_292, %parallel_loop3A_293, %parallel_loop3A_294] {strides = array<i32>} : memref<2x200x128xf32, #tpu.memory_space<vmem>>, vector<16xf32>,
      %parallel_loop3A_296 = arith.addf %parallel_loop3A_295, %get3A_124 : vector<16xf32>
      %parallel_loop3A_297 = arith.constant 1 : i32
      %parallel_loop3A_298 = arith.index_cast %parallel_loop3A_297 : i32 to index
      %parallel_loop3A_299 = arith.index_cast %parallel_loop3A_188 : i32 to index
      %parallel_loop3A_300 = arith.constant 96 : index
      %parallel_loop3A_301 = tpu.vector_load %arg10[%parallel_loop3A_298, %parallel_loop3A_299, %parallel_loop3A_300] {strides = array<i32>} : memref<2x200x128xf32, #tpu.memory_space<vmem>>, vector<16xf32>,
      tpu.vector_store %arg10[%parallel_loop3A_298, %parallel_loop3A_299, %parallel_loop3A_300], %parallel_loop3A_296 {strides = array<i32>} : memref<2x200x128xf32, #tpu.memory_space<vmem>>, vector<16xf32>,
      %parallel_loop3A_302 = arith.addf %parallel_loop3A_295, %get3A_76 : vector<16xf32>
      %parallel_loop3A_303 = arith.constant 0 : i32
      %parallel_loop3A_304 = arith.index_cast %parallel_loop3A_303 : i32 to index
      %parallel_loop3A_305 = arith.index_cast %parallel_loop3A_188 : i32 to index
      %parallel_loop3A_306 = arith.constant 96 : index
      %parallel_loop3A_307 = tpu.vector_load %arg10[%parallel_loop3A_304, %parallel_loop3A_305, %parallel_loop3A_306] {strides = array<i32>} : memref<2x200x128xf32, #tpu.memory_space<vmem>>, vector<16xf32>,
      tpu.vector_store %arg10[%parallel_loop3A_304, %parallel_loop3A_305, %parallel_loop3A_306], %parallel_loop3A_302 {strides = array<i32>} : memref<2x200x128xf32, #tpu.memory_space<vmem>>, vector<16xf32>,
      %parallel_loop3A_308 = arith.constant 0 : i32
      %parallel_loop3A_309 = arith.index_cast %parallel_loop3A_308 : i32 to index
      %parallel_loop3A_310 = arith.index_cast %parallel_loop3A_188 : i32 to index
      %parallel_loop3A_311 = arith.constant 112 : index
      %parallel_loop3A_312 = tpu.vector_load %arg10[%parallel_loop3A_309, %parallel_loop3A_310, %parallel_loop3A_311] {strides = array<i32>} : memref<2x200x128xf32, #tpu.memory_space<vmem>>, vector<16xf32>,
      %parallel_loop3A_313 = arith.addf %parallel_loop3A_312, %get3A_130 : vector<16xf32>
      %parallel_loop3A_314 = arith.constant 1 : i32
      %parallel_loop3A_315 = arith.index_cast %parallel_loop3A_314 : i32 to index
      %parallel_loop3A_316 = arith.index_cast %parallel_loop3A_188 : i32 to index
      %parallel_loop3A_317 = arith.constant 112 : index
      %parallel_loop3A_318 = tpu.vector_load %arg10[%parallel_loop3A_315, %parallel_loop3A_316, %parallel_loop3A_317] {strides = array<i32>} : memref<2x200x128xf32, #tpu.memory_space<vmem>>, vector<16xf32>,
      tpu.vector_store %arg10[%parallel_loop3A_315, %parallel_loop3A_316, %parallel_loop3A_317], %parallel_loop3A_313 {strides = array<i32>} : memref<2x200x128xf32, #tpu.memory_space<vmem>>, vector<16xf32>,
      %parallel_loop3A_319 = arith.addf %parallel_loop3A_312, %get3A_82 : vector<16xf32>
      %parallel_loop3A_320 = arith.constant 0 : i32
      %parallel_loop3A_321 = arith.index_cast %parallel_loop3A_320 : i32 to index
      %parallel_loop3A_322 = arith.index_cast %parallel_loop3A_188 : i32 to index
      %parallel_loop3A_323 = arith.constant 112 : index
      %parallel_loop3A_324 = tpu.vector_load %arg10[%parallel_loop3A_321, %parallel_loop3A_322, %parallel_loop3A_323] {strides = array<i32>} : memref<2x200x128xf32, #tpu.memory_space<vmem>>, vector<16xf32>,
      tpu.vector_store %arg10[%parallel_loop3A_321, %parallel_loop3A_322, %parallel_loop3A_323], %parallel_loop3A_319 {strides = array<i32>} : memref<2x200x128xf32, #tpu.memory_space<vmem>>, vector<16xf32>,
    } {sc.loop_unroll_factor = 4 : i64, sc.parallel_access}
    %iota3A = tpu.iota {dimensions = array<i32: 0>} : vector<16xi32>
    %eq3A = arith.constant 15 : i32
    %eq3A_133 = vector.broadcast %eq3A : i32 to vector<16xi32>
    %eq3A_134 = arith.cmpi eq, %iota3A, %eq3A_133 : vector<16xi32>
    %dma_start3A = arith.constant 0 : i32
    %dma_start3A_135 = arith.constant 0 : i32
    %dma_start3A_136 = arith.constant 0 : i32
    %dma_start3A_137 = arith.constant 0 : i32
    %dma_start3A_138 = tpu.memref_slice %arg15[%dma_start3A, %dma_start3A_136, %dma_start3A_137] : memref<2x200x128xf32, #tpu.memory_space<vmem>> -> memref<1x200x128xf32, #tpu.memory_space<vmem>>
    %dma_start3A_139 = tpu.memref_squeeze %dma_start3A_138 : memref<1x200x128xf32, #tpu.memory_space<vmem>> -> memref<200x128xf32, #tpu.memory_space<vmem>>
    %dma_start3A_140 = arith.constant 0 : i32
    %dma_start3A_141 = tpu.memref_slice %arg13[%dma_start3A_140] : memref<6400xi32, #tpu.memory_space<vmem>> -> memref<200xi32, #tpu.memory_space<vmem>>
    %dma_start3A_142 = arith.constant 0 : i32
    %dma_start3A_143 = arith.constant 0 : i32
    %dma_start3A_144 = tpu.memref_slice %arg4[%dma_start3A_142, %dma_start3A_143] : memref<100000x128xf32, #tpu.memory_space<hbm>> -> memref<100000x128xf32, #tpu.memory_space<hbm>>
    %dma_start3A_145 = tpu.memref_slice %arg18[%dma_start3A_135] : memref<2x!tpu.dma_semaphore, #tpu.memory_space<semaphore_mem>> -> memref<1x!tpu.dma_semaphore, #tpu.memory_space<semaphore_mem>>
    %dma_start3A_146 = tpu.memref_squeeze %dma_start3A_145 : memref<1x!tpu.dma_semaphore, #tpu.memory_space<semaphore_mem>> -> memref<!tpu.dma_semaphore, #tpu.memory_space<semaphore_mem>>
    tpu.enqueue_indirect_dma source(%dma_start3A_144 : memref<100000x128xf32, #tpu.memory_space<hbm>>) target(%dma_start3A_139 : memref<200x128xf32, #tpu.memory_space<vmem>>) offsets(%dma_start3A_141 : memref<200xi32, #tpu.memory_space<vmem>>) semaphore(%dma_start3A_146 : memref<!tpu.dma_semaphore, #tpu.memory_space<semaphore_mem>>)
    %scan3A = arith.constant 0 : i32
    %scan3A_147 = arith.constant 0 : i32
    %scan3A_148 = arith.constant 32 : i32
    %scan3A_149 = arith.addi %scan3A_147, %scan3A_148 : i32
    %scan3A_150 = arith.constant 1 : i32
    %scan3A_151 = scf.for %scan3A_188 = %scan3A_147 to %scan3A_149 step %scan3A_150 iter_args(%scan3A_189 = %scan3A) -> (i32)  : i32 {
      %jit3A = arith.constant 2 : i32
      %eq3A_190 = arith.constant 0 : i32
      %eq3A_191 = arith.cmpi eq, %jit3A, %eq3A_190 : i32
      %jit3A_192 = arith.constant 1 : i32
      %select_n3A = arith.select %eq3A_191, %jit3A_192, %jit3A : i32
      %rem3A = arith.remsi %scan3A_188, %select_n3A : i32
      %ne3A = arith.constant 0 : i32
      %ne3A_193 = arith.cmpi ne, %rem3A, %ne3A : i32
      %lt3A = arith.constant 0 : i32
      %lt3A_194 = arith.cmpi slt, %rem3A, %lt3A : i32
      %lt3A_195 = arith.constant 0 : i32
      %lt3A_196 = arith.cmpi slt, %select_n3A, %lt3A_195 : i32
      %ne3A_197 = arith.xori %lt3A_194, %lt3A_196 : i1
      %and3A = arith.andi %ne3A_197, %ne3A_193 : i1
      %add3A_198 = arith.addi %rem3A, %select_n3A : i32
      %select_n3A_199 = arith.select %and3A, %add3A_198, %rem3A : i32
      %sub3A = arith.constant 1 : i32
      %sub3A_200 = arith.subi %sub3A, %select_n3A_199 : i32
      %add3A_201 = arith.constant 1 : i32
      %add3A_202 = arith.addi %scan3A_188, %add3A_201 : i32
      %lt3A_203 = arith.constant 32 : i32
      %lt3A_204 = arith.cmpi slt, %add3A_202, %lt3A_203 : i32
      %convert_element_type3A = arith.extui %lt3A_204 : i1 to i32
      %cond3A = arith.constant 0 : i32
      %cond3A_205 = arith.cmpi ne, %convert_element_type3A, %cond3A : i32
      scf.if %cond3A_205 {
        %ge3A = arith.constant 1 : i32
        %ge3A_245 = arith.cmpi sge, %scan3A_188, %ge3A : i32
        %convert_element_type3A_246 = arith.extui %ge3A_245 : i1 to i32
        %cond3A_247 = arith.constant 0 : i32
        %cond3A_248 = arith.cmpi ne, %convert_element_type3A_246, %cond3A_247 : i32
        scf.if %cond3A_248 {
          %sub3A_263 = arith.constant 1 : i32
          %sub3A_264 = arith.subi %scan3A_188, %sub3A_263 : i32
          %mul3A_265 = arith.constant 200 : i32
          %mul3A_266 = arith.muli %sub3A_264, %mul3A_265 : i32
          %add3A_267 = arith.addi %mul3A_2, %mul3A_266 : i32
          %dma_wait3A_268 = arith.constant 0 : i32
          %dma_wait3A_269 = arith.constant 0 : i32
          %dma_wait3A_270 = tpu.memref_slice %arg15[%sub3A_200, %dma_wait3A_268, %dma_wait3A_269] : memref<2x200x128xf32, #tpu.memory_space<vmem>> -> memref<1x200x128xf32, #tpu.memory_space<vmem>>
          %dma_wait3A_271 = tpu.memref_squeeze %dma_wait3A_270 : memref<1x200x128xf32, #tpu.memory_space<vmem>> -> memref<200x128xf32, #tpu.memory_space<vmem>>
          %dma_wait3A_272 = arith.constant 0 : i32
          %dma_wait3A_273 = tpu.memref_slice %arg9[%add3A_267, %dma_wait3A_272] : memref<204800x128xf32, #tpu.memory_space<hbm>> -> memref<200x128xf32, #tpu.memory_space<hbm>>
          %dma_wait3A_274 = tpu.memref_slice %arg19[%sub3A_200] : memref<2x!tpu.dma_semaphore, #tpu.memory_space<semaphore_mem>> -> memref<1x!tpu.dma_semaphore, #tpu.memory_space<semaphore_mem>>
          %dma_wait3A_275 = tpu.memref_squeeze %dma_wait3A_274 : memref<1x!tpu.dma_semaphore, #tpu.memory_space<semaphore_mem>> -> memref<!tpu.dma_semaphore, #tpu.memory_space<semaphore_mem>>
          %dma_wait3A_276 = arith.constant 0 : i32
          %dma_wait3A_277 = tpu.memref_slice %arg9[%add3A_267, %dma_wait3A_276] : memref<204800x128xf32, #tpu.memory_space<hbm>> -> memref<200x128xf32, #tpu.memory_space<hbm>>
          %dma_wait3A_278 = arith.constant 0 : i32
          %dma_wait3A_279 = arith.constant 0 : i32
          %dma_wait3A_280 = tpu.memref_slice %arg15[%sub3A_200, %dma_wait3A_278, %dma_wait3A_279] : memref<2x200x128xf32, #tpu.memory_space<vmem>> -> memref<1x200x128xf32, #tpu.memory_space<vmem>>
          %dma_wait3A_281 = tpu.memref_squeeze %dma_wait3A_280 : memref<1x200x128xf32, #tpu.memory_space<vmem>> -> memref<200x128xf32, #tpu.memory_space<vmem>>
          tpu.wait_dma2 semaphore(%dma_wait3A_275 : memref<!tpu.dma_semaphore, #tpu.memory_space<semaphore_mem>>) src(%dma_wait3A_281 : memref<200x128xf32, #tpu.memory_space<vmem>>) dst(%dma_wait3A_277 : memref<200x128xf32, #tpu.memory_space<hbm>>)
        } else {
        }
        %add3A_249 = arith.constant 1 : i32
        %add3A_250 = arith.addi %scan3A_188, %add3A_249 : i32
        %mul3A_251 = arith.constant 200 : i32
        %mul3A_252 = arith.muli %add3A_250, %mul3A_251 : i32
        %dma_start3A_253 = arith.constant 0 : i32
        %dma_start3A_254 = arith.constant 0 : i32
        %dma_start3A_255 = tpu.memref_slice %arg15[%sub3A_200, %dma_start3A_253, %dma_start3A_254] : memref<2x200x128xf32, #tpu.memory_space<vmem>> -> memref<1x200x128xf32, #tpu.memory_space<vmem>>
        %dma_start3A_256 = tpu.memref_squeeze %dma_start3A_255 : memref<1x200x128xf32, #tpu.memory_space<vmem>> -> memref<200x128xf32, #tpu.memory_space<vmem>>
        %dma_start3A_257 = tpu.memref_slice %arg13[%mul3A_252] : memref<6400xi32, #tpu.memory_space<vmem>> -> memref<200xi32, #tpu.memory_space<vmem>>
        %dma_start3A_258 = arith.constant 0 : i32
        %dma_start3A_259 = arith.constant 0 : i32
        %dma_start3A_260 = tpu.memref_slice %arg4[%dma_start3A_258, %dma_start3A_259] : memref<100000x128xf32, #tpu.memory_space<hbm>> -> memref<100000x128xf32, #tpu.memory_space<hbm>>
        %dma_start3A_261 = tpu.memref_slice %arg18[%sub3A_200] : memref<2x!tpu.dma_semaphore, #tpu.memory_space<semaphore_mem>> -> memref<1x!tpu.dma_semaphore, #tpu.memory_space<semaphore_mem>>
        %dma_start3A_262 = tpu.memref_squeeze %dma_start3A_261 : memref<1x!tpu.dma_semaphore, #tpu.memory_space<semaphore_mem>> -> memref<!tpu.dma_semaphore, #tpu.memory_space<semaphore_mem>>
        tpu.enqueue_indirect_dma source(%dma_start3A_260 : memref<100000x128xf32, #tpu.memory_space<hbm>>) target(%dma_start3A_256 : memref<200x128xf32, #tpu.memory_space<vmem>>) offsets(%dma_start3A_257 : memref<200xi32, #tpu.memory_space<vmem>>) semaphore(%dma_start3A_262 : memref<!tpu.dma_semaphore, #tpu.memory_space<semaphore_mem>>)
      } else {
      }
      %mul3A_206 = arith.constant 200 : i32
      %mul3A_207 = arith.muli %scan3A_188, %mul3A_206 : i32
      %dma_wait3A_208 = arith.constant 0 : i32
      %dma_wait3A_209 = arith.constant 0 : i32
      %dma_wait3A_210 = tpu.memref_slice %arg15[%select_n3A_199, %dma_wait3A_208, %dma_wait3A_209] : memref<2x200x128xf32, #tpu.memory_space<vmem>> -> memref<1x200x128xf32, #tpu.memory_space<vmem>>
      %dma_wait3A_211 = tpu.memref_squeeze %dma_wait3A_210 : memref<1x200x128xf32, #tpu.memory_space<vmem>> -> memref<200x128xf32, #tpu.memory_space<vmem>>
      %dma_wait3A_212 = tpu.memref_slice %arg13[%mul3A_207] : memref<6400xi32, #tpu.memory_space<vmem>> -> memref<200xi32, #tpu.memory_space<vmem>>
      %dma_wait3A_213 = arith.constant 0 : i32
      %dma_wait3A_214 = arith.constant 0 : i32
      %dma_wait3A_215 = tpu.memref_slice %arg4[%dma_wait3A_213, %dma_wait3A_214] : memref<100000x128xf32, #tpu.memory_space<hbm>> -> memref<100000x128xf32, #tpu.memory_space<hbm>>
      %dma_wait3A_216 = tpu.memref_slice %arg18[%select_n3A_199] : memref<2x!tpu.dma_semaphore, #tpu.memory_space<semaphore_mem>> -> memref<1x!tpu.dma_semaphore, #tpu.memory_space<semaphore_mem>>
      %dma_wait3A_217 = tpu.memref_squeeze %dma_wait3A_216 : memref<1x!tpu.dma_semaphore, #tpu.memory_space<semaphore_mem>> -> memref<!tpu.dma_semaphore, #tpu.memory_space<semaphore_mem>>
      tpu.wait_indirect_dma semaphore(%dma_wait3A_217 : memref<!tpu.dma_semaphore, #tpu.memory_space<semaphore_mem>>) src(%dma_wait3A_215 : memref<100000x128xf32, #tpu.memory_space<hbm>>) dst(%dma_wait3A_211 : memref<200x128xf32, #tpu.memory_space<vmem>>)
      %parallel_loop3A_218 = arith.constant 0 : i32
      %parallel_loop3A_219 = arith.constant 200 : i32
      %parallel_loop3A_220 = arith.constant 1 : i32
      scf.for %parallel_loop3A_245 = %parallel_loop3A_218 to %parallel_loop3A_219 step %parallel_loop3A_220  : i32 {
        %parallel_loop3A_246 = arith.constant 200 : i32
        %parallel_loop3A_247 = arith.muli %scan3A_188, %parallel_loop3A_246 : i32
        %parallel_loop3A_248 = arith.addi %parallel_loop3A_247, %parallel_loop3A_245 : i32
        %parallel_loop3A_249 = arith.index_cast %parallel_loop3A_248 : i32 to index
        %parallel_loop3A_250 = tpu.vector_load %arg14[%parallel_loop3A_249] {strides = array<i32>} : memref<6416xi32, #tpu.memory_space<vmem>>, vector<16xi32>,
        %parallel_loop3A_251 = vector.extract_strided_slice %parallel_loop3A_250 {offsets = [0], sizes = [1], strides = [1]} : vector<16xi32> to vector<1xi32>
        %parallel_loop3A_252 = vector.extract %parallel_loop3A_251[0] : i32 from vector<1xi32>
        %parallel_loop3A_253 = arith.index_cast %select_n3A_199 : i32 to index
        %parallel_loop3A_254 = arith.index_cast %parallel_loop3A_245 : i32 to index
        %parallel_loop3A_255 = arith.constant 0 : index
        %parallel_loop3A_256 = tpu.vector_load %arg15[%parallel_loop3A_253, %parallel_loop3A_254, %parallel_loop3A_255] {strides = array<i32>} : memref<2x200x128xf32, #tpu.memory_space<vmem>>, vector<16xf32>,
        %parallel_loop3A_257 = arith.index_cast %parallel_loop3A_252 : i32 to index
        %parallel_loop3A_258 = arith.index_cast %parallel_loop3A_245 : i32 to index
        %parallel_loop3A_259 = arith.constant 0 : index
        %parallel_loop3A_260 = tpu.vector_load %arg10[%parallel_loop3A_257, %parallel_loop3A_258, %parallel_loop3A_259] {strides = array<i32>} : memref<2x200x128xf32, #tpu.memory_space<vmem>>, vector<16xf32>,
        %parallel_loop3A_261 = arith.addf %parallel_loop3A_256, %parallel_loop3A_260 : vector<16xf32>
        %parallel_loop3A_262 = arith.index_cast %select_n3A_199 : i32 to index
        %parallel_loop3A_263 = arith.index_cast %parallel_loop3A_245 : i32 to index
        %parallel_loop3A_264 = arith.constant 0 : index
        %parallel_loop3A_265 = tpu.vector_load %arg15[%parallel_loop3A_262, %parallel_loop3A_263, %parallel_loop3A_264] {strides = array<i32>} : memref<2x200x128xf32, #tpu.memory_space<vmem>>, vector<16xf32>,
        tpu.vector_store %arg15[%parallel_loop3A_262, %parallel_loop3A_263, %parallel_loop3A_264], %parallel_loop3A_261 {strides = array<i32>} : memref<2x200x128xf32, #tpu.memory_space<vmem>>, vector<16xf32>,
        %parallel_loop3A_266 = arith.index_cast %select_n3A_199 : i32 to index
        %parallel_loop3A_267 = arith.index_cast %parallel_loop3A_245 : i32 to index
        %parallel_loop3A_268 = arith.constant 16 : index
        %parallel_loop3A_269 = tpu.vector_load %arg15[%parallel_loop3A_266, %parallel_loop3A_267, %parallel_loop3A_268] {strides = array<i32>} : memref<2x200x128xf32, #tpu.memory_space<vmem>>, vector<16xf32>,
        %parallel_loop3A_270 = arith.index_cast %parallel_loop3A_252 : i32 to index
        %parallel_loop3A_271 = arith.index_cast %parallel_loop3A_245 : i32 to index
        %parallel_loop3A_272 = arith.constant 16 : index
        %parallel_loop3A_273 = tpu.vector_load %arg10[%parallel_loop3A_270, %parallel_loop3A_271, %parallel_loop3A_272] {strides = array<i32>} : memref<2x200x128xf32, #tpu.memory_space<vmem>>, vector<16xf32>,
        %parallel_loop3A_274 = arith.addf %parallel_loop3A_269, %parallel_loop3A_273 : vector<16xf32>
        %parallel_loop3A_275 = arith.index_cast %select_n3A_199 : i32 to index
        %parallel_loop3A_276 = arith.index_cast %parallel_loop3A_245 : i32 to index
        %parallel_loop3A_277 = arith.constant 16 : index
        %parallel_loop3A_278 = tpu.vector_load %arg15[%parallel_loop3A_275, %parallel_loop3A_276, %parallel_loop3A_277] {strides = array<i32>} : memref<2x200x128xf32, #tpu.memory_space<vmem>>, vector<16xf32>,
        tpu.vector_store %arg15[%parallel_loop3A_275, %parallel_loop3A_276, %parallel_loop3A_277], %parallel_loop3A_274 {strides = array<i32>} : memref<2x200x128xf32, #tpu.memory_space<vmem>>, vector<16xf32>,
        %parallel_loop3A_279 = arith.index_cast %select_n3A_199 : i32 to index
        %parallel_loop3A_280 = arith.index_cast %parallel_loop3A_245 : i32 to index
        %parallel_loop3A_281 = arith.constant 32 : index
        %parallel_loop3A_282 = tpu.vector_load %arg15[%parallel_loop3A_279, %parallel_loop3A_280, %parallel_loop3A_281] {strides = array<i32>} : memref<2x200x128xf32, #tpu.memory_space<vmem>>, vector<16xf32>,
        %parallel_loop3A_283 = arith.index_cast %parallel_loop3A_252 : i32 to index
        %parallel_loop3A_284 = arith.index_cast %parallel_loop3A_245 : i32 to index
        %parallel_loop3A_285 = arith.constant 32 : index
        %parallel_loop3A_286 = tpu.vector_load %arg10[%parallel_loop3A_283, %parallel_loop3A_284, %parallel_loop3A_285] {strides = array<i32>} : memref<2x200x128xf32, #tpu.memory_space<vmem>>, vector<16xf32>,
        %parallel_loop3A_287 = arith.addf %parallel_loop3A_282, %parallel_loop3A_286 : vector<16xf32>
        %parallel_loop3A_288 = arith.index_cast %select_n3A_199 : i32 to index
        %parallel_loop3A_289 = arith.index_cast %parallel_loop3A_245 : i32 to index
        %parallel_loop3A_290 = arith.constant 32 : index
        %parallel_loop3A_291 = tpu.vector_load %arg15[%parallel_loop3A_288, %parallel_loop3A_289, %parallel_loop3A_290] {strides = array<i32>} : memref<2x200x128xf32, #tpu.memory_space<vmem>>, vector<16xf32>,
        tpu.vector_store %arg15[%parallel_loop3A_288, %parallel_loop3A_289, %parallel_loop3A_290], %parallel_loop3A_287 {strides = array<i32>} : memref<2x200x128xf32, #tpu.memory_space<vmem>>, vector<16xf32>,
        %parallel_loop3A_292 = arith.index_cast %select_n3A_199 : i32 to index
        %parallel_loop3A_293 = arith.index_cast %parallel_loop3A_245 : i32 to index
        %parallel_loop3A_294 = arith.constant 48 : index
        %parallel_loop3A_295 = tpu.vector_load %arg15[%parallel_loop3A_292, %parallel_loop3A_293, %parallel_loop3A_294] {strides = array<i32>} : memref<2x200x128xf32, #tpu.memory_space<vmem>>, vector<16xf32>,
        %parallel_loop3A_296 = arith.index_cast %parallel_loop3A_252 : i32 to index
        %parallel_loop3A_297 = arith.index_cast %parallel_loop3A_245 : i32 to index
        %parallel_loop3A_298 = arith.constant 48 : index
        %parallel_loop3A_299 = tpu.vector_load %arg10[%parallel_loop3A_296, %parallel_loop3A_297, %parallel_loop3A_298] {strides = array<i32>} : memref<2x200x128xf32, #tpu.memory_space<vmem>>, vector<16xf32>,
        %parallel_loop3A_300 = arith.addf %parallel_loop3A_295, %parallel_loop3A_299 : vector<16xf32>
        %parallel_loop3A_301 = arith.index_cast %select_n3A_199 : i32 to index
        %parallel_loop3A_302 = arith.index_cast %parallel_loop3A_245 : i32 to index
        %parallel_loop3A_303 = arith.constant 48 : index
        %parallel_loop3A_304 = tpu.vector_load %arg15[%parallel_loop3A_301, %parallel_loop3A_302, %parallel_loop3A_303] {strides = array<i32>} : memref<2x200x128xf32, #tpu.memory_space<vmem>>, vector<16xf32>,
        tpu.vector_store %arg15[%parallel_loop3A_301, %parallel_loop3A_302, %parallel_loop3A_303], %parallel_loop3A_300 {strides = array<i32>} : memref<2x200x128xf32, #tpu.memory_space<vmem>>, vector<16xf32>,
        %parallel_loop3A_305 = arith.index_cast %select_n3A_199 : i32 to index
        %parallel_loop3A_306 = arith.index_cast %parallel_loop3A_245 : i32 to index
        %parallel_loop3A_307 = arith.constant 64 : index
        %parallel_loop3A_308 = tpu.vector_load %arg15[%parallel_loop3A_305, %parallel_loop3A_306, %parallel_loop3A_307] {strides = array<i32>} : memref<2x200x128xf32, #tpu.memory_space<vmem>>, vector<16xf32>,
        %parallel_loop3A_309 = arith.index_cast %parallel_loop3A_252 : i32 to index
        %parallel_loop3A_310 = arith.index_cast %parallel_loop3A_245 : i32 to index
        %parallel_loop3A_311 = arith.constant 64 : index
        %parallel_loop3A_312 = tpu.vector_load %arg10[%parallel_loop3A_309, %parallel_loop3A_310, %parallel_loop3A_311] {strides = array<i32>} : memref<2x200x128xf32, #tpu.memory_space<vmem>>, vector<16xf32>,
        %parallel_loop3A_313 = arith.addf %parallel_loop3A_308, %parallel_loop3A_312 : vector<16xf32>
        %parallel_loop3A_314 = arith.index_cast %select_n3A_199 : i32 to index
        %parallel_loop3A_315 = arith.index_cast %parallel_loop3A_245 : i32 to index
        %parallel_loop3A_316 = arith.constant 64 : index
        %parallel_loop3A_317 = tpu.vector_load %arg15[%parallel_loop3A_314, %parallel_loop3A_315, %parallel_loop3A_316] {strides = array<i32>} : memref<2x200x128xf32, #tpu.memory_space<vmem>>, vector<16xf32>,
        tpu.vector_store %arg15[%parallel_loop3A_314, %parallel_loop3A_315, %parallel_loop3A_316], %parallel_loop3A_313 {strides = array<i32>} : memref<2x200x128xf32, #tpu.memory_space<vmem>>, vector<16xf32>,
        %parallel_loop3A_318 = arith.index_cast %select_n3A_199 : i32 to index
        %parallel_loop3A_319 = arith.index_cast %parallel_loop3A_245 : i32 to index
        %parallel_loop3A_320 = arith.constant 80 : index
        %parallel_loop3A_321 = tpu.vector_load %arg15[%parallel_loop3A_318, %parallel_loop3A_319, %parallel_loop3A_320] {strides = array<i32>} : memref<2x200x128xf32, #tpu.memory_space<vmem>>, vector<16xf32>,
        %parallel_loop3A_322 = arith.index_cast %parallel_loop3A_252 : i32 to index
        %parallel_loop3A_323 = arith.index_cast %parallel_loop3A_245 : i32 to index
        %parallel_loop3A_324 = arith.constant 80 : index
        %parallel_loop3A_325 = tpu.vector_load %arg10[%parallel_loop3A_322, %parallel_loop3A_323, %parallel_loop3A_324] {strides = array<i32>} : memref<2x200x128xf32, #tpu.memory_space<vmem>>, vector<16xf32>,
        %parallel_loop3A_326 = arith.addf %parallel_loop3A_321, %parallel_loop3A_325 : vector<16xf32>
        %parallel_loop3A_327 = arith.index_cast %select_n3A_199 : i32 to index
        %parallel_loop3A_328 = arith.index_cast %parallel_loop3A_245 : i32 to index
        %parallel_loop3A_329 = arith.constant 80 : index
        %parallel_loop3A_330 = tpu.vector_load %arg15[%parallel_loop3A_327, %parallel_loop3A_328, %parallel_loop3A_329] {strides = array<i32>} : memref<2x200x128xf32, #tpu.memory_space<vmem>>, vector<16xf32>,
        tpu.vector_store %arg15[%parallel_loop3A_327, %parallel_loop3A_328, %parallel_loop3A_329], %parallel_loop3A_326 {strides = array<i32>} : memref<2x200x128xf32, #tpu.memory_space<vmem>>, vector<16xf32>,
        %parallel_loop3A_331 = arith.index_cast %select_n3A_199 : i32 to index
        %parallel_loop3A_332 = arith.index_cast %parallel_loop3A_245 : i32 to index
        %parallel_loop3A_333 = arith.constant 96 : index
        %parallel_loop3A_334 = tpu.vector_load %arg15[%parallel_loop3A_331, %parallel_loop3A_332, %parallel_loop3A_333] {strides = array<i32>} : memref<2x200x128xf32, #tpu.memory_space<vmem>>, vector<16xf32>,
        %parallel_loop3A_335 = arith.index_cast %parallel_loop3A_252 : i32 to index
        %parallel_loop3A_336 = arith.index_cast %parallel_loop3A_245 : i32 to index
        %parallel_loop3A_337 = arith.constant 96 : index
        %parallel_loop3A_338 = tpu.vector_load %arg10[%parallel_loop3A_335, %parallel_loop3A_336, %parallel_loop3A_337] {strides = array<i32>} : memref<2x200x128xf32, #tpu.memory_space<vmem>>, vector<16xf32>,
        %parallel_loop3A_339 = arith.addf %parallel_loop3A_334, %parallel_loop3A_338 : vector<16xf32>
        %parallel_loop3A_340 = arith.index_cast %select_n3A_199 : i32 to index
        %parallel_loop3A_341 = arith.index_cast %parallel_loop3A_245 : i32 to index
        %parallel_loop3A_342 = arith.constant 96 : index
        %parallel_loop3A_343 = tpu.vector_load %arg15[%parallel_loop3A_340, %parallel_loop3A_341, %parallel_loop3A_342] {strides = array<i32>} : memref<2x200x128xf32, #tpu.memory_space<vmem>>, vector<16xf32>,
        tpu.vector_store %arg15[%parallel_loop3A_340, %parallel_loop3A_341, %parallel_loop3A_342], %parallel_loop3A_339 {strides = array<i32>} : memref<2x200x128xf32, #tpu.memory_space<vmem>>, vector<16xf32>,
        %parallel_loop3A_344 = arith.index_cast %select_n3A_199 : i32 to index
        %parallel_loop3A_345 = arith.index_cast %parallel_loop3A_245 : i32 to index
        %parallel_loop3A_346 = arith.constant 112 : index
        %parallel_loop3A_347 = tpu.vector_load %arg15[%parallel_loop3A_344, %parallel_loop3A_345, %parallel_loop3A_346] {strides = array<i32>} : memref<2x200x128xf32, #tpu.memory_space<vmem>>, vector<16xf32>,
        %parallel_loop3A_348 = arith.index_cast %parallel_loop3A_252 : i32 to index
        %parallel_loop3A_349 = arith.index_cast %parallel_loop3A_245 : i32 to index
        %parallel_loop3A_350 = arith.constant 112 : index
        %parallel_loop3A_351 = tpu.vector_load %arg10[%parallel_loop3A_348, %parallel_loop3A_349, %parallel_loop3A_350] {strides = array<i32>} : memref<2x200x128xf32, #tpu.memory_space<vmem>>, vector<16xf32>,
        %parallel_loop3A_352 = arith.addf %parallel_loop3A_347, %parallel_loop3A_351 : vector<16xf32>
        %parallel_loop3A_353 = arith.index_cast %select_n3A_199 : i32 to index
        %parallel_loop3A_354 = arith.index_cast %parallel_loop3A_245 : i32 to index
        %parallel_loop3A_355 = arith.constant 112 : index
        %parallel_loop3A_356 = tpu.vector_load %arg15[%parallel_loop3A_353, %parallel_loop3A_354, %parallel_loop3A_355] {strides = array<i32>} : memref<2x200x128xf32, #tpu.memory_space<vmem>>, vector<16xf32>,
        tpu.vector_store %arg15[%parallel_loop3A_353, %parallel_loop3A_354, %parallel_loop3A_355], %parallel_loop3A_352 {strides = array<i32>} : memref<2x200x128xf32, #tpu.memory_space<vmem>>, vector<16xf32>,
        %parallel_loop3A_357 = arith.addf %parallel_loop3A_261, %parallel_loop3A_274 : vector<16xf32>
        %parallel_loop3A_358 = arith.addf %parallel_loop3A_287, %parallel_loop3A_300 : vector<16xf32>
        %parallel_loop3A_359 = arith.addf %parallel_loop3A_357, %parallel_loop3A_358 : vector<16xf32>
        %parallel_loop3A_360 = arith.addf %parallel_loop3A_313, %parallel_loop3A_326 : vector<16xf32>
        %parallel_loop3A_361 = arith.addf %parallel_loop3A_339, %parallel_loop3A_352 : vector<16xf32>
        %parallel_loop3A_362 = arith.addf %parallel_loop3A_360, %parallel_loop3A_361 : vector<16xf32>
        %parallel_loop3A_363 = arith.addf %parallel_loop3A_359, %parallel_loop3A_362 : vector<16xf32>
        %parallel_loop3A_364 = arith.mulf %parallel_loop3A_261, %parallel_loop3A_261 : vector<16xf32>
        %parallel_loop3A_365 = arith.mulf %parallel_loop3A_274, %parallel_loop3A_274 : vector<16xf32>
        %parallel_loop3A_366 = arith.addf %parallel_loop3A_364, %parallel_loop3A_365 : vector<16xf32>
        %parallel_loop3A_367 = arith.mulf %parallel_loop3A_287, %parallel_loop3A_287 : vector<16xf32>
        %parallel_loop3A_368 = arith.mulf %parallel_loop3A_300, %parallel_loop3A_300 : vector<16xf32>
        %parallel_loop3A_369 = arith.addf %parallel_loop3A_367, %parallel_loop3A_368 : vector<16xf32>
        %parallel_loop3A_370 = arith.addf %parallel_loop3A_366, %parallel_loop3A_369 : vector<16xf32>
        %parallel_loop3A_371 = arith.mulf %parallel_loop3A_313, %parallel_loop3A_313 : vector<16xf32>
        %parallel_loop3A_372 = arith.mulf %parallel_loop3A_326, %parallel_loop3A_326 : vector<16xf32>
        %parallel_loop3A_373 = arith.addf %parallel_loop3A_371, %parallel_loop3A_372 : vector<16xf32>
        %parallel_loop3A_374 = arith.mulf %parallel_loop3A_339, %parallel_loop3A_339 : vector<16xf32>
        %parallel_loop3A_375 = arith.mulf %parallel_loop3A_352, %parallel_loop3A_352 : vector<16xf32>
        %parallel_loop3A_376 = arith.addf %parallel_loop3A_374, %parallel_loop3A_375 : vector<16xf32>
        %parallel_loop3A_377 = arith.addf %parallel_loop3A_373, %parallel_loop3A_376 : vector<16xf32>
        %parallel_loop3A_378 = arith.addf %parallel_loop3A_370, %parallel_loop3A_377 : vector<16xf32>
        %parallel_loop3A_379 = vector.broadcast %parallel_loop3A_245 : i32 to vector<16xi32>
        %parallel_loop3A_380 = arith.constant true
        %parallel_loop3A_381 = vector.broadcast %parallel_loop3A_380 : i1 to vector<16xi1>
        %parallel_loop3A_382 = tpu.scan <sum>, %parallel_loop3A_363 masked %parallel_loop3A_381 : vector<16xf32>, vector<16xi1> -> vector<16xf32>
        tpu.vector_store_idx %arg16[%parallel_loop3A_379], %parallel_loop3A_382 masked %eq3A_134 : memref<216xf32, #tpu.memory_space<vmem>>[vector<16xi32>], vector<16xf32>, vector<16xi1>
        %parallel_loop3A_383 = arith.constant true
        %parallel_loop3A_384 = vector.broadcast %parallel_loop3A_383 : i1 to vector<16xi1>
        %parallel_loop3A_385 = tpu.scan <sum>, %parallel_loop3A_378 masked %parallel_loop3A_384 : vector<16xf32>, vector<16xi1> -> vector<16xf32>
        tpu.vector_store_idx %arg17[%parallel_loop3A_379], %parallel_loop3A_385 masked %eq3A_134 : memref<216xf32, #tpu.memory_space<vmem>>[vector<16xi32>], vector<16xf32>, vector<16xi1>
      } {sc.loop_unroll_factor = 4 : i64, sc.parallel_access}
      %parallel_loop3A_221 = arith.constant 0 : i32
      %parallel_loop3A_222 = arith.constant 13 : i32
      %parallel_loop3A_223 = arith.constant 1 : i32
      scf.for %parallel_loop3A_245 = %parallel_loop3A_221 to %parallel_loop3A_222 step %parallel_loop3A_223  : i32 {
        %parallel_loop3A_246 = arith.constant 16 : i32
        %parallel_loop3A_247 = arith.muli %parallel_loop3A_246, %parallel_loop3A_245 : i32
        %parallel_loop3A_248 = arith.index_cast %parallel_loop3A_247 : i32 to index
        %parallel_loop3A_249 = tpu.vector_load %arg16[%parallel_loop3A_248] {strides = array<i32>} : memref<216xf32, #tpu.memory_space<vmem>>, vector<16xf32>,
        %parallel_loop3A_250 = arith.constant 7.812500e-03 : f32
        %parallel_loop3A_251 = vector.broadcast %parallel_loop3A_250 : f32 to vector<16xf32>
        %parallel_loop3A_252 = arith.mulf %parallel_loop3A_249, %parallel_loop3A_251 : vector<16xf32>
        %parallel_loop3A_253 = arith.index_cast %parallel_loop3A_247 : i32 to index
        %parallel_loop3A_254 = tpu.vector_load %arg17[%parallel_loop3A_253] {strides = array<i32>} : memref<216xf32, #tpu.memory_space<vmem>>, vector<16xf32>,
        %parallel_loop3A_255 = arith.constant 7.812500e-03 : f32
        %parallel_loop3A_256 = vector.broadcast %parallel_loop3A_255 : f32 to vector<16xf32>
        %parallel_loop3A_257 = arith.mulf %parallel_loop3A_254, %parallel_loop3A_256 : vector<16xf32>
        %parallel_loop3A_258 = arith.mulf %parallel_loop3A_252, %parallel_loop3A_252 : vector<16xf32>
        %parallel_loop3A_259 = arith.subf %parallel_loop3A_257, %parallel_loop3A_258 : vector<16xf32>
        %parallel_loop3A_260 = arith.index_cast %parallel_loop3A_247 : i32 to index
        %parallel_loop3A_261 = tpu.vector_load %arg16[%parallel_loop3A_260] {strides = array<i32>} : memref<216xf32, #tpu.memory_space<vmem>>, vector<16xf32>,
        tpu.vector_store %arg16[%parallel_loop3A_260], %parallel_loop3A_252 {strides = array<i32>} : memref<216xf32, #tpu.memory_space<vmem>>, vector<16xf32>,
        %parallel_loop3A_262 = arith.constant 9.99999974E-6 : f32
        %parallel_loop3A_263 = vector.broadcast %parallel_loop3A_262 : f32 to vector<16xf32>
        %parallel_loop3A_264 = arith.addf %parallel_loop3A_259, %parallel_loop3A_263 : vector<16xf32>
        %parallel_loop3A_265 = tpu.bitcast %parallel_loop3A_264 : vector<16xf32> -> vector<16xi32>
        %parallel_loop3A_266 = arith.constant 1 : i32
        %parallel_loop3A_267 = vector.broadcast %parallel_loop3A_266 : i32 to vector<16xi32>
        %parallel_loop3A_268 = arith.shrui %parallel_loop3A_265, %parallel_loop3A_267 : vector<16xi32>
        %parallel_loop3A_269 = arith.constant 1597463007 : i32
        %parallel_loop3A_270 = vector.broadcast %parallel_loop3A_269 : i32 to vector<16xi32>
        %parallel_loop3A_271 = arith.subi %parallel_loop3A_270, %parallel_loop3A_268 : vector<16xi32>
        %parallel_loop3A_272 = tpu.bitcast %parallel_loop3A_271 : vector<16xi32> -> vector<16xf32>
        %parallel_loop3A_273 = arith.constant 5.000000e-01 : f32
        %parallel_loop3A_274 = vector.broadcast %parallel_loop3A_273 : f32 to vector<16xf32>
        %parallel_loop3A_275 = arith.mulf %parallel_loop3A_274, %parallel_loop3A_264 : vector<16xf32>
        %parallel_loop3A_276 = arith.mulf %parallel_loop3A_275, %parallel_loop3A_272 : vector<16xf32>
        %parallel_loop3A_277 = arith.mulf %parallel_loop3A_276, %parallel_loop3A_272 : vector<16xf32>
        %parallel_loop3A_278 = arith.constant 1.500000e+00 : f32
        %parallel_loop3A_279 = vector.broadcast %parallel_loop3A_278 : f32 to vector<16xf32>
        %parallel_loop3A_280 = arith.subf %parallel_loop3A_279, %parallel_loop3A_277 : vector<16xf32>
        %parallel_loop3A_281 = arith.mulf %parallel_loop3A_272, %parallel_loop3A_280 : vector<16xf32>
        %parallel_loop3A_282 = arith.constant 5.000000e-01 : f32
        %parallel_loop3A_283 = vector.broadcast %parallel_loop3A_282 : f32 to vector<16xf32>
        %parallel_loop3A_284 = arith.mulf %parallel_loop3A_283, %parallel_loop3A_264 : vector<16xf32>
        %parallel_loop3A_285 = arith.mulf %parallel_loop3A_284, %parallel_loop3A_281 : vector<16xf32>
        %parallel_loop3A_286 = arith.mulf %parallel_loop3A_285, %parallel_loop3A_281 : vector<16xf32>
        %parallel_loop3A_287 = arith.constant 1.500000e+00 : f32
        %parallel_loop3A_288 = vector.broadcast %parallel_loop3A_287 : f32 to vector<16xf32>
        %parallel_loop3A_289 = arith.subf %parallel_loop3A_288, %parallel_loop3A_286 : vector<16xf32>
        %parallel_loop3A_290 = arith.mulf %parallel_loop3A_281, %parallel_loop3A_289 : vector<16xf32>
        %parallel_loop3A_291 = arith.index_cast %parallel_loop3A_247 : i32 to index
        %parallel_loop3A_292 = tpu.vector_load %arg17[%parallel_loop3A_291] {strides = array<i32>} : memref<216xf32, #tpu.memory_space<vmem>>, vector<16xf32>,
        tpu.vector_store %arg17[%parallel_loop3A_291], %parallel_loop3A_290 {strides = array<i32>} : memref<216xf32, #tpu.memory_space<vmem>>, vector<16xf32>,
      } {sc.loop_unroll_factor = 2 : i64, sc.parallel_access}
      %parallel_loop3A_224 = arith.constant 0 : i32
      %parallel_loop3A_225 = arith.constant 200 : i32
      %parallel_loop3A_226 = arith.constant 1 : i32
      scf.for %parallel_loop3A_245 = %parallel_loop3A_224 to %parallel_loop3A_225 step %parallel_loop3A_226  : i32 {
        %parallel_loop3A_246 = vector.broadcast %parallel_loop3A_245 : i32 to vector<16xi32>
        %parallel_loop3A_247 = tpu.vector_load_idx %arg16[%parallel_loop3A_246] : memref<216xf32, #tpu.memory_space<vmem>>[vector<16xi32>], vector<16xf32>,
        %parallel_loop3A_248 = tpu.vector_load_idx %arg17[%parallel_loop3A_246] : memref<216xf32, #tpu.memory_space<vmem>>[vector<16xi32>], vector<16xf32>,
        %parallel_loop3A_249 = arith.index_cast %select_n3A_199 : i32 to index
        %parallel_loop3A_250 = arith.index_cast %parallel_loop3A_245 : i32 to index
        %parallel_loop3A_251 = arith.constant 0 : index
        %parallel_loop3A_252 = tpu.vector_load %arg15[%parallel_loop3A_249, %parallel_loop3A_250, %parallel_loop3A_251] {strides = array<i32>} : memref<2x200x128xf32, #tpu.memory_space<vmem>>, vector<16xf32>,
        %parallel_loop3A_253 = arith.subf %parallel_loop3A_252, %parallel_loop3A_247 : vector<16xf32>
        %parallel_loop3A_254 = arith.mulf %parallel_loop3A_248, %get3A_3 : vector<16xf32>
        %parallel_loop3A_255 = arith.mulf %parallel_loop3A_253, %parallel_loop3A_254 : vector<16xf32>
        %parallel_loop3A_256 = arith.addf %parallel_loop3A_255, %get3A_19 : vector<16xf32>
        %parallel_loop3A_257 = arith.index_cast %select_n3A_199 : i32 to index
        %parallel_loop3A_258 = arith.index_cast %parallel_loop3A_245 : i32 to index
        %parallel_loop3A_259 = arith.constant 0 : index
        %parallel_loop3A_260 = tpu.vector_load %arg15[%parallel_loop3A_257, %parallel_loop3A_258, %parallel_loop3A_259] {strides = array<i32>} : memref<2x200x128xf32, #tpu.memory_space<vmem>>, vector<16xf32>,
        tpu.vector_store %arg15[%parallel_loop3A_257, %parallel_loop3A_258, %parallel_loop3A_259], %parallel_loop3A_256 {strides = array<i32>} : memref<2x200x128xf32, #tpu.memory_space<vmem>>, vector<16xf32>,
        %parallel_loop3A_261 = arith.index_cast %select_n3A_199 : i32 to index
        %parallel_loop3A_262 = arith.index_cast %parallel_loop3A_245 : i32 to index
        %parallel_loop3A_263 = arith.constant 16 : index
        %parallel_loop3A_264 = tpu.vector_load %arg15[%parallel_loop3A_261, %parallel_loop3A_262, %parallel_loop3A_263] {strides = array<i32>} : memref<2x200x128xf32, #tpu.memory_space<vmem>>, vector<16xf32>,
        %parallel_loop3A_265 = arith.subf %parallel_loop3A_264, %parallel_loop3A_247 : vector<16xf32>
        %parallel_loop3A_266 = arith.mulf %parallel_loop3A_248, %get3A_5 : vector<16xf32>
        %parallel_loop3A_267 = arith.mulf %parallel_loop3A_265, %parallel_loop3A_266 : vector<16xf32>
        %parallel_loop3A_268 = arith.addf %parallel_loop3A_267, %get3A_21 : vector<16xf32>
        %parallel_loop3A_269 = arith.index_cast %select_n3A_199 : i32 to index
        %parallel_loop3A_270 = arith.index_cast %parallel_loop3A_245 : i32 to index
        %parallel_loop3A_271 = arith.constant 16 : index
        %parallel_loop3A_272 = tpu.vector_load %arg15[%parallel_loop3A_269, %parallel_loop3A_270, %parallel_loop3A_271] {strides = array<i32>} : memref<2x200x128xf32, #tpu.memory_space<vmem>>, vector<16xf32>,
        tpu.vector_store %arg15[%parallel_loop3A_269, %parallel_loop3A_270, %parallel_loop3A_271], %parallel_loop3A_268 {strides = array<i32>} : memref<2x200x128xf32, #tpu.memory_space<vmem>>, vector<16xf32>,
        %parallel_loop3A_273 = arith.index_cast %select_n3A_199 : i32 to index
        %parallel_loop3A_274 = arith.index_cast %parallel_loop3A_245 : i32 to index
        %parallel_loop3A_275 = arith.constant 32 : index
        %parallel_loop3A_276 = tpu.vector_load %arg15[%parallel_loop3A_273, %parallel_loop3A_274, %parallel_loop3A_275] {strides = array<i32>} : memref<2x200x128xf32, #tpu.memory_space<vmem>>, vector<16xf32>,
        %parallel_loop3A_277 = arith.subf %parallel_loop3A_276, %parallel_loop3A_247 : vector<16xf32>
        %parallel_loop3A_278 = arith.mulf %parallel_loop3A_248, %get3A_7 : vector<16xf32>
        %parallel_loop3A_279 = arith.mulf %parallel_loop3A_277, %parallel_loop3A_278 : vector<16xf32>
        %parallel_loop3A_280 = arith.addf %parallel_loop3A_279, %get3A_23 : vector<16xf32>
        %parallel_loop3A_281 = arith.index_cast %select_n3A_199 : i32 to index
        %parallel_loop3A_282 = arith.index_cast %parallel_loop3A_245 : i32 to index
        %parallel_loop3A_283 = arith.constant 32 : index
        %parallel_loop3A_284 = tpu.vector_load %arg15[%parallel_loop3A_281, %parallel_loop3A_282, %parallel_loop3A_283] {strides = array<i32>} : memref<2x200x128xf32, #tpu.memory_space<vmem>>, vector<16xf32>,
        tpu.vector_store %arg15[%parallel_loop3A_281, %parallel_loop3A_282, %parallel_loop3A_283], %parallel_loop3A_280 {strides = array<i32>} : memref<2x200x128xf32, #tpu.memory_space<vmem>>, vector<16xf32>,
        %parallel_loop3A_285 = arith.index_cast %select_n3A_199 : i32 to index
        %parallel_loop3A_286 = arith.index_cast %parallel_loop3A_245 : i32 to index
        %parallel_loop3A_287 = arith.constant 48 : index
        %parallel_loop3A_288 = tpu.vector_load %arg15[%parallel_loop3A_285, %parallel_loop3A_286, %parallel_loop3A_287] {strides = array<i32>} : memref<2x200x128xf32, #tpu.memory_space<vmem>>, vector<16xf32>,
        %parallel_loop3A_289 = arith.subf %parallel_loop3A_288, %parallel_loop3A_247 : vector<16xf32>
        %parallel_loop3A_290 = arith.mulf %parallel_loop3A_248, %get3A_9 : vector<16xf32>
        %parallel_loop3A_291 = arith.mulf %parallel_loop3A_289, %parallel_loop3A_290 : vector<16xf32>
        %parallel_loop3A_292 = arith.addf %parallel_loop3A_291, %get3A_25 : vector<16xf32>
        %parallel_loop3A_293 = arith.index_cast %select_n3A_199 : i32 to index
        %parallel_loop3A_294 = arith.index_cast %parallel_loop3A_245 : i32 to index
        %parallel_loop3A_295 = arith.constant 48 : index
        %parallel_loop3A_296 = tpu.vector_load %arg15[%parallel_loop3A_293, %parallel_loop3A_294, %parallel_loop3A_295] {strides = array<i32>} : memref<2x200x128xf32, #tpu.memory_space<vmem>>, vector<16xf32>,
        tpu.vector_store %arg15[%parallel_loop3A_293, %parallel_loop3A_294, %parallel_loop3A_295], %parallel_loop3A_292 {strides = array<i32>} : memref<2x200x128xf32, #tpu.memory_space<vmem>>, vector<16xf32>,
        %parallel_loop3A_297 = arith.index_cast %select_n3A_199 : i32 to index
        %parallel_loop3A_298 = arith.index_cast %parallel_loop3A_245 : i32 to index
        %parallel_loop3A_299 = arith.constant 64 : index
        %parallel_loop3A_300 = tpu.vector_load %arg15[%parallel_loop3A_297, %parallel_loop3A_298, %parallel_loop3A_299] {strides = array<i32>} : memref<2x200x128xf32, #tpu.memory_space<vmem>>, vector<16xf32>,
        %parallel_loop3A_301 = arith.subf %parallel_loop3A_300, %parallel_loop3A_247 : vector<16xf32>
        %parallel_loop3A_302 = arith.mulf %parallel_loop3A_248, %get3A_11 : vector<16xf32>
        %parallel_loop3A_303 = arith.mulf %parallel_loop3A_301, %parallel_loop3A_302 : vector<16xf32>
        %parallel_loop3A_304 = arith.addf %parallel_loop3A_303, %get3A_27 : vector<16xf32>
        %parallel_loop3A_305 = arith.index_cast %select_n3A_199 : i32 to index
        %parallel_loop3A_306 = arith.index_cast %parallel_loop3A_245 : i32 to index
        %parallel_loop3A_307 = arith.constant 64 : index
        %parallel_loop3A_308 = tpu.vector_load %arg15[%parallel_loop3A_305, %parallel_loop3A_306, %parallel_loop3A_307] {strides = array<i32>} : memref<2x200x128xf32, #tpu.memory_space<vmem>>, vector<16xf32>,
        tpu.vector_store %arg15[%parallel_loop3A_305, %parallel_loop3A_306, %parallel_loop3A_307], %parallel_loop3A_304 {strides = array<i32>} : memref<2x200x128xf32, #tpu.memory_space<vmem>>, vector<16xf32>,
        %parallel_loop3A_309 = arith.index_cast %select_n3A_199 : i32 to index
        %parallel_loop3A_310 = arith.index_cast %parallel_loop3A_245 : i32 to index
        %parallel_loop3A_311 = arith.constant 80 : index
        %parallel_loop3A_312 = tpu.vector_load %arg15[%parallel_loop3A_309, %parallel_loop3A_310, %parallel_loop3A_311] {strides = array<i32>} : memref<2x200x128xf32, #tpu.memory_space<vmem>>, vector<16xf32>,
        %parallel_loop3A_313 = arith.subf %parallel_loop3A_312, %parallel_loop3A_247 : vector<16xf32>
        %parallel_loop3A_314 = arith.mulf %parallel_loop3A_248, %get3A_13 : vector<16xf32>
        %parallel_loop3A_315 = arith.mulf %parallel_loop3A_313, %parallel_loop3A_314 : vector<16xf32>
        %parallel_loop3A_316 = arith.addf %parallel_loop3A_315, %get3A_29 : vector<16xf32>
        %parallel_loop3A_317 = arith.index_cast %select_n3A_199 : i32 to index
        %parallel_loop3A_318 = arith.index_cast %parallel_loop3A_245 : i32 to index
        %parallel_loop3A_319 = arith.constant 80 : index
        %parallel_loop3A_320 = tpu.vector_load %arg15[%parallel_loop3A_317, %parallel_loop3A_318, %parallel_loop3A_319] {strides = array<i32>} : memref<2x200x128xf32, #tpu.memory_space<vmem>>, vector<16xf32>,
        tpu.vector_store %arg15[%parallel_loop3A_317, %parallel_loop3A_318, %parallel_loop3A_319], %parallel_loop3A_316 {strides = array<i32>} : memref<2x200x128xf32, #tpu.memory_space<vmem>>, vector<16xf32>,
        %parallel_loop3A_321 = arith.index_cast %select_n3A_199 : i32 to index
        %parallel_loop3A_322 = arith.index_cast %parallel_loop3A_245 : i32 to index
        %parallel_loop3A_323 = arith.constant 96 : index
        %parallel_loop3A_324 = tpu.vector_load %arg15[%parallel_loop3A_321, %parallel_loop3A_322, %parallel_loop3A_323] {strides = array<i32>} : memref<2x200x128xf32, #tpu.memory_space<vmem>>, vector<16xf32>,
        %parallel_loop3A_325 = arith.subf %parallel_loop3A_324, %parallel_loop3A_247 : vector<16xf32>
        %parallel_loop3A_326 = arith.mulf %parallel_loop3A_248, %get3A_15 : vector<16xf32>
        %parallel_loop3A_327 = arith.mulf %parallel_loop3A_325, %parallel_loop3A_326 : vector<16xf32>
        %parallel_loop3A_328 = arith.addf %parallel_loop3A_327, %get3A_31 : vector<16xf32>
        %parallel_loop3A_329 = arith.index_cast %select_n3A_199 : i32 to index
        %parallel_loop3A_330 = arith.index_cast %parallel_loop3A_245 : i32 to index
        %parallel_loop3A_331 = arith.constant 96 : index
        %parallel_loop3A_332 = tpu.vector_load %arg15[%parallel_loop3A_329, %parallel_loop3A_330, %parallel_loop3A_331] {strides = array<i32>} : memref<2x200x128xf32, #tpu.memory_space<vmem>>, vector<16xf32>,
        tpu.vector_store %arg15[%parallel_loop3A_329, %parallel_loop3A_330, %parallel_loop3A_331], %parallel_loop3A_328 {strides = array<i32>} : memref<2x200x128xf32, #tpu.memory_space<vmem>>, vector<16xf32>,
        %parallel_loop3A_333 = arith.index_cast %select_n3A_199 : i32 to index
        %parallel_loop3A_334 = arith.index_cast %parallel_loop3A_245 : i32 to index
        %parallel_loop3A_335 = arith.constant 112 : index
        %parallel_loop3A_336 = tpu.vector_load %arg15[%parallel_loop3A_333, %parallel_loop3A_334, %parallel_loop3A_335] {strides = array<i32>} : memref<2x200x128xf32, #tpu.memory_space<vmem>>, vector<16xf32>,
        %parallel_loop3A_337 = arith.subf %parallel_loop3A_336, %parallel_loop3A_247 : vector<16xf32>
        %parallel_loop3A_338 = arith.mulf %parallel_loop3A_248, %get3A_17 : vector<16xf32>
        %parallel_loop3A_339 = arith.mulf %parallel_loop3A_337, %parallel_loop3A_338 : vector<16xf32>
        %parallel_loop3A_340 = arith.addf %parallel_loop3A_339, %get3A_33 : vector<16xf32>
        %parallel_loop3A_341 = arith.index_cast %select_n3A_199 : i32 to index
        %parallel_loop3A_342 = arith.index_cast %parallel_loop3A_245 : i32 to index
        %parallel_loop3A_343 = arith.constant 112 : index
        %parallel_loop3A_344 = tpu.vector_load %arg15[%parallel_loop3A_341, %parallel_loop3A_342, %parallel_loop3A_343] {strides = array<i32>} : memref<2x200x128xf32, #tpu.memory_space<vmem>>, vector<16xf32>,
        tpu.vector_store %arg15[%parallel_loop3A_341, %parallel_loop3A_342, %parallel_loop3A_343], %parallel_loop3A_340 {strides = array<i32>} : memref<2x200x128xf32, #tpu.memory_space<vmem>>, vector<16xf32>,
      } {sc.loop_unroll_factor = 4 : i64, sc.parallel_access}
      %mul3A_227 = arith.constant 200 : i32
      %mul3A_228 = arith.muli %scan3A_188, %mul3A_227 : i32
      %add3A_229 = arith.addi %mul3A_2, %mul3A_228 : i32
      %dma_start3A_230 = arith.constant 0 : i32
      %dma_start3A_231 = arith.constant 0 : i32
      %dma_start3A_232 = tpu.memref_slice %arg15[%select_n3A_199, %dma_start3A_230, %dma_start3A_231] : memref<2x200x128xf32, #tpu.memory_space<vmem>> -> memref<1x200x128xf32, #tpu.memory_space<vmem>>
      %dma_start3A_233 = tpu.memref_squeeze %dma_start3A_232 : memref<1x200x128xf32, #tpu.memory_space<vmem>> -> memref<200x128xf32, #tpu.memory_space<vmem>>
      %dma_start3A_234 = arith.constant 0 : i32
      %dma_start3A_235 = tpu.memref_slice %arg9[%add3A_229, %dma_start3A_234] : memref<204800x128xf32, #tpu.memory_space<hbm>> -> memref<200x128xf32, #tpu.memory_space<hbm>>
      %dma_start3A_236 = tpu.memref_slice %arg19[%select_n3A_199] : memref<2x!tpu.dma_semaphore, #tpu.memory_space<semaphore_mem>> -> memref<1x!tpu.dma_semaphore, #tpu.memory_space<semaphore_mem>>
      %dma_start3A_237 = tpu.memref_squeeze %dma_start3A_236 : memref<1x!tpu.dma_semaphore, #tpu.memory_space<semaphore_mem>> -> memref<!tpu.dma_semaphore, #tpu.memory_space<semaphore_mem>>
      %dma_start3A_238 = arith.constant 0 : i32
      %dma_start3A_239 = tpu.memref_slice %arg9[%add3A_229, %dma_start3A_238] : memref<204800x128xf32, #tpu.memory_space<hbm>> -> memref<200x128xf32, #tpu.memory_space<hbm>>
      %dma_start3A_240 = arith.constant 0 : i32
      %dma_start3A_241 = arith.constant 0 : i32
      %dma_start3A_242 = tpu.memref_slice %arg15[%select_n3A_199, %dma_start3A_240, %dma_start3A_241] : memref<2x200x128xf32, #tpu.memory_space<vmem>> -> memref<1x200x128xf32, #tpu.memory_space<vmem>>
      %dma_start3A_243 = tpu.memref_squeeze %dma_start3A_242 : memref<1x200x128xf32, #tpu.memory_space<vmem>> -> memref<200x128xf32, #tpu.memory_space<vmem>>
      tpu.enqueue_dma source(%dma_start3A_243 : memref<200x128xf32, #tpu.memory_space<vmem>>) target(%dma_start3A_239 : memref<200x128xf32, #tpu.memory_space<hbm>>) target_semaphore(%dma_start3A_237 : memref<!tpu.dma_semaphore, #tpu.memory_space<semaphore_mem>>)
      %scan3A_244 = arith.constant 0 : i32
      scf.yield %scan3A_244 : i32
    }
    %scan3A_152 = arith.constant 32 : i32
    %add3A_153 = arith.constant 6000 : i32
    %add3A_154 = arith.addi %mul3A_2, %add3A_153 : i32
    %dma_wait3A = arith.constant 0 : i32
    %dma_wait3A_155 = arith.constant 0 : i32
    %dma_wait3A_156 = arith.constant 0 : i32
    %dma_wait3A_157 = arith.constant 0 : i32
    %dma_wait3A_158 = tpu.memref_slice %arg15[%dma_wait3A, %dma_wait3A_156, %dma_wait3A_157] : memref<2x200x128xf32, #tpu.memory_space<vmem>> -> memref<1x200x128xf32, #tpu.memory_space<vmem>>
    %dma_wait3A_159 = tpu.memref_squeeze %dma_wait3A_158 : memref<1x200x128xf32, #tpu.memory_space<vmem>> -> memref<200x128xf32, #tpu.memory_space<vmem>>
    %dma_wait3A_160 = arith.constant 0 : i32
    %dma_wait3A_161 = tpu.memref_slice %arg9[%add3A_154, %dma_wait3A_160] : memref<204800x128xf32, #tpu.memory_space<hbm>> -> memref<200x128xf32, #tpu.memory_space<hbm>>
    %dma_wait3A_162 = tpu.memref_slice %arg19[%dma_wait3A_155] : memref<2x!tpu.dma_semaphore, #tpu.memory_space<semaphore_mem>> -> memref<1x!tpu.dma_semaphore, #tpu.memory_space<semaphore_mem>>
    %dma_wait3A_163 = tpu.memref_squeeze %dma_wait3A_162 : memref<1x!tpu.dma_semaphore, #tpu.memory_space<semaphore_mem>> -> memref<!tpu.dma_semaphore, #tpu.memory_space<semaphore_mem>>
    %dma_wait3A_164 = arith.constant 0 : i32
    %dma_wait3A_165 = tpu.memref_slice %arg9[%add3A_154, %dma_wait3A_164] : memref<204800x128xf32, #tpu.memory_space<hbm>> -> memref<200x128xf32, #tpu.memory_space<hbm>>
    %dma_wait3A_166 = arith.constant 0 : i32
    %dma_wait3A_167 = arith.constant 0 : i32
    %dma_wait3A_168 = tpu.memref_slice %arg15[%dma_wait3A, %dma_wait3A_166, %dma_wait3A_167] : memref<2x200x128xf32, #tpu.memory_space<vmem>> -> memref<1x200x128xf32, #tpu.memory_space<vmem>>
    %dma_wait3A_169 = tpu.memref_squeeze %dma_wait3A_168 : memref<1x200x128xf32, #tpu.memory_space<vmem>> -> memref<200x128xf32, #tpu.memory_space<vmem>>
    tpu.wait_dma2 semaphore(%dma_wait3A_163 : memref<!tpu.dma_semaphore, #tpu.memory_space<semaphore_mem>>) src(%dma_wait3A_169 : memref<200x128xf32, #tpu.memory_space<vmem>>) dst(%dma_wait3A_165 : memref<200x128xf32, #tpu.memory_space<hbm>>)
    %add3A_170 = arith.constant 6200 : i32
    %add3A_171 = arith.addi %mul3A_2, %add3A_170 : i32
    %dma_wait3A_172 = arith.constant 1 : i32
    %dma_wait3A_173 = arith.constant 1 : i32
    %dma_wait3A_174 = arith.constant 0 : i32
    %dma_wait3A_175 = arith.constant 0 : i32
    %dma_wait3A_176 = tpu.memref_slice %arg15[%dma_wait3A_172, %dma_wait3A_174, %dma_wait3A_175] : memref<2x200x128xf32, #tpu.memory_space<vmem>> -> memref<1x200x128xf32, #tpu.memory_space<vmem>>
    %dma_wait3A_177 = tpu.memref_squeeze %dma_wait3A_176 : memref<1x200x128xf32, #tpu.memory_space<vmem>> -> memref<200x128xf32, #tpu.memory_space<vmem>>
    %dma_wait3A_178 = arith.constant 0 : i32
    %dma_wait3A_179 = tpu.memref_slice %arg9[%add3A_171, %dma_wait3A_178] : memref<204800x128xf32, #tpu.memory_space<hbm>> -> memref<200x128xf32, #tpu.memory_space<hbm>>
    %dma_wait3A_180 = tpu.memref_slice %arg19[%dma_wait3A_173] : memref<2x!tpu.dma_semaphore, #tpu.memory_space<semaphore_mem>> -> memref<1x!tpu.dma_semaphore, #tpu.memory_space<semaphore_mem>>
    %dma_wait3A_181 = tpu.memref_squeeze %dma_wait3A_180 : memref<1x!tpu.dma_semaphore, #tpu.memory_space<semaphore_mem>> -> memref<!tpu.dma_semaphore, #tpu.memory_space<semaphore_mem>>
    %dma_wait3A_182 = arith.constant 0 : i32
    %dma_wait3A_183 = tpu.memref_slice %arg9[%add3A_171, %dma_wait3A_182] : memref<204800x128xf32, #tpu.memory_space<hbm>> -> memref<200x128xf32, #tpu.memory_space<hbm>>
    %dma_wait3A_184 = arith.constant 0 : i32
    %dma_wait3A_185 = arith.constant 0 : i32
    %dma_wait3A_186 = tpu.memref_slice %arg15[%dma_wait3A_172, %dma_wait3A_184, %dma_wait3A_185] : memref<2x200x128xf32, #tpu.memory_space<vmem>> -> memref<1x200x128xf32, #tpu.memory_space<vmem>>
    %dma_wait3A_187 = tpu.memref_squeeze %dma_wait3A_186 : memref<1x200x128xf32, #tpu.memory_space<vmem>> -> memref<200x128xf32, #tpu.memory_space<vmem>>
    tpu.wait_dma2 semaphore(%dma_wait3A_181 : memref<!tpu.dma_semaphore, #tpu.memory_space<semaphore_mem>>) src(%dma_wait3A_187 : memref<200x128xf32, #tpu.memory_space<vmem>>) dst(%dma_wait3A_183 : memref<200x128xf32, #tpu.memory_space<hbm>>)
    return
  }
}

</mosaic_0001>

<sc_bundles>
// kernel: _run.3.cloned.1.call-start
scs
__scs_entry_jumppad:
0x0: {  	(pc) =	sbr.rel $0x88, $3  }
0x1: {  	(tag) =	ssettag $0x0;
	lr =	simm.s32 $0x1  }
0x2: {  	[smem:$0x3F9A] =	sst lr;
	_ =	strace $0xD0000000  }
0x3: {  	_ = 	snop  }
0x4: {  	_ = 	snop  }
0x5: {  	_ = 	snop  }
0x6: {  	_ = 	snop  }
0x7: {  	_ = 	snop  }
__scs_overlays_trampoline_lowered:
0x8: {  	[smem:$0x3FA9] =	sst s0  }
0x9: {  	[smem:$0x3FAA] =	sst s1  }
0xa: {  	[smem:$0x3FAB] =	sst s2  }
0xb: {  	[smem:$0x3FAC] =	sst s3  }
0xc: {  	[smem:$0x3FAD] =	sst s4  }
0xd: {  	[smem:$0x3FAE] =	sst s5  }
0xe: {  	[smem:$0x3FAF] =	sst s6  }
0xf: {  	[smem:$0x3FB0] =	sst s7  }
0x10: {  	[smem:$0x3FB1] =	sst s8  }
0x11: {  	[smem:$0x3FB2] =	sst s9;
	s0 =	simm.s32 @!p0 $0x0  }
0x12: {  	s1 =	sld [smem:$0x3F98];
	s0 =	simm.s32 @p0 $0x1  }
0x13: {  	[smem:$0x3FB3] =	sst s0;
	s0 =	simm.s32 @!p1 $0x0  }
0x14: {  	s2 =	sld [smem:$0x3F97];
	s0 =	simm.s32 @p1 $0x1  }
0x15: {  	[smem:$0x3FB4] =	sst s0;
	s0 =	simm.s32 @!p2 $0x0  }
0x16: {  	s3 =	sld [smem:$0x3FDB];
	s0 =	simm.s32 @p2 $0x1  }
0x17: {  	s4 =	simm.s32 $0x1BF5;
	[smem:$0x3FB6] =	sst s0  }
0x18: {  	s0 =	sld [smem:$0x3F99];
	_ =	swait.ge [sflag:s4], $0x0  }
0x19: {  	s7 =	sld [smem:$0x3F9A]  }
0x1a: {  	s8 =	sadd.s32 $0xFFFFE003, lr  }
0x1b: {  	s9 =	sadd.s32 $0xFFFFFEF7, lr;
	s5 =	simm.s32 $0xFFFFFFFF;
	p2 =	slt.u32 s8, $0xFFFFF086  }
0x1c: {  	p1 =	slt.u32 s9, $0xF7A;
	s5 =	simm.s32 @!p2 $0x0  }
0x1d: {  	s5 =	simm.s32 @p1 $0x1;
	p0 =	seq.s32 s7, s2  }
0x1e: {  	s7 =	smul.u32 @!p0 $0xF7A, s2;
	p2 =	seq.s32 @!p0 s5, $0x0  }
0x1f: {  	s9 =	smul.u32 $0xF7A, s1;
	s8 =	simm.s32 @!p0 $0x1BF5;
	p2 =	por !p2, p0  }
0x20: {  	[sflag:s8] =	ssyncset.s32 @!p0 $0xFFFFF086;
	s6 =	sadd.s32 @!p0 s3, s7;
	s7 =	simm.s32 @!p0 $0x108  }
0x21: {  	s3 =	sadd.s32 s3, s9;
	s6 =	sadd.s32 @!p0 $0x88, s6;
	s7 =	simm.s32 @p2 $0x1082  }
0x22: {  	[simem:s7], [sflag:s8] =	dma.local @!p0 [hbm:s6], $0xF7A  }
0x23: {  	s9 =	sor.u32 $0xD0000000, s2;
	s6 =	simm.s32 $0x108;
	_ =	swait.ge @!p0 [sflag:s8], $0x0  }
0x24: {  	s3 =	sadd.s32 $0x88, s3;
	s6 =	simm.s32 @!p1 $0x1082;
	[sflag:s4] =	ssyncset.s32 $0xFFFFF086  }
0x25: {  	[simem:s6], [sflag:s4] =	dma.local [hbm:s3], $0xF7A  }
0x26: {  	[smem:$0x3F9A] =	sst s1;
	(tag) =	ssettag s2;
	_ =	strace s9  }
0x27: {  	s1 =	sld [smem:$0x3FAA]  }
0x28: {  	s2 =	sld [smem:$0x3FAB]  }
0x29: {  	s4 =	sld [smem:$0x3FAD]  }
0x2a: {  	p0 =	seq.s32 s5, $0x0;
	s5 =	sld [smem:$0x3FAE]  }
0x2b: {  	s6 =	sld [smem:$0x3FAF]  }
0x2c: {  	s7 =	sld [smem:$0x3FB0]  }
0x2d: {  	s3 =	simm.s32 $0x108;
	s8 =	sld [smem:$0x3FB1]  }
0x2e: {  	s3 =	simm.s32 @!p0 $0x1082;
	s9 =	sld [smem:$0x3FB2]  }
0x2f: {  	lr =	sadd.s32 s0, s3;
	s0 =	sld [smem:$0x3FA9]  }
0x30: {  	s3 =	sld [smem:$0x3FAC]  }
0x31: {  	[smem:$0x3FB5] =	sst s10  }
0x32: {  	s10 =	sld [smem:$0x3FB3];
	_ =	sdelay $0x3  }
0x33: {  	p0 =	seq.s32 s10, $0x1;
	s10 =	sld [smem:$0x3FB5];
	_ =	sdelay $0x3  }
0x34: {  	[smem:$0x3FB5] =	sst s10  }
0x35: {  	s10 =	sld [smem:$0x3FB4];
	_ =	sdelay $0x3  }
0x36: {  	p1 =	seq.s32 s10, $0x1;
	s10 =	sld [smem:$0x3FB5];
	_ =	sdelay $0x3  }
0x37: {  	[smem:$0x3FB5] =	sst s10  }
0x38: {  	s10 =	sld [smem:$0x3FB6]  }
0x39: {  	_ = 	snop;
	(pc) =	sbr.ind lr, $3  }
0x3a: {  	_ = 	snop  }
0x3b: {  	_ = 	snop  }
0x3c: {  	p2 =	seq.s32 s10, $0x1;
	s10 =	sld [smem:$0x3FB5]  }
0x3d: {  	_ =	shalt  }
0x3e: {  	_ =	shalt  }
0x3f: {  	_ =	shalt  }
0x40: {  	_ =	shalt  }
0x41: {  	_ =	shalt  }
0x42: {  	_ =	shalt  }
0x43: {  	_ =	shalt  }
0x44: {  	_ =	shalt  }
0x45: {  	_ =	shalt  }
0x46: {  	_ =	shalt  }
0x47: {  	_ =	shalt  }
0x48: {  	_ =	shalt  }
0x49: {  	_ =	shalt  }
0x4a: {  	_ =	shalt  }
0x4b: {  	_ =	shalt  }
0x4c: {  	_ =	shalt  }
0x4d: {  	_ =	shalt  }
0x4e: {  	_ =	shalt  }
0x4f: {  	_ =	shalt  }
0x50: {  	_ =	shalt  }
0x51: {  	_ =	shalt  }
0x52: {  	_ =	shalt  }
0x53: {  	_ =	shalt  }
0x54: {  	_ =	shalt  }
0x55: {  	_ =	shalt  }
0x56: {  	_ =	shalt  }
0x57: {  	_ =	shalt  }
0x58: {  	_ =	shalt  }
0x59: {  	_ =	shalt  }
0x5a: {  	_ =	shalt  }
0x5b: {  	_ =	shalt  }
0x5c: {  	_ =	shalt  }
0x5d: {  	_ =	shalt  }
0x5e: {  	_ =	shalt  }
0x5f: {  	_ =	shalt  }
0x60: {  	_ =	shalt  }
0x61: {  	_ =	shalt  }
0x62: {  	_ =	shalt  }
0x63: {  	_ =	shalt  }
0x64: {  	_ =	shalt  }
0x65: {  	_ =	shalt  }
0x66: {  	_ =	shalt  }
0x67: {  	_ =	shalt  }
0x68: {  	_ =	shalt  }
0x69: {  	_ =	shalt  }
0x6a: {  	_ =	shalt  }
0x6b: {  	_ =	shalt  }
0x6c: {  	_ =	shalt  }
0x6d: {  	_ =	shalt  }
0x6e: {  	_ =	shalt  }
0x6f: {  	_ =	shalt  }
0x70: {  	_ =	shalt  }
0x71: {  	_ =	shalt  }
0x72: {  	_ =	shalt  }
0x73: {  	_ =	shalt  }
0x74: {  	_ =	shalt  }
0x75: {  	_ =	shalt  }
0x76: {  	_ =	shalt  }
0x77: {  	_ =	shalt  }
0x78: {  	_ =	shalt  }
0x79: {  	_ =	shalt  }
0x7a: {  	_ =	shalt  }
0x7b: {  	_ =	shalt  }
0x7c: {  	_ =	shalt  }
0x7d: {  	_ =	shalt  }
0x7e: {  	_ =	shalt  }
0x7f: {  	_ =	shalt  }
0x80: {  	_ =	shalt  }
0x81: {  	_ =	shalt  }
0x82: {  	_ =	shalt  }
0x83: {  	_ =	shalt  }
0x84: {  	_ =	shalt  }
0x85: {  	_ =	shalt  }
0x86: {  	_ =	shalt  }
0x87: {  	_ =	shalt  }
.Lfunc_end0:
.L_simem_size_0:
called_computation_lowered:
.L_overlay_start_0:
0x88: {  	s2 =	sld [smem:$0x3FD9]  }
0x89: {  	s3 =	sld [smem:$0x3FFE];
	_ =	sdelay $0x1  }
0x8a: {  	s1 =	srdreg.scid  }
0x8b: {  	s0 =	sand.u32 $0x1, s1  }
0x8c: {  	s18 =	sshll.u32 s0, $0xA;
	s2 =	sadd.s32 s3, s2  }
0x8d: {  	s2 =	sadd.s32 s2, s18  }
0x8e: {  	[smem:$0x3FC1] =	sst s2  }
0x8f: {  	_ = 	snop  }
0x90: {  	s2 =	sld [smem:$0x3FC9]  }
0x91: {  	s19 =	sld [smem:$0x3FC8]  }
0x92: {  	s4 =	sld [smem:$0x3FC7]  }
0x93: {  	s5 =	sld [smem:$0x3FC6]  }
0x94: {  	s6 =	sld [smem:$0x3FC5]  }
0x95: {  	s7 =	sld [smem:$0x3FC4]  }
0x96: {  	s8 =	sld [smem:$0x3FC3]  }
0x97: {  	s9 =	sld [smem:$0x3FD0];
	(tm) =	ssettm $0x1  }
0x98: {  	s10 =	sld [smem:$0x3FFB];
	_ =	sdelay $0x3  }
0x99: {  	_ =	strace s10  }
0x9a: {  	s10 =	sld [smem:$0x3FFC];
	_ =	sdelay $0x3  }
0x9b: {  	_ =	strace s10  }
0x9c: {  	s10 =	sld [smem:$0x3FFD];
	_ =	sdelay $0x3  }
0x9d: {  	_ =	strace s10  }
0x9e: {  	_ =	strace $0x8FFFFFFF  }
0x9f: {  	s20 =	sld [smem:$0x3FDB];
	_ =	sdelay $0x1  }
0xa0: {  	s11 =	simm.s32 $_scs_section_size  }
0xa1: {  	s12 =	simm.s32 $_size__tile_overlayer_lowered;
	s13 =	simm.s32 $_tile_overlayer_lowered  }
0xa2: {  	s23 =	simm.s32 $0x1BFF;
	s22 =	sshll.u32 s13, $0x1;
	s10 =	sadd.s32 s11, s20  }
0xa3: {  	s14 =	simm.s32 $0x0;
	s21 =	sshll.u32 s12, $0x1;
	s12 =	sadd.s32 s22, s10  }
0xa4: {  	[timem:s14], [sflag:s23] =	dma.local [hbm:s12], s21  }
0xa5: {  	_ =	swait.ge [sflag:s23], s21  }
0xa6: {  	s11 =	ssub.s32 $0x0, s21;
	[sflag:s23] =	ssyncset.done $0x0  }
0xa7: {  	[sflag:s23] =	ssyncadd.s32 s11;
	_ =	sdelay $0x1  }
0xa8: {  	s24 =	simm.s32 $0x1B8B  }
0xa9: {  	_ =	swait.ge [sflag:s24], $0x1  }
0xaa: {  	[sflag:s24] =	ssyncset.done $0x0  }
0xab: {  	s25 =	simm.s32 $0x1B8E;
	[sflag:s24] =	ssyncadd.s32 $0xFFFFFFFF  }
0xac: {  	s26 =	simm.s32 $execute0_lowered;
	[smem:$0x3FD2] =	sst s25  }
0xad: {  	s11 =	sshll.u32 s26, $0x1;
	_ =	strace $0x80000046;
	[dreg:$0x1] =	wrdreg $0xFFFFFFFF  }
0xae: {  	s28 =	simm.s32 $_size_execute0_lowered;
	s10 =	sadd.s32 s10, s11;
	[dreg:$0x0] =	wrdreg $0x0  }
0xaf: {  	s11 =	sshll.u32 s28, $0x1;
	[dreg:$0x2] =	wrdreg s10  }
0xb0: {  	[dreg:$0x3] =	wrdreg s11  }
0xb1: {  	[dreg:$0x4] =	wrdreg $0xC0  }
0xb2: {  	_ =	task [dreg:s14], $0x5FFFF  }
0xb3: {  	[dreg:$0x1] =	wrdreg $0xFFFFFFFF  }
0xb4: {  	[dreg:$0x0] =	wrdreg $0x60  }
0xb5: {  	[dreg:$0x2] =	wrdreg s2  }
0xb6: {  	[dreg:$0x3] =	wrdreg s19  }
0xb7: {  	[dreg:$0x4] =	wrdreg s4  }
0xb8: {  	[dreg:$0x5] =	wrdreg s5  }
0xb9: {  	[dreg:$0x6] =	wrdreg s6  }
0xba: {  	[dreg:$0x7] =	wrdreg s7  }
0xbb: {  	[dreg:$0x8] =	wrdreg s8  }
0xbc: {  	[dreg:$0x9] =	wrdreg s9  }
0xbd: {  	[dreg:$0xa] =	wrdreg $0x9  }
0xbe: {  	_ =	task.clear_ibuf [dreg:s14], $0xBFFFF;
	_ =	strace $0x90000046  }
0xbf: {  	s29 =	simm.s32 $0x9;
	_ =	strace $0x80000048  }
0xc0: {  	_ =	swait.ge [sflag:s29], $0x1  }
0xc1: {  	[sflag:s29] =	ssyncadd.s32 $0xFFFFFFFF  }
0xc2: {  	_ =	strace $0x90000048  }
0xc3: {  	_ =	sfence  }
0xc4: {  	s30 =	sld [smem:$0x0];
	_ =	sdelay $0x2  }
0xc5: {  	s31 =	sshll.u32 s1, $0xD;
	s1 =	sshrl.u32 s1, $0x2  }
0xc6: {  	s3 =	sand.u32 $0x4000, s31;
	s1 =	sadd.s32 s1, s30  }
0xc7: {  	s0 =	sor.u32 s3, s0;
	s1 =	sshll.u32 s1, $0x11  }
0xc8: {  	s0 =	sor.u32 s1, s0  }
0xc9: {  	s0 =	sadd.s32 $0x8F2B, s0  }
0xca: {  	[sflag:s0] =	ssyncadd.remote.s32 $0x1  }
0xcb: {  	_ =	sfence.sel $0xFFFF  }
0xcc: {  	[dreg:$0x0] =	wrdreg $0xFFFFFFFF;
	(pc) =	sbr.abs _section_cstart, $3  }
0xcd: {  	[dreg:$0x1] =	wrdreg $0xFFFFFFFF  }
0xce: {  	_ =	task.clear_ibuf [dreg:s14], $0x2FFFF;
	_ =	strace $0x9FFFFFFF  }
0xcf: {  	(tm) =	ssettm $0x7FFFFFFF  }
tec
execute0_lowered:
.L_overlay_start_1:
0x0: {  	(tag) =	ssettag $0x1  }
0x1: {  	s0 =	rddreg [dreg:$0x0]  }
0x2: {  	s2 =	srdreg.scid;
	s3 =	stileid.u32  }
0x3: {  	s1 =	rddreg [dreg:$0x1];
	s2 =	sand.u32 $0x1, s2;
	s3 =	sshll.u32 s3, $0x1  }
0x4: {  	s8 =	simm.s32 $0x0;
	s3 =	sor.u32 s2, s3;
	s2 =	ssub.s32 $0x2, s2  }
0x5: {  	s4 =	simm.s32 $0xFB10;
	s9 =	smul.u32 $0x1900, s3;
	s28 =	sshrl.u32 s2, $0x1  }
.Ltmp0:
0x6: {  	s20 =	simm.s32 $0x1C310;
	vm0 =	vcmask $0x3F3C;
	s2 =	ssub.s32 s2, s28;
	(pc) =	sbr.rel .LBB2_1-.Ltmp0, $4  }
0x7: {  	[smem:$0x7FF] =	sst s8;
	s29 =	sshrl.u32 s9, $0x3;
	s31 =	smax.u32 s2, $0x1  }
0x8: {  	_ =	strace $0x80000047;
	s0 =	sadd.s32 s0, s29;
	[dreg:$0xb] =	wrdreg s31  }
0x9: {  	s21 =	simm.s32 $0x1C3E8;
	s30 =	sadd.s32 s1, s29;
	[dreg:$0x9] =	wrdreg s0  }
0xa: {  	s3 =	simm.s32 $0xC900;
	s2 =	simm.s32 $0x0;
	[dreg:$0xa] =	wrdreg s30  }
.LBB2_23:
0xb: {  	s0 =	simm.s32 $0x3  }
0xc: {  	_ =	swait.ge [sflag:s0], $0x6400  }
0xd: {  	[sflag:s0] =	ssyncset.done $0x0  }
0xe: {  	s1 =	simm.s32 $0x4;
	[sflag:s0] =	ssyncadd.s32 $0xFFFF9C00  }
0xf: {  	_ =	swait.ge [sflag:s1], $0x6400  }
0x10: {  	s2 =	rddreg [dreg:$0xc]  }
0x11: {  	s31 =	rddreg [dreg:$0xb];
	s2 =	sadd.s32 $0x1, s2  }
0x12: {  	p0 =	sne.s32 s2, s31  }
.Ltmp1:
0x13: {  	_ = 	snop;
	(pc) =	sbr.rel @!p0 .LBB2_24-.Ltmp1, $3  }
0x14: {  	_ =	sdelay $0x1  }
0x15: {  	[sflag:s1] =	ssyncset.done $0x0  }
0x16: {  	s3 =	simm.s32 $0xC900;
	s4 =	simm.s32 $0xFB10;
	[sflag:s1] =	ssyncadd.s32 $0xFFFF9C00  }
.LBB2_1:
0x17: {  	[dreg:$0xc] =	wrdreg s2  }
0x18: {  	s0 =	rddreg [dreg:$0x9];
	s1 =	simm.s32 $0x5  }
0x19: {  	[tilespmem:s3], [sflag:$0x5] =	stream.linear.gather [hbm4b:s0+s8], $0x1900, $0x38;
	[tilespmem:$0x1C4C0] =	vst v63  }
0x1a: {  	_ =	swait.ge [sflag:s1], $0x1900  }
0x1b: {  	[sflag:s1] =	ssyncset.done $0x0  }
0x1c: {  	s24 =	simm.s32 $0xE200;
	s23 =	rddreg [dreg:$0xa];
	[sflag:s1] =	ssyncadd.s32 $0xFFFFE700  }
0x1d: {  	[tilespmem:s24], [sflag:$0x5] =	stream.linear.gather [hbm4b:s23+s8], $0x1900, $0x38;
	[tilespmem:$0x1C4C0] =	vst v63  }
0x1e: {  	_ =	swait.ge [sflag:s1], $0x1900  }
0x1f: {  	[sflag:s1] =	ssyncset.done $0x0  }
0x20: {  	[sflag:s1] =	ssyncadd.s32 $0xFFFFE700  }
0x21: {  	s25 =	rddreg [dreg:$0x3]  }
0x22: {  	[tilespmem:s8], [sflag:$0x5] =	stream.linear.gather [hbm4b:s25+s8], $0x6400, $0x38;
	[tilespmem:$0x1C4C0] =	vst v63  }
0x23: {  	_ =	swait.ge [sflag:s1], $0x6400  }
0x24: {  	[sflag:s1] =	ssyncset.done $0x0  }
0x25: {  	[sflag:s1] =	ssyncadd.s32 $0xFFFF9C00  }
0x26: {  	s28 =	simm.s32 $0xC800;
	s26 =	rddreg [dreg:$0x5]  }
0x27: {  	[tilespmem:s28], [sflag:$0x5] =	stream.linear.gather [hbm4b:s26+s8], $0x80, $0x38;
	[tilespmem:$0x1C4C0] =	vst v63  }
0x28: {  	_ =	swait.ge [sflag:s1], $0x80  }
0x29: {  	[sflag:s1] =	ssyncset.done $0x0  }
0x2a: {  	[sflag:s1] =	ssyncadd.s32 $0xFFFFFF80  }
0x2b: {  	s30 =	simm.s32 $0xC880;
	s29 =	rddreg [dreg:$0x6]  }
0x2c: {  	[tilespmem:s30], [sflag:$0x5] =	stream.linear.gather [hbm4b:s29+s8], $0x80, $0x38;
	[tilespmem:$0x1C4C0] =	vst v63  }
0x2d: {  	_ =	swait.ge [sflag:s1], $0x80  }
0x2e: {  	[sflag:s1] =	ssyncset.done $0x0  }
0x2f: {  	[sflag:s1] =	ssyncadd.s32 $0xFFFFFF80  }
0x30: {  	v0 =	vld [tilespmem:$0xC800];
	_ =	sdelay $0x4  }
0x31: {  	[tilespmem:$0x1FF50] =	vst v0;
	v0 =	vld [tilespmem:$0xC810];
	_ =	sdelay $0x4  }
0x32: {  	[tilespmem:$0x1FF60] =	vst v0;
	v0 =	vld [tilespmem:$0xC820];
	_ =	sdelay $0x4  }
0x33: {  	[tilespmem:$0x1FF70] =	vst v0;
	v0 =	vld [tilespmem:$0xC830];
	_ =	sdelay $0x4  }
0x34: {  	[tilespmem:$0x1FF80] =	vst v0;
	v0 =	vld [tilespmem:$0xC840];
	_ =	sdelay $0x4  }
0x35: {  	[tilespmem:$0x1FF90] =	vst v0;
	v0 =	vld [tilespmem:$0xC850];
	_ =	sdelay $0x4  }
0x36: {  	[tilespmem:$0x1FFA0] =	vst v0;
	v0 =	vld [tilespmem:$0xC860];
	_ =	sdelay $0x4  }
0x37: {  	[tilespmem:$0x1FFB0] =	vst v0;
	v0 =	vld [tilespmem:$0xC870];
	_ =	sdelay $0x4  }
0x38: {  	[tilespmem:$0x1FFC0] =	vst v0;
	v0 =	vld [tilespmem:$0xC880];
	_ =	sdelay $0x4  }
0x39: {  	[tilespmem:$0x1FFD0] =	vst v0;
	v0 =	vld [tilespmem:$0xC890];
	_ =	sdelay $0x3  }
0x3a: {  	v4 =	vld [tilespmem:$0xC8A0]  }
0x3b: {  	[tilespmem:$0x1FFE0] =	vst v0;
	v0 =	vld [tilespmem:$0xC8B0]  }
0x3c: {  	v5 =	vld [tilespmem:$0xC8C0]  }
0x3d: {  	v6 =	vld [tilespmem:$0xC8D0]  }
0x3e: {  	v7 =	vld [tilespmem:$0xC8E0];
	s31 =	rddreg [dreg:$0x4]  }
0x3f: {  	v8 =	vld [tilespmem:$0xC8F0];
	[tilespmem:s4], [sflag:$0x5] =	stream.linear.gather [hbm4b:s31+s8], $0x100, $0x38  }
0x40: {  	[tilespmem:$0x1FFF0] =	vst v0  }
0x41: {  	_ =	swait.ge [sflag:s1], $0x100  }
0x42: {  	[sflag:s1] =	ssyncset.done $0x0  }
0x43: {  	[sflag:s1] =	ssyncadd.s32 $0xFFFFFF00  }
0x44: {  	v9 =	vld [tilespmem:$0xFB10]  }
0x45: {  	v10 =	vld [tilespmem:$0xFB20]  }
0x46: {  	v18 =	vld [tilespmem:$0xFB30]  }
0x47: {  	v19 =	vld [tilespmem:$0xFB40]  }
0x48: {  	v20 =	vld [tilespmem:$0xFB50]  }
0x49: {  	v21 =	vld [tilespmem:$0xFB60]  }
0x4a: {  	v22 =	vld [tilespmem:$0xFB70]  }
0x4b: {  	v23 =	vld [tilespmem:$0xFB80]  }
0x4c: {  	v24 =	vld [tilespmem:$0xFB90]  }
0x4d: {  	v25 =	vld [tilespmem:$0xFBA0]  }
0x4e: {  	v26 =	vld [tilespmem:$0xFBB0]  }
0x4f: {  	v27 =	vld [tilespmem:$0xFBC0]  }
0x50: {  	v28 =	vld [tilespmem:$0xFBD0]  }
0x51: {  	v0 =	vld [tilespmem:s8+$0x1F0]  }
0x52: {  	v1 =	vld [tilespmem:s8+$0x10]  }
0x53: {  	v29 =	vld [tilespmem:$0xFBE0]  }
0x54: {  	v2 =	vld [tilespmem:s8+$0x20]  }
0x55: {  	v30 =	vld [tilespmem:$0xFBF0]  }
0x56: {  	v31 =	vld [tilespmem:$0xFC00]  }
0x57: {  	v41 =	vld [tilespmem:s8+$0x60];
	v32 =	vadd.f32 v0, v23  }
0x58: {  	v47 =	vld [tilespmem:s8+$0xC0];
	v33 =	vadd.f32 v1, v25  }
0x59: {  	v53 =	vld [tilespmem:s8+$0x110];
	v1 =	vadd.f32 v1, v10;
	[tilespmem:s8+$0x1F0] =	vst v32  }
0x5a: {  	v59 =	vld [tilespmem:s8+$0x170];
	v39 =	vadd.f32 v2, v26;
	[tilespmem:s8+$0x6410] =	vst v33  }
0x5b: {  	v3 =	vld [tilespmem:s8+$0x30];
	v2 =	vadd.f32 v2, v18;
	[tilespmem:s8+$0x10] =	vst v1  }
0x5c: {  	v42 =	vadd.f32 v41, v30;
	[tilespmem:s8+$0x6420] =	vst v39  }
0x5d: {  	v34 =	vld [tilespmem:s8+$0x40];
	v48 =	vadd.f32 v47, v28;
	[tilespmem:s8+$0x20] =	vst v2  }
0x5e: {  	v54 =	vadd.f32 v53, v25;
	[tilespmem:s8+$0x6460] =	vst v42  }
0x5f: {  	v40 =	vld [tilespmem:s8+$0x50];
	v60 =	vadd.f32 v59, v31;
	[tilespmem:s8+$0x64C0] =	vst v48  }
0x60: {  	v1 =	vadd.f32 v3, v27;
	[tilespmem:s8+$0x6510] =	vst v54  }
0x61: {  	v3 =	vadd.f32 v3, v19;
	[tilespmem:s8+$0x6570] =	vst v60  }
0x62: {  	v44 =	vld [tilespmem:s8+$0xA0];
	v2 =	vadd.f32 v34, v28;
	[tilespmem:s8+$0x6430] =	vst v1  }
0x63: {  	v46 =	vld [tilespmem:s8+$0xB0];
	v34 =	vadd.f32 v34, v20;
	[tilespmem:s8+$0x30] =	vst v3  }
0x64: {  	v33 =	vadd.f32 v40, v21;
	[tilespmem:s8+$0x6440] =	vst v2  }
0x65: {  	v50 =	vld [tilespmem:s8+$0x0];
	v32 =	vadd.f32 v41, v22;
	[tilespmem:s8+$0x40] =	vst v34  }
0x66: {  	v1 =	vld [tilespmem:s8+$0x70];
	v3 =	vadd.f32 v40, v29;
	[tilespmem:s8+$0x50] =	vst v33  }
0x67: {  	v2 =	vld [tilespmem:s8+$0x80];
	[tilespmem:s8+$0x60] =	vst v32;
	v34 =	vadd.f32 v44, v18  }
0x68: {  	v33 =	vadd.f32 v46, v19;
	[tilespmem:s8+$0x6450] =	vst v3;
	v3 =	vld [tilespmem:s8+$0x90]  }
0x69: {  	v32 =	vadd.f32 v47, v20;
	[tilespmem:s8+$0xA0] =	vst v34  }
0x6a: {  	[tilespmem:s8+$0xB0] =	vst v33;
	v34 =	vadd.f32 v50, v9  }
0x6b: {  	[tilespmem:s8+$0xC0] =	vst v32;
	v43 =	vadd.f32 v1, v31;
	v1 =	vadd.f32 v1, v23  }
0x6c: {  	v52 =	vld [tilespmem:s8+$0x100];
	[tilespmem:s8+$0x0] =	vst v34;
	v45 =	vadd.f32 v2, v24;
	v2 =	vadd.f32 v2, v9  }
0x6d: {  	[tilespmem:s8+$0x70] =	vst v1;
	v1 =	vadd.f32 v3, v25  }
0x6e: {  	v56 =	vld [tilespmem:s8+$0x150];
	v3 =	vadd.f32 v3, v10;
	[tilespmem:s8+$0x80] =	vst v2  }
0x6f: {  	v58 =	vld [tilespmem:s8+$0x160];
	v2 =	vadd.f32 v44, v26;
	[tilespmem:s8+$0x6490] =	vst v1  }
0x70: {  	v1 =	vld [tilespmem:s8+$0xD0];
	[tilespmem:s8+$0x90] =	vst v3;
	v3 =	vadd.f32 v46, v27  }
0x71: {  	v33 =	vadd.f32 v52, v9;
	[tilespmem:s8+$0x64A0] =	vst v2;
	v2 =	vld [tilespmem:s8+$0xE0]  }
0x72: {  	v32 =	vadd.f32 v53, v10;
	[tilespmem:s8+$0x64B0] =	vst v3;
	v3 =	vld [tilespmem:s8+$0xF0]  }
0x73: {  	[tilespmem:s8+$0x100] =	vst v33;
	v34 =	vadd.f32 v56, v21  }
0x74: {  	[tilespmem:s8+$0x110] =	vst v32;
	v33 =	vadd.f32 v58, v22  }
0x75: {  	[tilespmem:s8+$0x150] =	vst v34;
	v49 =	vadd.f32 v1, v29;
	v1 =	vadd.f32 v1, v21  }
0x76: {  	[tilespmem:s8+$0x160] =	vst v33;
	v51 =	vadd.f32 v2, v30;
	v2 =	vadd.f32 v2, v22  }
0x77: {  	[tilespmem:s8+$0xD0] =	vst v1;
	v1 =	vadd.f32 v3, v31  }
0x78: {  	v3 =	vadd.f32 v3, v23;
	[tilespmem:s8+$0xE0] =	vst v2  }
0x79: {  	v2 =	vadd.f32 v50, v24;
	[tilespmem:s8+$0x64F0] =	vst v1  }
0x7a: {  	v1 =	vld [tilespmem:s8+$0x120];
	[tilespmem:s8+$0xF0] =	vst v3;
	v3 =	vadd.f32 v52, v24  }
0x7b: {  	v32 =	vadd.f32 v59, v23;
	[tilespmem:s8+$0x6400] =	vst v2;
	v2 =	vld [tilespmem:s8+$0x130]  }
0x7c: {  	[tilespmem:s8+$0x6500] =	vst v3;
	v3 =	vld [tilespmem:s8+$0x140]  }
0x7d: {  	[tilespmem:s8+$0x170] =	vst v32  }
0x7e: {  	[tilespmem:s8+$0x6470] =	vst v43  }
0x7f: {  	[tilespmem:s8+$0x6480] =	vst v45;
	v55 =	vadd.f32 v1, v26;
	v1 =	vadd.f32 v1, v18  }
0x80: {  	[tilespmem:s8+$0x64D0] =	vst v49;
	v57 =	vadd.f32 v2, v27;
	v2 =	vadd.f32 v2, v19  }
0x81: {  	[tilespmem:s8+$0x120] =	vst v1;
	v1 =	vadd.f32 v3, v28  }
0x82: {  	v3 =	vadd.f32 v3, v20;
	[tilespmem:s8+$0x130] =	vst v2  }
0x83: {  	v2 =	vadd.f32 v56, v29;
	[tilespmem:s8+$0x6540] =	vst v1;
	v1 =	vld [tilespmem:s8+$0x180]  }
0x84: {  	[tilespmem:s8+$0x140] =	vst v3  }
0x85: {  	v3 =	vadd.f32 v58, v30;
	[tilespmem:s8+$0x6550] =	vst v2;
	v2 =	vld [tilespmem:s8+$0x190]  }
0x86: {  	[tilespmem:s8+$0x64E0] =	vst v51  }
0x87: {  	[tilespmem:s8+$0x6560] =	vst v3;
	v3 =	vld [tilespmem:s8+$0x1A0]  }
0x88: {  	v62 =	vld [tilespmem:s8+$0x1B0];
	[tilespmem:s8+$0x6520] =	vst v55;
	v61 =	vadd.f32 v1, v24  }
0x89: {  	v35 =	vld [tilespmem:s8+$0x1C0];
	[tilespmem:s8+$0x6530] =	vst v57;
	v1 =	vadd.f32 v1, v9  }
0x8a: {  	v37 =	vld [tilespmem:s8+$0x1D0];
	v63 =	vadd.f32 v2, v25;
	[tilespmem:s8+$0x6580] =	vst v61  }
0x8b: {  	v38 =	vld [tilespmem:s8+$0x1E0];
	v2 =	vadd.f32 v2, v10;
	[tilespmem:s8+$0x180] =	vst v1  }
0x8c: {  	[tilespmem:s8+$0x6590] =	vst v63;
	v1 =	vadd.f32 v3, v26  }
0x8d: {  	v32 =	vadd.f32 v0, v31;
	[tilespmem:s8+$0x190] =	vst v2;
	v0 =	vadd.f32 v3, v18  }
0x8e: {  	v36 =	vadd.f32 v35, v28;
	v2 =	vadd.f32 v62, v19;
	[tilespmem:s8+$0x65A0] =	vst v1  }
0x8f: {  	v33 =	vadd.f32 v35, v20;
	v1 =	vadd.f32 v62, v27;
	[tilespmem:s8+$0x1A0] =	vst v0  }
0x90: {  	v34 =	vadd.f32 v37, v29;
	v35 =	vadd.f32 v38, v30;
	[tilespmem:s8+$0x1B0] =	vst v2  }
0x91: {  	s2 =	simm.s32 $0x200;
	s0 =	simm.s32 $0x0;
	s1 =	simm.s32 $0x0;
	v0 =	vadd.f32 v38, v22;
	[tilespmem:s8+$0x65B0] =	vst v1;
	v1 =	vadd.f32 v37, v21  }
.LBB2_2:
0x92: {  	v2 =	vld [tilespmem:s2+$0x1F0];
	s1 =	sadd.s32 $0x4, s1;
	[tilespmem:s0+$0x65C0] =	vst v36  }
0x93: {  	v3 =	vld [tilespmem:s2+$0x10];
	p0 =	slt.u32 s1, $0xC4;
	[tilespmem:s0+$0x1C0] =	vst v33  }
0x94: {  	v33 =	vld [tilespmem:s2+$0x20];
	[tilespmem:s0+$0x65D0] =	vst v34  }
0x95: {  	v34 =	vld [tilespmem:s2+$0x30];
	[tilespmem:s0+$0x1D0] =	vst v1  }
0x96: {  	v1 =	vld [tilespmem:s2+$0x40];
	[tilespmem:s0+$0x65E0] =	vst v35  }
0x97: {  	v35 =	vld [tilespmem:s2+$0x50];
	v36 =	vadd.f32 v2, v31;
	v2 =	vadd.f32 v2, v23;
	[tilespmem:s0+$0x1E0] =	vst v0  }
0x98: {  	v0 =	vadd.f32 v3, v25;
	v3 =	vadd.f32 v3, v10;
	v37 =	vld [tilespmem:s2+$0x60];
	[tilespmem:s0+$0x65F0] =	vst v32;
	s0 =	smov.u32 s2  }
0x99: {  	v38 =	vadd.f32 v33, v26;
	v33 =	vadd.f32 v33, v18;
	v39 =	vld [tilespmem:s2+$0x70];
	[tilespmem:s2+$0x1F0] =	vst v2;
	v32 =	vmov v36  }
0x9a: {  	[tilespmem:s2+$0x6410] =	vst v0;
	v0 =	vadd.f32 v34, v27;
	v2 =	vadd.f32 v34, v19;
	v34 =	vld [tilespmem:s2+$0x80]  }
0x9b: {  	[tilespmem:s2+$0x10] =	vst v3;
	v3 =	vadd.f32 v1, v28;
	v1 =	vadd.f32 v1, v20;
	v36 =	vld [tilespmem:s2+$0x90]  }
0x9c: {  	[tilespmem:s2+$0x6420] =	vst v38;
	v38 =	vadd.f32 v35, v29;
	v35 =	vadd.f32 v35, v21;
	v40 =	vld [tilespmem:s2+$0xA0]  }
0x9d: {  	[tilespmem:s2+$0x20] =	vst v33;
	v33 =	vadd.f32 v37, v30;
	v37 =	vadd.f32 v37, v22;
	v41 =	vld [tilespmem:s2+$0xB0]  }
0x9e: {  	[tilespmem:s2+$0x6430] =	vst v0;
	v0 =	vadd.f32 v39, v31;
	v39 =	vadd.f32 v39, v23;
	v42 =	vld [tilespmem:s2+$0xC0]  }
0x9f: {  	[tilespmem:s2+$0x30] =	vst v2;
	v2 =	vadd.f32 v34, v24;
	v34 =	vadd.f32 v34, v9;
	v43 =	vld [tilespmem:s2+$0xD0]  }
0xa0: {  	[tilespmem:s2+$0x6440] =	vst v3;
	v3 =	vadd.f32 v36, v25;
	v36 =	vadd.f32 v36, v10;
	v44 =	vld [tilespmem:s2+$0xE0]  }
0xa1: {  	[tilespmem:s2+$0x40] =	vst v1;
	v1 =	vadd.f32 v40, v26;
	v40 =	vadd.f32 v40, v18;
	v45 =	vld [tilespmem:s2+$0xF0]  }
0xa2: {  	[tilespmem:s2+$0x6450] =	vst v38;
	v38 =	vadd.f32 v41, v27;
	v41 =	vadd.f32 v41, v19;
	v46 =	vld [tilespmem:s2+$0x100]  }
0xa3: {  	[tilespmem:s2+$0x50] =	vst v35;
	v35 =	vadd.f32 v42, v28;
	v42 =	vadd.f32 v42, v20;
	v47 =	vld [tilespmem:s2+$0x110]  }
0xa4: {  	[tilespmem:s2+$0x6460] =	vst v33;
	v33 =	vadd.f32 v43, v29;
	v43 =	vadd.f32 v43, v21;
	v48 =	vld [tilespmem:s2+$0x120]  }
0xa5: {  	[tilespmem:s2+$0x60] =	vst v37;
	v37 =	vadd.f32 v44, v30;
	v44 =	vadd.f32 v44, v22;
	v49 =	vld [tilespmem:s2+$0x130]  }
0xa6: {  	[tilespmem:s2+$0x6470] =	vst v0;
	v50 =	vadd.f32 v45, v31;
	v45 =	vadd.f32 v45, v23;
	v0 =	vld [tilespmem:s2+$0x140]  }
0xa7: {  	[tilespmem:s2+$0x70] =	vst v39;
	v39 =	vadd.f32 v46, v24;
	v46 =	vadd.f32 v46, v9;
	v51 =	vld [tilespmem:s2+$0x150]  }
0xa8: {  	[tilespmem:s2+$0x6480] =	vst v2;
	v2 =	vadd.f32 v47, v25;
	v47 =	vadd.f32 v47, v10;
	v52 =	vld [tilespmem:s2+$0x160]  }
0xa9: {  	[tilespmem:s2+$0x80] =	vst v34;
	v53 =	vadd.f32 v48, v26;
	v48 =	vadd.f32 v48, v18;
	v34 =	vld [tilespmem:s2+$0x170]  }
0xaa: {  	[tilespmem:s2+$0x6490] =	vst v3;
	v3 =	vadd.f32 v49, v27;
	v49 =	vadd.f32 v49, v19;
	v54 =	vld [tilespmem:s2+$0x180]  }
0xab: {  	[tilespmem:s2+$0x90] =	vst v36;
	v55 =	vadd.f32 v0, v28;
	v56 =	vadd.f32 v0, v20;
	v0 =	vld [tilespmem:s2+$0x190]  }
0xac: {  	[tilespmem:s2+$0x64A0] =	vst v1;
	v57 =	vadd.f32 v51, v29;
	v51 =	vadd.f32 v51, v21;
	v1 =	vld [tilespmem:s2+$0x1A0]  }
0xad: {  	[tilespmem:s2+$0xA0] =	vst v40;
	v40 =	vadd.f32 v52, v30;
	v52 =	vadd.f32 v52, v22;
	v36 =	vld [tilespmem:s2+$0x1B0]  }
0xae: {  	[tilespmem:s2+$0x64B0] =	vst v38;
	v38 =	vadd.f32 v34, v31;
	v58 =	vadd.f32 v34, v23;
	v34 =	vld [tilespmem:s2+$0x1C0]  }
0xaf: {  	[tilespmem:s2+$0xB0] =	vst v41;
	v41 =	vadd.f32 v54, v24;
	v54 =	vadd.f32 v54, v9;
	v59 =	vld [tilespmem:s2+$0x1D0]  }
0xb0: {  	[tilespmem:s2+$0x64C0] =	vst v35;
	v60 =	vadd.f32 v0, v25;
	v61 =	vadd.f32 v0, v10;
	v0 =	vld [tilespmem:s2+$0x1E0]  }
0xb1: {  	v62 =	vld [tilespmem:s2+$0x0];
	[tilespmem:s2+$0xC0] =	vst v42;
	v42 =	vadd.f32 v1, v26;
	v63 =	vadd.f32 v1, v18  }
0xb2: {  	[tilespmem:s2+$0x64D0] =	vst v33;
	v16 =	vadd.f32 v36, v27;
	v17 =	vadd.f32 v36, v19  }
0xb3: {  	[tilespmem:s2+$0xD0] =	vst v43;
	v36 =	vadd.f32 v34, v28;
	v33 =	vadd.f32 v34, v20  }
0xb4: {  	[tilespmem:s2+$0x64E0] =	vst v37;
	v34 =	vadd.f32 v59, v29;
	v1 =	vadd.f32 v59, v21  }
0xb5: {  	[tilespmem:s2+$0xE0] =	vst v44;
	v35 =	vadd.f32 v0, v30;
	v0 =	vadd.f32 v0, v22  }
0xb6: {  	v37 =	vadd.f32 v62, v24;
	v43 =	vadd.f32 v62, v9;
	[tilespmem:s2+$0x64F0] =	vst v50  }
0xb7: {  	[tilespmem:s2+$0xF0] =	vst v45  }
0xb8: {  	[tilespmem:s2+$0x6400] =	vst v37  }
0xb9: {  	[tilespmem:s2+$0x0] =	vst v43  }
0xba: {  	[tilespmem:s2+$0x6500] =	vst v39  }
0xbb: {  	[tilespmem:s2+$0x100] =	vst v46  }
0xbc: {  	[tilespmem:s2+$0x6510] =	vst v2  }
0xbd: {  	[tilespmem:s2+$0x110] =	vst v47  }
0xbe: {  	[tilespmem:s2+$0x6520] =	vst v53  }
0xbf: {  	[tilespmem:s2+$0x120] =	vst v48  }
0xc0: {  	[tilespmem:s2+$0x6530] =	vst v3  }
0xc1: {  	[tilespmem:s2+$0x130] =	vst v49  }
0xc2: {  	[tilespmem:s2+$0x6540] =	vst v55  }
0xc3: {  	[tilespmem:s2+$0x140] =	vst v56  }
0xc4: {  	[tilespmem:s2+$0x6550] =	vst v57  }
0xc5: {  	[tilespmem:s2+$0x150] =	vst v51  }
0xc6: {  	[tilespmem:s2+$0x6560] =	vst v40  }
0xc7: {  	[tilespmem:s2+$0x160] =	vst v52  }
0xc8: {  	[tilespmem:s2+$0x6570] =	vst v38  }
0xc9: {  	[tilespmem:s2+$0x170] =	vst v58  }
0xca: {  	[tilespmem:s2+$0x6580] =	vst v41  }
0xcb: {  	[tilespmem:s2+$0x180] =	vst v54  }
0xcc: {  	[tilespmem:s2+$0x6590] =	vst v60  }
.Ltmp2:
0xcd: {  	[tilespmem:s2+$0x190] =	vst v61;
	(pc) =	sbr.rel @p0 .LBB2_2-.Ltmp2, $4  }
0xce: {  	[tilespmem:s2+$0x65A0] =	vst v42  }
0xcf: {  	[tilespmem:s2+$0x1A0] =	vst v63  }
0xd0: {  	[tilespmem:s2+$0x65B0] =	vst v16  }
0xd1: {  	s2 =	sadd.s32 $0x200, s2;
	[tilespmem:s0+$0x1B0] =	vst v17  }
0xd2: {  	[tilespmem:s0+$0x65C0] =	vst v36  }
0xd3: {  	[tilespmem:s0+$0x1C0] =	vst v33  }
0xd4: {  	[tilespmem:s0+$0x65D0] =	vst v34  }
0xd5: {  	[tilespmem:s0+$0x1D0] =	vst v1  }
0xd6: {  	[tilespmem:s0+$0x65E0] =	vst v35  }
0xd7: {  	[tilespmem:s0+$0x1E0] =	vst v0  }
0xd8: {  	[tilespmem:s0+$0x65F0] =	vst v32;
	s31 =	rddreg [dreg:$0x2];
	s1 =	simm.s32 $0xC8  }
0xd9: {  	[tilespmem:s4], [sflag:$0x1] =	stream.indirect.gather [hbm4b:s31+s1], $0x80, s3, s1, $0xb8;
	[tilespmem:$0x1C4C0] =	vst v63  }
0xda: {  	[tilespmem:$0x1FF00] =	vst v4  }
0xdb: {  	[tilespmem:$0x1FF10] =	vst v5  }
0xdc: {  	[tilespmem:$0x1FF20] =	vst v6  }
0xdd: {  	s5 =	simm.s32 $0x0;
	[tilespmem:$0x1FF30] =	vst v7  }
0xde: {  	s25 =	simm.s32 $0xE203;
	p0 =	por $0x0, $0x0;
	s26 =	simm.s32 $0x0;
	[tilespmem:$0x1FF40] =	vst v8  }
.LBB2_4:
0xdf: {  	p1 =	seq.s32 s5, $0x0  }
.Ltmp3:
0xe0: {  	_ = 	snop;
	(pc) =	sbr.rel @p1 .LBB2_7-.Ltmp3, $3  }
0xe1: {  	_ =	sdelay $0x1  }
0xe2: {  	s29 =	sand.u32 $0x1, s5  }
0xe3: {  	s28 =	sadd.s32 $0x1, s5;
	s0 =	sxor.u32 $0x1, s29  }
0xe4: {  	p1 =	seq.s32 s5, $0x1F  }
.Ltmp4:
0xe5: {  	_ = 	snop;
	(pc) =	sbr.rel @p1 .LBB2_8-.Ltmp4, $1  }
0xe6: {  	_ =	sdelay $0x3  }
0xe7: {  	s1 =	sadd.s32 $0x3, s0  }
0xe8: {  	_ =	swait.ge [sflag:s1], $0x6400  }
0xe9: {  	[sflag:s1] =	ssyncset.done $0x0  }
0xea: {  	[sflag:s1] =	ssyncadd.s32 $0xFFFF9C00  }
.LBB2_7:
0xeb: {  	s1 =	smul.u32 $0x19000, s0  }
0xec: {  	s2 =	smul.u32 $0x320, s28  }
0xed: {  	s31 =	sadd.s32 $0x1, s0  }
0xee: {  	s3 =	rddreg [dreg:$0x2];
	s1 =	sshrl.u32 s1, $0x2;
	s2 =	sshra.s32 s2, $0x2  }
0xef: {  	s4 =	simm.s32 $0xC8;
	s1 =	sadd.s32 $0xFB10, s1;
	s2 =	sadd.s32 $0xC900, s2  }
0xf0: {  	[tilespmem:s1], [sflag:s31] =	stream.indirect.gather [hbm4b:s3+s4], $0x80, s2, s4, $0xb8;
	[tilespmem:$0x1C4C0] =	vst v63  }
.LBB2_8:
0xf1: {  	s0 =	sadd.s32 $0x1, s29  }
0xf2: {  	s1 =	sadd.s32 $0x0, s26;
	s10 =	simm.s32 $0x0;
	_ =	swait.ge [sflag:s0], $0x6400  }
0xf3: {  	s12 =	simm.s32 $0x1;
	s19 =	sand.u32 $0x3FF8, s1;
	[sflag:s0] =	ssyncset.done $0x0  }
0xf4: {  	s22 =	sand.u32 $0x4, s10;
	[sflag:s0] =	ssyncadd.s32 $0xFFFF9C00;
	s0 =	sadd.s32 $0xE200, s19  }
0xf5: {  	s18 =	simm.s32 $0x2;
	s2 =	sand.u32 $0x5, s12;
	s1 =	sor.u32 s22, s0  }
0xf6: {  	s24 =	sand.u32 $0x6, s18;
	s23 =	sor.u32 s2, s0;
	v0 =	vld [tilespmem:s1+$0x0]  }
0xf7: {  	s0 =	sor.u32 s24, s0;
	v1 =	vld [tilespmem:s23+$0x0]  }
0xf8: {  	v2 =	vld [tilespmem:s0+$0x0];
	_ =	sdelay $0x2  }
0xf9: {  	(v2sf) =	vpush v0, $0x0  }
0xfa: {  	(v2sf) =	vpush v1, $0x0  }
0xfb: {  	(v2sf) =	vpush v2, $0x0;
	_ =	sdelay $0x7  }
0xfc: {  	s0 =	simm.s32 $0x1  }
0xfd: {  	s0 =	simm.s32 @!p0 $0x0  }
0xfe: {  	s0 =	smul.u32 $0x19000, s0  }
0xff: {  	v0 =	vld [tilespmem:s25+$0x0]  }
0x100: {  	s0 =	sshrl.u32 s0, $0x2  }
0x101: {  	s30 =	sadd.s32 $0xFC10, s0;
	s3 =	spop (v2sf)  }
0x102: {  	v16 =	vmov s30;
	s4 =	spop (v2sf)  }
0x103: {  	s6 =	spop (v2sf)  }
0x104: {  	(v2sf) =	vpush v0, $0x0;
	s2 =	smul.u32 $0x19000, s6;
	_ =	sdelay $0x1  }
0x105: {  	s31 =	simm.s32 $0x0;
	s2 =	sshra.s32 s2, $0x2  }
0x106: {  	v0 =	vld.idx.msk [tilespmem:v16+s31+$0x0 ss:$0x1], $0xffff;
	s13 =	sadd.s32 $0x0, s2  }
0x107: {  	v1 =	vld [tilespmem:s13+$0x100]  }
0x108: {  	s0 =	smul.u32 $0x19000, s3;
	_ =	sdelay $0x1  }
0x109: {  	s0 =	sshra.s32 s0, $0x2  }
0x10a: {  	v2 =	vld.idx.msk [tilespmem:v16+s31+$0xFFFFFF00 ss:$0x1], $0xffff;
	s0 =	sadd.s32 $0x0, s0  }
0x10b: {  	v7 =	vadd.f32 v1, v0;
	v0 =	vld [tilespmem:s0+$0x0];
	_ =	sdelay $0x1  }
0x10c: {  	[tilespmem:v16+s31+$0x0 ss:$0x1] =	vst.idx.msk $0xffff, v7  }
0x10d: {  	s1 =	smul.u32 $0x19000, s4;
	v1 =	vld.idx.msk [tilespmem:v16+s31+$0x10 ss:$0x1], $0xffff  }
0x10e: {  	v3 =	vld [tilespmem:s13+$0x110]  }
0x10f: {  	s1 =	sshra.s32 s1, $0x2;
	v20 =	vadd.f32 v0, v2  }
0x110: {  	s11 =	sadd.s32 $0x0, s1;
	v0 =	vld.idx.msk [tilespmem:v16+s31+$0xFFFFFF80 ss:$0x1], $0xffff;
	s7 =	spop (v2sf)  }
0x111: {  	v2 =	vld [tilespmem:s11+$0x80];
	s1 =	smul.u32 $0x19000, s7;
	[tilespmem:v16+s31+$0xFFFFFF00 ss:$0x1] =	vst.idx.msk $0xffff, v20  }
0x112: {  	v17 =	vld [tilespmem:s0+$0x10]  }
0x113: {  	s1 =	sshra.s32 s1, $0x2;
	v19 =	vadd.f32 v3, v1;
	v1 =	vld.idx.msk [tilespmem:v16+s31+$0xFFFFFF10 ss:$0x1], $0xffff  }
0x114: {  	v3 =	vld.idx.msk [tilespmem:v16+s31+$0x80 ss:$0x1], $0xffff;
	s15 =	sadd.s32 $0x0, s1  }
0x115: {  	s14 =	sadd.s32 $0x4, s26;
	v18 =	vld [tilespmem:s15+$0x180];
	[tilespmem:v16+s31+$0x10 ss:$0x1] =	vst.idx.msk $0xffff, v19  }
0x116: {  	s2 =	simm.s32 $0x4;
	s1 =	sand.u32 $0x3FF8, s14;
	v27 =	vadd.f32 v2, v0;
	v0 =	vld.idx.msk [tilespmem:v16+s31+$0x20 ss:$0x1], $0xffff  }
0x117: {  	s3 =	sand.u32 $0x4, s2;
	s1 =	sadd.s32 $0xE200, s1;
	v2 =	vld [tilespmem:s13+$0x120]  }
0x118: {  	s3 =	sor.u32 s3, s1;
	v23 =	vadd.f32 v17, v1  }
0x119: {  	[tilespmem:v16+s31+$0xFFFFFF80 ss:$0x1] =	vst.idx.msk $0xffff, v27;
	v30 =	vld [tilespmem:s3+$0x0]  }
0x11a: {  	v1 =	vld.idx.msk [tilespmem:v16+s31+$0xFFFFFF90 ss:$0x1], $0xffff;
	[tilespmem:v16+s31+$0xFFFFFF10 ss:$0x1] =	vst.idx.msk $0xffff, v23  }
0x11b: {  	v24 =	vadd.f32 v18, v3;
	v3 =	vld.idx.msk [tilespmem:v16+s31+$0xFFFFFF20 ss:$0x1], $0xffff  }
0x11c: {  	v26 =	vadd.f32 v2, v0;
	v0 =	vld [tilespmem:s0+$0x20]  }
0x11d: {  	v17 =	vld [tilespmem:s11+$0x90];
	[tilespmem:v16+s31+$0x80 ss:$0x1] =	vst.idx.msk $0xffff, v24  }
0x11e: {  	v2 =	vld.idx.msk [tilespmem:v16+s31+$0x90 ss:$0x1], $0xffff  }
0x11f: {  	s23 =	simm.s32 $0x5;
	v18 =	vld [tilespmem:s15+$0x190];
	[tilespmem:v16+s31+$0x20 ss:$0x1] =	vst.idx.msk $0xffff, v26  }
0x120: {  	s22 =	simm.s32 $0x6;
	s4 =	sand.u32 $0x5, s23;
	v25 =	vld [tilespmem:s13+$0x130]  }
0x121: {  	s17 =	sand.u32 $0x6, s22;
	s16 =	sor.u32 s4, s1;
	(v2sf) =	vpush v30, $0x0;
	v28 =	vld.idx.msk [tilespmem:v16+s31+$0x30 ss:$0x1], $0xffff;
	v36 =	vadd.f32 v0, v3  }
0x122: {  	s1 =	sor.u32 s17, s1;
	v0 =	vld [tilespmem:s16+$0x0]  }
0x123: {  	v22 =	vadd.f32 v17, v1;
	v3 =	vld [tilespmem:s1+$0x0];
	[tilespmem:v16+s31+$0xFFFFFF20 ss:$0x1] =	vst.idx.msk $0xffff, v36  }
0x124: {  	v29 =	vadd.f32 v18, v2;
	v2 =	vld.idx.msk [tilespmem:v16+s31+$0xFFFFFF30 ss:$0x1], $0xffff  }
0x125: {  	[tilespmem:v16+s31+$0xFFFFFF90 ss:$0x1] =	vst.idx.msk $0xffff, v22;
	v18 =	vld [tilespmem:s0+$0x30]  }
0x126: {  	v17 =	vld [tilespmem:s11+$0xA0];
	[tilespmem:v16+s31+$0x90 ss:$0x1] =	vst.idx.msk $0xffff, v29  }
0x127: {  	v1 =	vld.idx.msk [tilespmem:v16+s31+$0xA0 ss:$0x1], $0xffff  }
0x128: {  	s17 =	sadd.s32 $0x4, s25;
	v34 =	vadd.f32 v25, v28;
	(v2sf) =	vpush v0, $0x0;
	v0 =	vld [tilespmem:s15+$0x1A0]  }
0x129: {  	v28 =	vld [tilespmem:s17+$0x0]  }
0x12a: {  	[tilespmem:v16+s31+$0x30 ss:$0x1] =	vst.idx.msk $0xffff, v34;
	(v2sf) =	vpush v3, $0x0;
	v3 =	vld.idx.msk [tilespmem:v16+s31+$0xFFFFFFA0 ss:$0x1], $0xffff;
	v2 =	vadd.f32 v18, v2  }
0x12b: {  	v25 =	vld [tilespmem:s13+$0x140]  }
0x12c: {  	v18 =	vld.idx.msk [tilespmem:v16+s31+$0x40 ss:$0x1], $0xffff;
	[tilespmem:v16+s31+$0xFFFFFF30 ss:$0x1] =	vst.idx.msk $0xffff, v2  }
0x12d: {  	v37 =	vadd.f32 v0, v1;
	v0 =	vld [tilespmem:s0+$0x40]  }
0x12e: {  	s3 =	simm.s32 $0x200;
	v1 =	vld.idx.msk [tilespmem:v16+s31+$0xFFFFFF40 ss:$0x1], $0xffff  }
0x12f: {  	v32 =	vld.idx.msk [tilespmem:v16+s3+$0xFFFFFF80 ss:$0x1], $0xffff;
	v3 =	vadd.f32 v17, v3;
	[tilespmem:v16+s31+$0xA0 ss:$0x1] =	vst.idx.msk $0xffff, v37  }
0x130: {  	s19 =	spop (v2sf);
	(v2sf) =	vpush v28, $0x0;
	v17 =	vld.idx.msk [tilespmem:v16+s31+$0xB0 ss:$0x1], $0xffff  }
0x131: {  	v31 =	vld [tilespmem:s15+$0x1B0];
	[tilespmem:v16+s31+$0xFFFFFFA0 ss:$0x1] =	vst.idx.msk $0xffff, v3  }
0x132: {  	v30 =	vadd.f32 v25, v18;
	v18 =	vld.idx.msk [tilespmem:v16+s31+$0xFFFFFFB0 ss:$0x1], $0xffff  }
0x133: {  	v1 =	vadd.f32 v0, v1;
	v0 =	vld [tilespmem:s11+$0xB0]  }
0x134: {  	v42 =	vld.idx.msk [tilespmem:v16+s3+$0x80 ss:$0x1], $0xffff  }
0x135: {  	v44 =	vld.idx.msk [tilespmem:v16+s3+$0xFFFFFF00 ss:$0x1], $0xffff;
	[tilespmem:v16+s31+$0xFFFFFF40 ss:$0x1] =	vst.idx.msk $0xffff, v1  }
0x136: {  	v39 =	vadd.f32 v31, v17;
	v17 =	vld.idx.msk [tilespmem:v16+s31+$0xFFFFFF50 ss:$0x1], $0xffff  }
0x137: {  	[tilespmem:v16+s31+$0x40 ss:$0x1] =	vst.idx.msk $0xffff, v30;
	v25 =	vld [tilespmem:s0+$0x50]  }
0x138: {  	v35 =	vld.idx.msk [tilespmem:v16+s31+$0x50 ss:$0x1], $0xffff;
	s24 =	spop (v2sf);
	v43 =	vadd.f32 v0, v18  }
0x139: {  	v28 =	vld [tilespmem:s13+$0x150];
	s7 =	spop (v2sf);
	s4 =	smul.u32 $0x19000, s24  }
0x13a: {  	v31 =	vld.idx.msk [tilespmem:v16+s3+$0x0 ss:$0x1], $0xffff;
	s6 =	smul.u32 $0x19000, s7;
	[tilespmem:v16+s31+$0xFFFFFFB0 ss:$0x1] =	vst.idx.msk $0xffff, v43  }
0x13b: {  	s14 =	sshra.s32 s4, $0x2;
	v61 =	vld.idx.msk [tilespmem:v16+s31+$0xFFFFFFC0 ss:$0x1], $0xffff  }
0x13c: {  	s6 =	sshra.s32 s6, $0x2;
	s16 =	sadd.s32 $0x200, s14;
	v41 =	vadd.f32 v25, v17;
	v62 =	vld [tilespmem:s11+$0xC0]  }
0x13d: {  	s1 =	smul.u32 $0x19000, s19;
	s4 =	sadd.s32 $0x200, s6;
	v25 =	vld [tilespmem:s16+$0x80]  }
0x13e: {  	v33 =	vld [tilespmem:s4+$0x100];
	[tilespmem:v16+s31+$0xFFFFFF50 ss:$0x1] =	vst.idx.msk $0xffff, v41  }
0x13f: {  	s1 =	sshra.s32 s1, $0x2;
	s14 =	spop (v2sf);
	v38 =	vld.idx.msk [tilespmem:v16+s31+$0xFFFFFF60 ss:$0x1], $0xffff  }
0x140: {  	[tilespmem:v16+s31+$0xB0 ss:$0x1] =	vst.idx.msk $0xffff, v39;
	s24 =	sadd.s32 $0x200, s1;
	v0 =	vld [tilespmem:s0+$0x60];
	s1 =	smul.u32 $0x19000, s14  }
0x141: {  	v40 =	vld.idx.msk [tilespmem:v16+s31+$0xC0 ss:$0x1], $0xffff  }
0x142: {  	v13 =	vld [tilespmem:s15+$0x1C0];
	s1 =	sshra.s32 s1, $0x2;
	v5 =	vadd.f32 v25, v32  }
0x143: {  	s6 =	sadd.s32 $0x200, s1;
	v32 =	vadd.f32 v62, v61;
	v4 =	vadd.f32 v33, v31;
	v31 =	vld [tilespmem:s24+$0x0]  }
0x144: {  	v8 =	vld [tilespmem:s6+$0x180];
	[tilespmem:v16+s3+$0xFFFFFF80 ss:$0x1] =	vst.idx.msk $0xffff, v5  }
0x145: {  	v46 =	vadd.f32 v0, v38;
	[tilespmem:v16+s31+$0xFFFFFFC0 ss:$0x1] =	vst.idx.msk $0xffff, v32;
	v0 =	vld.idx.msk [tilespmem:v16+s3+$0xFFFFFF90 ss:$0x1], $0xffff  }
0x146: {  	[tilespmem:v16+s3+$0x0 ss:$0x1] =	vst.idx.msk $0xffff, v4;
	v58 =	vld.idx.msk [tilespmem:v16+s31+$0xFFFFFFD0 ss:$0x1], $0xffff  }
0x147: {  	v45 =	vld.idx.msk [tilespmem:v16+s3+$0x10 ss:$0x1], $0xffff  }
0x148: {  	v38 =	vadd.f32 v28, v35;
	v63 =	vld [tilespmem:s4+$0x110];
	[tilespmem:v16+s31+$0xFFFFFF60 ss:$0x1] =	vst.idx.msk $0xffff, v46  }
0x149: {  	v47 =	vld [tilespmem:s0+$0x70]  }
0x14a: {  	[tilespmem:v16+s31+$0x50 ss:$0x1] =	vst.idx.msk $0xffff, v38;
	v48 =	vld.idx.msk [tilespmem:v16+s31+$0xFFFFFF70 ss:$0x1], $0xffff  }
0x14b: {  	v51 =	vld.idx.msk [tilespmem:v16+s31+$0x60 ss:$0x1], $0xffff;
	v6 =	vadd.f32 v31, v44  }
0x14c: {  	v52 =	vld [tilespmem:s13+$0x160]  }
0x14d: {  	v31 =	vld [tilespmem:s16+$0x90];
	[tilespmem:v16+s3+$0xFFFFFF00 ss:$0x1] =	vst.idx.msk $0xffff, v6  }
0x14e: {  	v28 =	vadd.f32 v8, v42;
	v49 =	vld [tilespmem:s24+$0x10]  }
0x14f: {  	v33 =	vadd.f32 v63, v45;
	v45 =	vld [tilespmem:s11+$0xD0]  }
0x150: {  	[tilespmem:v16+s3+$0x80 ss:$0x1] =	vst.idx.msk $0xffff, v28;
	v9 =	vld.idx.msk [tilespmem:v16+s3+$0xFFFFFF10 ss:$0x1], $0xffff  }
0x151: {  	v56 =	vmul.f32 v26, v26;
	v14 =	vmul.f32 v36, v36;
	v54 =	vld.idx.msk [tilespmem:v16+s3+$0x90 ss:$0x1], $0xffff  }
0x152: {  	v12 =	vmul.f32 v34, v34;
	v11 =	vld [tilespmem:s6+$0x190];
	[tilespmem:v16+s3+$0x10 ss:$0x1] =	vst.idx.msk $0xffff, v33;
	v31 =	vadd.f32 v31, v0  }
0x153: {  	v60 =	vadd.f32 v34, v26;
	v57 =	vmul.f32 v3, v3;
	v59 =	vmul.f32 v43, v43;
	v50 =	vld.idx.msk [tilespmem:v16+s3+$0x20 ss:$0x1], $0xffff  }
0x154: {  	v56 =	vadd.f32 v12, v56;
	v40 =	vadd.f32 v13, v40;
	v10 =	vld [tilespmem:s4+$0x120];
	[tilespmem:v16+s3+$0xFFFFFF90 ss:$0x1] =	vst.idx.msk $0xffff, v31  }
0x155: {  	v3 =	vadd.f32 v43, v3;
	v34 =	vadd.f32 v59, v57;
	v8 =	vmul.f32 v2, v2;
	v53 =	vld.idx.msk [tilespmem:v16+s3+$0xFFFFFFA0 ss:$0x1], $0xffff  }
0x156: {  	[tilespmem:v16+s31+$0xC0 ss:$0x1] =	vst.idx.msk $0xffff, v40;
	v25 =	vadd.f32 v2, v36;
	v55 =	vld [tilespmem:s16+$0xA0];
	v21 =	vadd.f32 v49, v9  }
0x157: {  	v44 =	vadd.f32 v23, v20;
	v23 =	vmul.f32 v23, v23;
	v49 =	vadd.f32 v8, v14;
	v14 =	vld [tilespmem:s15+$0x1D0]  }
0x158: {  	v20 =	vmul.f32 v20, v20;
	v35 =	vadd.f32 v11, v54;
	v8 =	vld.idx.msk [tilespmem:v16+s31+$0xD0 ss:$0x1], $0xffff;
	[tilespmem:v16+s3+$0xFFFFFF10 ss:$0x1] =	vst.idx.msk $0xffff, v21  }
0x159: {  	v47 =	vadd.f32 v47, v48;
	v42 =	vadd.f32 v10, v50;
	v26 =	vld.idx.msk [tilespmem:v16+s3+$0xFFFFFF20 ss:$0x1], $0xffff  }
0x15a: {  	s19 =	sadd.s32 $0x8, s26;
	v13 =	vmul.f32 v46, v46;
	v20 =	vadd.f32 v23, v20;
	[tilespmem:v16+s3+$0x90 ss:$0x1] =	vst.idx.msk $0xffff, v35;
	v43 =	vld [tilespmem:s24+$0x20]  }
0x15b: {  	s1 =	simm.s32 $0x8;
	s0 =	sand.u32 $0x3FF8, s19;
	v63 =	vmul.f32 v47, v47;
	v11 =	vmul.f32 v41, v41;
	v12 =	vld [tilespmem:s6+$0x1A0];
	[tilespmem:v16+s3+$0x20 ss:$0x1] =	vst.idx.msk $0xffff, v42  }
0x15c: {  	s7 =	sand.u32 $0x4, s1;
	s19 =	sadd.s32 $0xE200, s0;
	v41 =	vadd.f32 v41, v1;
	v1 =	vmul.f32 v1, v1;
	v36 =	vadd.f32 v55, v53;
	v9 =	vld [tilespmem:s4+$0x130]  }
0x15d: {  	v61 =	vmul.f32 v39, v39;
	s0 =	sor.u32 s7, s19;
	v51 =	vadd.f32 v52, v51;
	v23 =	vadd.f32 v63, v13;
	v62 =	vld.idx.msk [tilespmem:v16+s3+$0x30 ss:$0x1], $0xffff  }
0x15e: {  	v54 =	vadd.f32 v19, v7;
	v1 =	vadd.f32 v11, v1;
	v53 =	vld [tilespmem:s0+$0x0];
	[tilespmem:v16+s3+$0xFFFFFFA0 ss:$0x1] =	vst.idx.msk $0xffff, v36  }
0x15f: {  	v63 =	vadd.f32 v22, v27;
	v45 =	vadd.f32 v45, v58;
	v10 =	vmul.f32 v37, v37;
	s0 =	simm.s32 $0x9;
	v50 =	vld.idx.msk [tilespmem:v16+s3+$0xFFFFFFB0 ss:$0x1], $0xffff  }
0x160: {  	v1 =	vadd.f32 v23, v1;
	v55 =	vadd.f32 v39, v37;
	s7 =	sand.u32 $0x5, s0;
	v0 =	vld [tilespmem:s16+$0xB0]  }
0x161: {  	[tilespmem:v16+s31+$0xFFFFFFD0 ss:$0x1] =	vst.idx.msk $0xffff, v45;
	v37 =	vadd.f32 v61, v10;
	v39 =	vld.idx.msk [tilespmem:v16+s3+$0xA0 ss:$0x1], $0xffff;
	s14 =	sor.u32 s7, s19;
	v26 =	vadd.f32 v43, v26  }
0x162: {  	v61 =	vld [tilespmem:s14+$0x0];
	v9 =	vadd.f32 v9, v62;
	v62 =	vmul.f32 v19, v19;
	v19 =	vadd.f32 v49, v20  }
0x163: {  	[tilespmem:v16+s3+$0xFFFFFF20 ss:$0x1] =	vst.idx.msk $0xffff, v26;
	(v2sf) =	vpush v53, $0x0;
	v53 =	vadd.f32 v14, v8;
	v14 =	vld [tilespmem:s11+$0xE0]  }
0x164: {  	v58 =	vmul.f32 v22, v22;
	v20 =	vld.idx.msk [tilespmem:v16+s3+$0xFFFFFF30 ss:$0x1], $0xffff;
	[tilespmem:v16+s3+$0x30 ss:$0x1] =	vst.idx.msk $0xffff, v9;
	v52 =	vadd.f32 v1, v19  }
0x165: {  	s14 =	simm.s32 $0xA;
	v11 =	vld [tilespmem:s24+$0x30];
	v19 =	vmul.f32 v42, v42;
	v22 =	vmul.f32 v9, v9;
	v57 =	vadd.f32 v0, v50  }
0x166: {  	s7 =	sand.u32 $0x6, s14;
	v39 =	vadd.f32 v12, v39;
	v1 =	vld.idx.msk [tilespmem:v16+s3+$0x40 ss:$0x1], $0xffff  }
0x167: {  	v13 =	vmul.f32 v36, v36;
	s7 =	sor.u32 s7, s19;
	v12 =	vld [tilespmem:s4+$0x140];
	v8 =	vmul.f32 v57, v57;
	v2 =	vadd.f32 v22, v19  }
0x168: {  	v46 =	vadd.f32 v47, v46;
	v27 =	vmul.f32 v27, v27;
	v10 =	vld [tilespmem:s7+$0x0];
	[tilespmem:v16+s3+$0xA0 ss:$0x1] =	vst.idx.msk $0xffff, v39  }
0x169: {  	v25 =	vadd.f32 v25, v44;
	v0 =	vld.idx.msk [tilespmem:v16+s31+$0xFFFFFFE0 ss:$0x1], $0xffff;
	[tilespmem:$0x1FED0] =	vst v2;
	v2 =	vadd.f32 v8, v13  }
0x16a: {  	v46 =	vadd.f32 v46, v41;
	v58 =	vadd.f32 v58, v27;
	[tilespmem:v16+s31+$0xD0 ss:$0x1] =	vst.idx.msk $0xffff, v53  }
0x16b: {  	v60 =	vadd.f32 v60, v54;
	(v2sf) =	vpush v61, $0x0;
	v59 =	vld.idx.msk [tilespmem:v16+s3+$0xB0 ss:$0x1], $0xffff;
	[tilespmem:$0x1FEE0] =	vst v2  }
0x16c: {  	v49 =	vadd.f32 v11, v20;
	v20 =	vadd.f32 v12, v1;
	v1 =	vld [tilespmem:s6+$0x1B0]  }
0x16d: {  	v63 =	vadd.f32 v3, v63;
	(v2sf) =	vpush v10, $0x0;
	v48 =	vld.idx.msk [tilespmem:v16+s31+$0xE0 ss:$0x1], $0xffff  }
0x16e: {  	v3 =	vadd.f32 v21, v6;
	v41 =	vadd.f32 v14, v0;
	[tilespmem:v16+s3+$0xFFFFFF30 ss:$0x1] =	vst.idx.msk $0xffff, v49;
	v0 =	vld [tilespmem:s15+$0x1E0]  }
0x16f: {  	v25 =	vadd.f32 v46, v25;
	v23 =	vadd.f32 v9, v42;
	v2 =	vld [tilespmem:s24+$0x40]  }
0x170: {  	v9 =	vmul.f32 v26, v26;
	v10 =	vmul.f32 v49, v49;
	[tilespmem:v16+s31+$0xFFFFFFE0 ss:$0x1] =	vst.idx.msk $0xffff, v41;
	v13 =	vld.idx.msk [tilespmem:v16+s3+$0xFFFFFF40 ss:$0x1], $0xffff  }
0x171: {  	v42 =	vadd.f32 v33, v4;
	v11 =	vadd.f32 v29, v24;
	v12 =	vmul.f32 v7, v7;
	v8 =	vld.idx.msk [tilespmem:v16+s31+$0xFFFFFFF0 ss:$0x1], $0xffff  }
0x172: {  	(xrf2) =	vadd.scan.msk.f32 $0xffff, v52;
	v29 =	vmul.f32 v29, v29;
	v7 =	vadd.f32 v10, v9;
	[tilespmem:v16+s3+$0x40 ss:$0x1] =	vst.idx.msk $0xffff, v20;
	v9 =	vld [tilespmem:s11+$0xF0]  }
0x173: {  	v24 =	vmul.f32 v24, v24;
	[tilespmem:v16+s31+$0xFFFFFF70 ss:$0x1] =	vst.idx.msk $0xffff, v47;
	v14 =	vadd.f32 v62, v12;
	v62 =	vld.idx.msk [tilespmem:v16+s3+$0x50 ss:$0x1], $0xffff  }
0x174: {  	v36 =	vadd.f32 v57, v36;
	(xrf2) =	vadd.scan.msk.f32 $0xffff, v25;
	v25 =	vadd.f32 v34, v58;
	s11 =	sadd.s32 $0x4, s17;
	v10 =	vld [tilespmem:s4+$0x150];
	[tilespmem:$0x1FEF0] =	vst v3  }
0x175: {  	v54 =	vadd.f32 v29, v24;
	v55 =	vadd.f32 v55, v11;
	v11 =	vld [tilespmem:s11+$0x0]  }
0x176: {  	v26 =	vadd.f32 v49, v26;
	v29 =	vmul.f32 v33, v33;
	v33 =	vadd.f32 v35, v28  }
0x177: {  	v54 =	vadd.f32 v37, v54;
	[tilespmem:v16+s31+$0x60 ss:$0x1] =	vst.idx.msk $0xffff, v51;
	v0 =	vadd.f32 v0, v48  }
0x178: {  	v3 =	vmul.f32 v21, v21;
	v21 =	vadd.f32 v45, v32;
	v12 =	vld.idx.msk [tilespmem:v16+s31+$0x70 ss:$0x1], $0xffff;
	v49 =	vadd.f32 v1, v59  }
0x179: {  	v27 =	vadd.f32 v56, v14;
	v14 =	vld [tilespmem:s13+$0x170];
	v43 =	vadd.f32 v2, v13;
	[tilespmem:v16+s31+$0xE0 ss:$0x1] =	vst.idx.msk $0xffff, v0  }
0x17a: {  	s7 =	spop (v2sf);
	v13 =	vadd.f32 v9, v8;
	[tilespmem:v16+s3+$0xB0 ss:$0x1] =	vst.idx.msk $0xffff, v49;
	(v2sf) =	vpush v11, $0x0;
	v52 =	vld [tilespmem:s15+$0x1F0]  }
0x17b: {  	v32 =	vmul.f32 v32, v32;
	v48 =	vmul.f32 v41, v41;
	[tilespmem:v16+s3+$0xFFFFFF40 ss:$0x1] =	vst.idx.msk $0xffff, v43;
	s13 =	spop (v2sf);
	v47 =	vld.idx.msk [tilespmem:v16+s3+$0xC0 ss:$0x1], $0xffff  }
0x17c: {  	v1 =	vadd.f32 v38, v30;
	v2 =	vmul.f32 v45, v45;
	v50 =	vmul.f32 v13, v13;
	v59 =	vld.idx.msk [tilespmem:v16+s3+$0xFFFFFF50 ss:$0x1], $0xffff;
	s19 =	spop (v2sf)  }
0x17d: {  	v34 =	vmul.f32 v31, v31;
	v22 =	vmovc v4;
	v4 =	vadd.f32 v10, v62;
	v41 =	vadd.f32 v13, v41;
	s15 =	simm.s32 $0x400;
	v8 =	vld [tilespmem:s24+$0x50];
	s17 =	smul.u32 $0x19000, s19  }
0x17e: {  	v35 =	vmul.f32 v35, v35;
	v2 =	vadd.f32 v2, v32;
	s13 =	smul.u32 $0x19000, s13;
	v10 =	vld.idx.msk [tilespmem:v16+s15+$0x0 ss:$0x1], $0xffff;
	v9 =	vadd.f32 v50, v48  }
0x17f: {  	v38 =	vmul.f32 v38, v38;
	v44 =	vadd.f32 v14, v12;
	v12 =	vld.idx.msk [tilespmem:v16+s15+$0xFFFFFF80 ss:$0x1], $0xffff;
	v21 =	vadd.f32 v41, v21;
	s17 =	sshra.s32 s17, $0x2  }
0x180: {  	v30 =	vmul.f32 v30, v30;
	s7 =	smul.u32 $0x19000, s7;
	v32 =	vadd.f32 v31, v5;
	v48 =	vld.idx.msk [tilespmem:v16+s31+$0xF0 ss:$0x1], $0xffff;
	s13 =	sshra.s32 s13, $0x2;
	v2 =	vadd.f32 v9, v2;
	s17 =	sadd.s32 $0x400, s17  }
0x181: {  	[tilespmem:v16+s31+$0xFFFFFFF0 ss:$0x1] =	vst.idx.msk $0xffff, v13;
	v13 =	vadd.f32 v44, v51;
	s13 =	sadd.s32 $0x400, s13;
	v21 =	vadd.f32 v21, v63;
	v31 =	vld [tilespmem:s17+$0x100]  }
0x182: {  	s7 =	sshra.s32 s7, $0x2;
	v14 =	vmul.f32 v51, v51;
	v51 =	vadd.f32 v8, v59;
	v2 =	vadd.f32 v2, v25;
	v25 =	vld [tilespmem:s13+$0x80]  }
0x183: {  	v11 =	vmov s10;
	s10 =	sadd.s32 $0x400, s7;
	v50 =	vmul.f32 v44, v44;
	[tilespmem:v16+s31+$0x70 ss:$0x1] =	vst.idx.msk $0xffff, v44;
	v44 =	vld.idx.msk [tilespmem:v16+s15+$0xFFFFFF00 ss:$0x1], $0xffff;
	(xrf2) =	vadd.scan.msk.f32 $0xffff, v21  }
0x184: {  	v30 =	vadd.f32 v38, v30;
	v41 =	vadd.f32 v53, v40;
	v63 =	vand.u32 $0xFFFFFFFC, v11;
	v11 =	vld [tilespmem:s10+$0x0];
	[tilespmem:v16+s3+$0xFFFFFF50 ss:$0x1] =	vst.idx.msk $0xffff, v51  }
0x185: {  	[tilespmem:v16+s3+$0xFFFFFFB0 ss:$0x1] =	vst.idx.msk $0xffff, v57;
	v9 =	vmov s12;
	v1 =	vadd.f32 v13, v1;
	v46 =	vbroadcast v63, $0x0;
	v21 =	vld.idx.msk [tilespmem:v16+s3+$0xFFFFFF60 ss:$0x1], $0xffff  }
0x186: {  	v45 =	vadd.f32 v50, v14;
	v50 =	vmul.f32 v39, v39;
	v38 =	vadd.f32 v31, v10;
	v31 =	vld [tilespmem:s24+$0x60]  }
0x187: {  	v14 =	vld [tilespmem:s16+$0xC0];
	v10 =	vmul.f32 v40, v40;
	v40 =	vadd.f32 v25, v12;
	v25 =	vand.u32 $0xFFFFFFFD, v9  }
0x188: {  	v8 =	vmul.f32 v53, v53;
	v1 =	vadd.f32 v1, v60;
	v12, _, _ =	vpop (xrf2);
	(xrf2) =	vadd.scan.msk.f32 $0xffff, v2;
	v2 =	vld.idx.msk [tilespmem:v16+s3+$0xFFFFFFC0 ss:$0x1], $0xffff;
	v25 =	vbroadcast v25, $0x0  }
0x189: {  	v61 =	vld.idx.msk [tilespmem:v16+s15+$0x80 ss:$0x1], $0xffff;
	v52 =	vadd.f32 v52, v48;
	v13 =	vadd.f32 v45, v30;
	[tilespmem:v16+s15+$0x0 ss:$0x1] =	vst.idx.msk $0xffff, v38;
	s19 =	spop (v2sf)  }
0x18a: {  	v45 =	vadd.f32 v49, v39;
	v30, _, _ =	vpop (xrf2);
	[tilespmem:v16+s15+$0xFFFFFF80 ss:$0x1] =	vst.idx.msk $0xffff, v40;
	v59 =	vadd.f32 v8, v10;
	v48 =	vld.idx.msk [tilespmem:v16+s15+$0x10 ss:$0x1], $0xffff;
	s7 =	smul.u32 $0x19000, s19  }
0x18b: {  	[tilespmem:v46+s20+$0x0] =	vst.idx.msk vm0, v30;
	v8 =	vld [tilespmem:s17+$0x110];
	v58 =	vadd.f32 v31, v21;
	v21 =	vadd.f32 v52, v0  }
0x18c: {  	(xrf2) =	vadd.scan.msk.f32 $0xffff, v1;
	[tilespmem:v46+s21+$0x0] =	vst.idx.msk vm0, v12;
	v9 =	vld.idx.msk [tilespmem:v16+s15+$0xFFFFFF90 ss:$0x1], $0xffff;
	s7 =	sshra.s32 s7, $0x2;
	v31 =	vadd.f32 v11, v44  }
0x18d: {  	v1 =	vmov s18;
	v46 =	vadd.f32 v14, v2;
	v2, _, _ =	vpop (xrf2);
	v11 =	vld [tilespmem:s13+$0x90];
	s18 =	sadd.s32 $0x400, s7;
	v21 =	vadd.f32 v21, v41;
	[tilespmem:v16+s3+$0xFFFFFF60 ss:$0x1] =	vst.idx.msk $0xffff, v58  }
0x18e: {  	v1 =	vand.u32 $0xFFFFFFFE, v1;
	v10 =	vmul.f32 v52, v52;
	v0 =	vmul.f32 v0, v0;
	[tilespmem:v25+s20+$0x0] =	vst.idx.msk vm0, v2;
	v2 =	vld [tilespmem:s18+$0x180]  }
0x18f: {  	[tilespmem:v16+s31+$0xF0 ss:$0x1] =	vst.idx.msk $0xffff, v52;
	v52 =	vld [tilespmem:s24+$0x70];
	v21 =	vadd.f32 v21, v55;
	v55 =	vbroadcast v1, $0x0;
	v1 =	vmul.f32 v49, v49  }
0x190: {  	v0 =	vadd.f32 v10, v0;
	[tilespmem:v16+s15+$0xFFFFFF00 ss:$0x1] =	vst.idx.msk $0xffff, v31;
	v12 =	vld.idx.msk [tilespmem:v16+s3+$0xFFFFFF70 ss:$0x1], $0xffff;
	v39 =	vadd.f32 v8, v48  }
0x191: {  	[tilespmem:v16+s3+$0xFFFFFFC0 ss:$0x1] =	vst.idx.msk $0xffff, v46;
	v14 =	vld.idx.msk [tilespmem:v16+s15+$0xFFFFFF10 ss:$0x1], $0xffff;
	v44 =	vadd.f32 v1, v50;
	v1 =	vadd.f32 v13, v27  }
0x192: {  	[tilespmem:v16+s3+$0x50 ss:$0x1] =	vst.idx.msk $0xffff, v4;
	v30 =	vmov s23;
	v60 =	vld.idx.msk [tilespmem:v16+s3+$0xFFFFFFD0 ss:$0x1], $0xffff;
	v0 =	vadd.f32 v0, v59;
	(xrf2) =	vadd.scan.msk.f32 $0xffff, v21  }
0x193: {  	v49 =	vld [tilespmem:s10+$0x10];
	[tilespmem:v16+s15+$0x10 ss:$0x1] =	vst.idx.msk $0xffff, v39;
	v53 =	vadd.f32 v11, v9;
	v11 =	vmul.f32 v6, v6;
	(xrf2) =	vadd.scan.msk.f32 $0xffff, v1  }
0x194: {  	v48 =	vmul.f32 v39, v39;
	v39 =	vadd.f32 v39, v38;
	v13, _, _ =	vpop (xrf2);
	v8 =	vld.idx.msk [tilespmem:v16+s15+$0x20 ss:$0x1], $0xffff;
	v54 =	vadd.f32 v0, v54  }
0x195: {  	v30 =	vand.u32 $0xFFFFFFFD, v30;
	v10 =	vld [tilespmem:s17+$0x120];
	[tilespmem:v25+s21+$0x0] =	vst.idx.msk vm0, v13;
	v25 =	vmul.f32 v51, v51;
	v37 =	vadd.f32 v2, v61  }
0x196: {  	v9 =	vld.idx.msk [tilespmem:v16+s3+$0x60 ss:$0x1], $0xffff;
	v21 =	vmov s22;
	v51 =	vadd.f32 v51, v43;
	[tilespmem:v16+s15+$0xFFFFFF90 ss:$0x1] =	vst.idx.msk $0xffff, v53;
	v43 =	vmul.f32 v43, v43  }
0x197: {  	v63 =	vld [tilespmem:s6+$0x1C0];
	s23 =	simm.s32 $0x3;
	v13 =	vmul.f32 v58, v58;
	v3 =	vadd.f32 v3, v11;
	v41 =	vadd.f32 v52, v12;
	(xrf2) =	vadd.scan.msk.f32 $0xffff, v54  }
0x198: {  	v24 =	vmovc v5;
	v12 =	vld [tilespmem:s4+$0x160];
	v52 =	vmov s23;
	[tilespmem:v16+s15+$0x80 ss:$0x1] =	vst.idx.msk $0xffff, v37;
	v0 =	vadd.f32 v49, v14;
	v2 =	vadd.f32 v25, v43  }
0x199: {  	v56 =	vld [tilespmem:s16+$0xD0];
	v27 =	vand.u32 $0xFFFFFFFE, v21;
	v43 =	vmul.f32 v4, v4;
	v1, _, _ =	vpop (xrf2);
	v50 =	vmul.f32 v41, v41;
	[tilespmem:v16+s3+$0xFFFFFF70 ss:$0x1] =	vst.idx.msk $0xffff, v41  }
0x19a: {  	s24 =	smul.u32 $0x19000, s29;
	v21 =	vmov s0;
	v14 =	vadd.f32 v41, v58;
	v58 =	vld.idx.msk [tilespmem:v16+s15+$0x90 ss:$0x1], $0xffff;
	[tilespmem:v55+s20+$0x0] =	vst.idx.msk vm0, v1;
	v57 =	vadd.f32 v10, v8  }
0x19b: {  	v21 =	vand.u32 $0xFFFFFFFD, v21;
	v41 =	vadd.f32 v4, v20;
	v62 =	vld [tilespmem:s18+$0x190];
	[tilespmem:v16+s15+$0xFFFFFF10 ss:$0x1] =	vst.idx.msk $0xffff, v0;
	v4 =	vadd.f32 v50, v13  }
0x19c: {  	s12 =	simm.s32 $0xC;
	v59 =	vmov s14;
	s0 =	sshrl.u32 s24, $0x2;
	v54 =	vadd.f32 v7, v3;
	v1 =	vld.idx.msk [tilespmem:v16+s15+$0xFFFFFFA0 ss:$0x1], $0xffff;
	v51 =	vadd.f32 v14, v51;
	[tilespmem:v16+s15+$0x20 ss:$0x1] =	vst.idx.msk $0xffff, v57;
	v25, _, _ =	vpop (xrf2)  }
0x19d: {  	s31 =	smul.u32 $0xC8, s5;
	s22 =	simm.s32 $0x1000;
	v61 =	vld [tilespmem:s13+$0xA0];
	s5 =	sadd.s32 $0xFB10, s0;
	v49 =	vadd.f32 v12, v9;
	v2 =	vadd.f32 v4, v2;
	[tilespmem:v52+s20+$0x0] =	vst.idx.msk vm0, v25;
	v25 =	vand.u32 $0xFFFFFFFE, v59;
	v3, _, _ =	vpop (xrf2)  }
.LBB2_9:
0x19e: {  	v4 =	vld.idx.msk [tilespmem:v16+s15+$0xFFFFFF20 ss:$0x1], $0xffff  }
0x19f: {  	s0 =	sadd.s32 s12, s26;
	v59 =	vadd.f32 v0, v31;
	v0 =	vmul.f32 v0, v0;
	[tilespmem:v55+s21+$0x0] =	vst.idx.msk vm0, v3;
	v3 =	vld [tilespmem:s10+$0x20]  }
0x1a0: {  	s23 =	smov.u32 s12;
	s0 =	sand.u32 $0x3FF8, s0;
	v55 =	vld [tilespmem:s17+$0x130]  }
0x1a1: {  	v2 =	vadd.f32 v2, v54;
	s7 =	sand.u32 $0x4, s23;
	v11 =	vld.idx.msk [tilespmem:v16+s15+$0x30 ss:$0x1], $0xffff;
	[tilespmem:$0x1FEC0] =	vst v0;
	v9, _, _ =	vpop (xrf2);
	s0 =	sadd.s32 $0xE200, s0;
	v58 =	vadd.f32 v62, v58  }
0x1a2: {  	v15 =	vmul.f32 v24, v24;
	v24 =	vmov v40;
	v0 =	vadd.f32 v53, v40;
	v40 =	vld [tilespmem:$0x1FED0];
	[tilespmem:v52+s21+$0x0] =	vst.idx.msk vm0, v9;
	s7 =	sor.u32 s7, s0  }
0x1a3: {  	(xrf2) =	vadd.scan.msk.f32 $0xffff, v2;
	v2 =	vld [tilespmem:s7+$0x0];
	v60 =	vadd.f32 v56, v60;
	v56 =	vadd.f32 v63, v47;
	[tilespmem:v16+s15+$0x90 ss:$0x1] =	vst.idx.msk $0xffff, v58  }
0x1a4: {  	v1 =	vadd.f32 v61, v1;
	v50 =	vld.idx.msk [tilespmem:v16+s15+$0xA0 ss:$0x1], $0xffff  }
0x1a5: {  	v3 =	vadd.f32 v3, v4;
	v4 =	vld [tilespmem:s18+$0x1A0];
	[tilespmem:v16+s3+$0xC0 ss:$0x1] =	vst.idx.msk $0xffff, v56  }
0x1a6: {  	s14 =	sadd.s32 $0x1, s23;
	[tilespmem:v16+s15+$0xFFFFFFA0 ss:$0x1] =	vst.idx.msk $0xffff, v1;
	v8 =	vld [tilespmem:s6+$0x1D0]  }
0x1a7: {  	s19 =	sand.u32 $0x5, s14;
	v10 =	vmov s14;
	s14 =	sadd.s32 $0x2, s23;
	[tilespmem:v16+s3+$0xFFFFFFD0 ss:$0x1] =	vst.idx.msk $0xffff, v60;
	v61 =	vld.idx.msk [tilespmem:v16+s3+$0xD0 ss:$0x1], $0xffff  }
0x1a8: {  	v14 =	vmov s14;
	v12 =	vld.idx.msk [tilespmem:v16+s15+$0xFFFFFFB0 ss:$0x1], $0xffff  }
0x1a9: {  	s7 =	sor.u32 s19, s0;
	v52 =	vand.u32 $0xFFFFFFFE, v14;
	v14 =	vmul.f32 v57, v57;
	v54 =	vadd.f32 v55, v11;
	v13 =	vld [tilespmem:s13+$0xB0]  }
0x1aa: {  	s24 =	sand.u32 $0x6, s14;
	v63 =	vmul.f32 v60, v60;
	v62 =	vadd.f32 v60, v46;
	[tilespmem:v16+s15+$0xFFFFFF20 ss:$0x1] =	vst.idx.msk $0xffff, v3;
	v60 =	vld [tilespmem:s7+$0x0]  }
0x1ab: {  	s0 =	sor.u32 s24, s0;
	[tilespmem:v16+s15+$0x30 ss:$0x1] =	vst.idx.msk $0xffff, v54;
	v9 =	vadd.f32 v54, v57;
	v54 =	vmul.f32 v54, v54;
	v11 =	vld.idx.msk [tilespmem:v16+s15+$0xFFFFFF30 ss:$0x1], $0xffff  }
0x1ac: {  	v5 =	vmul.f32 v53, v53;
	v53 =	vand.u32 $0xFFFFFFFD, v10;
	v10 =	vld [tilespmem:s0+$0x0];
	(v2sf) =	vpush v2, $0x0  }
0x1ad: {  	v6 =	vadd.f32 v58, v37;
	v47 =	vadd.f32 v54, v14;
	v54 =	vld [tilespmem:s10+$0x30]  }
0x1ae: {  	v7 =	vmul.f32 v58, v58;
	v2 =	vld.idx.msk [tilespmem:v16+s15+$0x40 ss:$0x1], $0xffff;
	v4 =	vadd.f32 v4, v50;
	v58 =	vadd.f32 v13, v12  }
0x1af: {  	v13 =	vld [tilespmem:s17+$0x140];
	(v2sf) =	vpush v60, $0x0;
	v60 =	vadd.f32 v8, v61  }
0x1b0: {  	s11 =	sadd.s32 $0x4, s11;
	v14 =	vld.idx.msk [tilespmem:v16+s3+$0xFFFFFFE0 ss:$0x1], $0xffff;
	[tilespmem:v16+s15+$0xA0 ss:$0x1] =	vst.idx.msk $0xffff, v4;
	v12 =	vadd.f32 v58, v1  }
0x1b1: {  	(v2sf) =	vpush v10, $0x0;
	v10 =	vld [tilespmem:s11+$0x0];
	v1 =	vmul.f32 v1, v1;
	v50 =	vmul.f32 v58, v58;
	[tilespmem:v16+s3+$0xD0 ss:$0x1] =	vst.idx.msk $0xffff, v60  }
0x1b2: {  	v11 =	vadd.f32 v54, v11;
	v57 =	vld.idx.msk [tilespmem:v16+s15+$0xB0 ss:$0x1], $0xffff  }
0x1b3: {  	v8 =	vadd.f32 v50, v1;
	v1 =	vld [tilespmem:s16+$0xE0]  }
0x1b4: {  	v18 =	vld.idx.msk [tilespmem:v16+s3+$0xE0 ss:$0x1], $0xffff;
	v50 =	vmul.f32 v3, v3;
	v54 =	vmul.f32 v11, v11;
	v2 =	vadd.f32 v13, v2  }
0x1b5: {  	v28 =	vmul.f32 v28, v28;
	[tilespmem:v16+s15+$0xFFFFFF30 ss:$0x1] =	vst.idx.msk $0xffff, v11;
	v13 =	vld [tilespmem:s18+$0x1B0]  }
0x1b6: {  	v19 =	vld [tilespmem:s10+$0x40];
	v54 =	vadd.f32 v54, v50;
	[tilespmem:v16+s15+$0x40 ss:$0x1] =	vst.idx.msk $0xffff, v2  }
0x1b7: {  	v17 =	vmul.f32 v22, v22;
	v50 =	vadd.f32 v23, v42;
	v23 =	vadd.f32 v35, v28;
	v35 =	vmovc v7;
	v7 =	vld [tilespmem:s17+$0x150]  }
0x1b8: {  	v3 =	vadd.f32 v11, v3;
	v11 =	vadd.f32 v1, v14;
	v14 =	vld.idx.msk [tilespmem:v16+s15+$0xFFFFFF40 ss:$0x1], $0xffff  }
0x1b9: {  	v1 =	vadd.f32 v29, v17;
	v17 =	vld.idx.msk [tilespmem:v16+s15+$0x50 ss:$0x1], $0xffff;
	[tilespmem:v16+s3+$0x60 ss:$0x1] =	vst.idx.msk $0xffff, v49  }
0x1ba: {  	v22 =	vmov v38;
	v13 =	vadd.f32 v13, v57;
	v28 =	vld.idx.msk [tilespmem:v16+s3+$0x70 ss:$0x1], $0xffff  }
0x1bb: {  	v15 =	vadd.f32 v34, v15;
	v34 =	vmovc v5;
	v5 =	vmov v47;
	[tilespmem:v16+s3+$0xFFFFFFE0 ss:$0x1] =	vst.idx.msk $0xffff, v11;
	s19 =	spop (v2sf);
	(v2sf) =	vpush v10, $0x0;
	v10 =	vld [tilespmem:s4+$0x170]  }
0x1bc: {  	[tilespmem:$0x1FED0] =	vst v5;
	v5 =	vmul.f32 v4, v4;
	v29 =	vmov v48;
	v38 =	vld.idx.msk [tilespmem:v16+s3+$0xFFFFFFF0 ss:$0x1], $0xffff;
	v4 =	vadd.f32 v13, v4  }
0x1bd: {  	v48 =	vmul.f32 v13, v13;
	[tilespmem:v16+s15+$0xB0 ss:$0x1] =	vst.idx.msk $0xffff, v13;
	v13 =	vadd.f32 v36, v32;
	v32 =	vmov v0;
	v0 =	vld [tilespmem:$0x1FEF0]  }
0x1be: {  	v1 =	vadd.f32 v40, v1;
	v40 =	vld [tilespmem:s16+$0xF0]  }
0x1bf: {  	s22 =	sadd.s32 $0x800, s22;
	v61 =	vmul.f32 v60, v60;
	v42 =	vadd.f32 v45, v33;
	v33 =	vmovc v6;
	s7 =	smul.u32 $0x19000, s19;
	v6 =	vld [tilespmem:s6+$0x1E0];
	v57 =	vadd.f32 v19, v14  }
0x1c0: {  	s14 =	sshra.s32 s22, $0x2;
	s4 =	smov.u32 s17;
	v36 =	vmov v12;
	v12 =	vmul.f32 v20, v20;
	v47 =	vld.idx.msk [tilespmem:v16+s15+$0xC0 ss:$0x1], $0xffff;
	v5 =	vadd.f32 v48, v5  }
0x1c1: {  	s16 =	smov.u32 s13;
	s7 =	sshra.s32 s7, $0x2;
	v48 =	vadd.f32 v44, v23;
	v7 =	vadd.f32 v7, v17;
	v17 =	vld.idx.msk [tilespmem:v16+s14+$0x0 ss:$0x1], $0xffff;
	s13 =	spop (v2sf);
	[tilespmem:v16+s15+$0xFFFFFF40 ss:$0x1] =	vst.idx.msk $0xffff, v57  }
0x1c2: {  	v20 =	vmov v2;
	v12 =	vadd.f32 v43, v12;
	s24 =	sadd.s32 s14, s7;
	s7 =	smul.u32 $0x19000, s13;
	s17 =	spop (v2sf);
	v0 =	vadd.f32 v26, v0;
	v2 =	vld.idx.msk [tilespmem:v16+s15+$0xFFFFFF50 ss:$0x1], $0xffff  }
0x1c3: {  	v45 =	vmovc v59;
	v23 =	vmov v9;
	v10 =	vadd.f32 v10, v28;
	v9 =	vadd.f32 v40, v38;
	s13 =	smul.u32 $0x19000, s17;
	v40 =	vld [tilespmem:s10+$0x50]  }
0x1c4: {  	[tilespmem:$0x1FEF0] =	vst v45;
	v44 =	vmov v5;
	v6 =	vadd.f32 v6, v18;
	v18 =	vld [tilespmem:$0x1FEE0];
	v0 =	vadd.f32 v51, v0  }
0x1c5: {  	v5 =	vld.idx.msk [tilespmem:v16+s14+$0x80 ss:$0x1], $0xffff;
	s7 =	sshra.s32 s7, $0x2;
	v51 =	vmul.f32 v46, v46;
	v19 =	vadd.f32 v9, v11;
	v11 =	vmul.f32 v11, v11;
	s13 =	sshra.s32 s13, $0x2  }
0x1c6: {  	v55, _, _ =	vpop (xrf2);
	v45 =	vmov v8;
	v38 =	vmul.f32 v9, v9;
	[tilespmem:v16+s3+$0xFFFFFFF0 ss:$0x1] =	vst.idx.msk $0xffff, v9;
	s17 =	sadd.s32 s14, s13;
	s13 =	sadd.s32 s14, s7;
	(xrf2) =	vadd.scan.msk.f32 $0xffff, v0;
	v0 =	vld.idx.msk [tilespmem:v16+s14+$0xFFFFFF80 ss:$0x1], $0xffff  }
0x1c7: {  	[tilespmem:v16+s15+$0x50 ss:$0x1] =	vst.idx.msk $0xffff, v7;
	v59 =	vadd.f32 v63, v51;
	v63 =	vadd.f32 v19, v62;
	v19 =	vld [tilespmem:s13+$0x80]  }
0x1c8: {  	v26 =	vmov v3;
	[tilespmem:v16+s3+$0xE0 ss:$0x1] =	vst.idx.msk $0xffff, v6;
	v3 =	vadd.f32 v38, v11;
	v38 =	vld [tilespmem:s17+$0x100];
	v2 =	vadd.f32 v40, v2  }
0x1c9: {  	[tilespmem:$0x1FEE0] =	vst v45;
	v45 =	vmov v4;
	v51 =	vadd.f32 v10, v49;
	v15 =	vadd.f32 v18, v15;
	v18 =	vld [tilespmem:s6+$0x1F0]  }
0x1ca: {  	v62 =	vmul.f32 v10, v10;
	v4 =	vadd.f32 v63, v13;
	v63 =	vld.idx.msk [tilespmem:v16+s3+$0xF0 ss:$0x1], $0xffff;
	[tilespmem:v16+s15+$0xFFFFFF50 ss:$0x1] =	vst.idx.msk $0xffff, v2  }
0x1cb: {  	[tilespmem:v16+s3+$0x70 ss:$0x1] =	vst.idx.msk $0xffff, v10;
	v3 =	vadd.f32 v3, v59;
	v59 =	vmul.f32 v49, v49;
	v49 =	vmov s2;
	v11 =	vld.idx.msk [tilespmem:v16+s15+$0xFFFFFF60 ss:$0x1], $0xffff  }
0x1cc: {  	v8 =	vadd.f32 v51, v41;
	v10 =	vand.u32 $0xFFFFFFFC, v49;
	(xrf2) =	vadd.scan.msk.f32 $0xffff, v4;
	v4 =	vld [tilespmem:s10+$0x60];
	v40 =	vadd.f32 v19, v0  }
0x1cd: {  	[tilespmem:v16+s15+$0xFFFFFFB0 ss:$0x1] =	vst.idx.msk $0xffff, v58;
	v9 =	vadd.f32 v62, v59;
	v10 =	vbroadcast v10, $0x0;
	v59 =	vld [tilespmem:s24+$0x0];
	v38 =	vadd.f32 v38, v17  }
0x1ce: {  	v51 =	vmul.f32 v56, v56;
	v17 =	vadd.f32 v60, v56;
	v56 =	vld.idx.msk [tilespmem:v16+s14+$0xFFFFFF00 ss:$0x1], $0xffff;
	[tilespmem:v16+s14+$0xFFFFFF80 ss:$0x1] =	vst.idx.msk $0xffff, v40  }
0x1cf: {  	v28 =	vmov v37;
	v3 =	vadd.f32 v3, v15;
	v0 =	vadd.f32 v18, v63;
	[tilespmem:v16+s14+$0x0 ss:$0x1] =	vst.idx.msk $0xffff, v38;
	v18 =	vld [tilespmem:s16+$0xC0]  }
0x1d0: {  	v46 =	vadd.f32 v7, v20;
	v7 =	vmul.f32 v7, v7;
	v8 =	vadd.f32 v8, v50;
	v63 =	vld.idx.msk [tilespmem:v16+s14+$0x10 ss:$0x1], $0xffff  }
0x1d1: {  	v58 =	vadd.f32 v61, v51;
	v61 =	vmul.f32 v6, v6;
	s19 =	spop (v2sf);
	v37 =	vld [tilespmem:s17+$0x110];
	v6 =	vadd.f32 v0, v6;
	v60, _, _ =	vpop (xrf2);
	(xrf2) =	vadd.scan.msk.f32 $0xffff, v3  }
0x1d2: {  	v19 =	vbroadcast v30, $0x0;
	s7 =	smul.u32 $0x19000, s19;
	v4 =	vadd.f32 v4, v11;
	[tilespmem:v16+s3+$0xF0 ss:$0x1] =	vst.idx.msk $0xffff, v0;
	v3 =	vld.idx.msk [tilespmem:v16+s15+$0xFFFFFFC0 ss:$0x1], $0xffff;
	(xrf2) =	vadd.scan.msk.f32 $0xffff, v8  }
0x1d3: {  	v43 =	vmov v7;
	v9 =	vadd.f32 v9, v12;
	v12 =	vld [tilespmem:s13+$0x90];
	v62 =	vmul.f32 v0, v0;
	s3 =	smov.u32 s15;
	s15 =	smov.u32 s14;
	[tilespmem:v10+s20+$0x0] =	vst.idx.msk vm0, v60  }
0x1d4: {  	s7 =	sshra.s32 s7, $0x2;
	v7 =	vadd.f32 v59, v56;
	v0 =	vld.idx.msk [tilespmem:v16+s15+$0xFFFFFF90 ss:$0x1], $0xffff;
	v6 =	vadd.f32 v6, v17;
	[tilespmem:v16+s3+$0xFFFFFF60 ss:$0x1] =	vst.idx.msk $0xffff, v4  }
0x1d5: {  	s6 =	smov.u32 s18;
	s18 =	sadd.s32 s14, s7;
	v11 =	vld [tilespmem:s10+$0x70];
	[tilespmem:v10+s21+$0x0] =	vst.idx.msk vm0, v55  }
0x1d6: {  	v41 =	vmov v46;
	v6 =	vadd.f32 v6, v42;
	v42 =	vmov v39;
	s10 =	smov.u32 s24;
	v39 =	vld [tilespmem:s18+$0x180];
	[tilespmem:v16+s15+$0xFFFFFF00 ss:$0x1] =	vst.idx.msk $0xffff, v7  }
0x1d7: {  	v13 =	vadd.f32 v62, v61;
	v55 =	vbroadcast v27, $0x0;
	v46 =	vadd.f32 v18, v3;
	v3, _, _ =	vpop (xrf2);
	v61 =	vld [tilespmem:s10+$0x10]  }
0x1d8: {  	v1 =	vadd.f32 v9, v1;
	v9 =	vadd.f32 v37, v63;
	v63 =	vld.idx.msk [tilespmem:v16+s15+$0xFFFFFF10 ss:$0x1], $0xffff;
	[tilespmem:v19+s20+$0x0] =	vst.idx.msk vm0, v3  }
0x1d9: {  	v60 =	vld.idx.msk [tilespmem:v16+s3+$0xFFFFFF70 ss:$0x1], $0xffff;
	(xrf2) =	vadd.scan.msk.f32 $0xffff, v6;
	[tilespmem:v16+s3+$0xFFFFFFC0 ss:$0x1] =	vst.idx.msk $0xffff, v46  }
0x1da: {  	v8 =	vadd.f32 v13, v58;
	[tilespmem:v16+s15+$0x10 ss:$0x1] =	vst.idx.msk $0xffff, v9;
	v56 =	vld [tilespmem:s16+$0xD0]  }
0x1db: {  	v30 =	vmov v21;
	v37 =	vadd.f32 v39, v5;
	v5 =	vld.idx.msk [tilespmem:v16+s15+$0x20 ss:$0x1], $0xffff;
	v62, _, _ =	vpop (xrf2);
	(xrf2) =	vadd.scan.msk.f32 $0xffff, v1  }
0x1dc: {  	v3 =	vadd.f32 v8, v48;
	v48 =	vmul.f32 v9, v9;
	v39 =	vadd.f32 v9, v38;
	v9 =	vld.idx.msk [tilespmem:v16+s3+$0x60 ss:$0x1], $0xffff;
	v1, _, _ =	vpop (xrf2)  }
0x1dd: {  	v21 =	vmov v53;
	v53 =	vadd.f32 v12, v0;
	v0 =	vadd.f32 v61, v63;
	v63 =	vld [tilespmem:$0x1FEC0];
	[tilespmem:v55+s20+$0x0] =	vst.idx.msk vm0, v1  }
0x1de: {  	v49 =	vmul.f32 v57, v57;
	v15 =	vmul.f32 v2, v2;
	s24 =	sadd.s32 $0x3, s2;
	[tilespmem:v16+s15+$0x80 ss:$0x1] =	vst.idx.msk $0xffff, v37;
	(xrf2) =	vadd.scan.msk.f32 $0xffff, v3;
	v3 =	vld [tilespmem:s17+$0x120]  }
0x1df: {  	v2 =	vadd.f32 v2, v57;
	v27 =	vmovc v25;
	v25 =	vmovc v52;
	v52 =	vmov s24;
	v6 =	vadd.f32 v11, v60;
	v58 =	vld.idx.msk [tilespmem:v16+s15+$0x90 ss:$0x1], $0xffff  }
0x1e0: {  	p1 =	slt.u32 s12, $0xC4;
	v50 =	vmul.f32 v4, v4;
	v10 =	vmul.f32 v31, v31;
	[tilespmem:v19+s21+$0x0] =	vst.idx.msk vm0, v62;
	v11 =	vld [tilespmem:s4+$0x160]  }
.Ltmp5:
0x1e1: {  	v31 =	vmov v7;
	v7 =	vadd.f32 v15, v49;
	v51 =	vmul.f32 v6, v6;
	[tilespmem:v16+s3+$0xFFFFFF70 ss:$0x1] =	vst.idx.msk $0xffff, v6;
	v62 =	vld [tilespmem:s18+$0x190];
	(pc) =	sbr.rel @p1 .LBB2_9-.Ltmp5, $4  }
0x1e2: {  	v4 =	vadd.f32 v6, v4;
	[tilespmem:v16+s15+$0xFFFFFF90 ss:$0x1] =	vst.idx.msk $0xffff, v53;
	v60 =	vld.idx.msk [tilespmem:v16+s3+$0xFFFFFFD0 ss:$0x1], $0xffff;
	v6 =	vadd.f32 v63, v10  }
0x1e3: {  	[tilespmem:v16+s15+$0xFFFFFF10 ss:$0x1] =	vst.idx.msk $0xffff, v0;
	v1 =	vld.idx.msk [tilespmem:v16+s15+$0xFFFFFFA0 ss:$0x1], $0xffff;
	v13, _, _ =	vpop (xrf2);
	v57 =	vadd.f32 v3, v5;
	v5 =	vadd.f32 v51, v50  }
0x1e4: {  	v61 =	vld [tilespmem:s13+$0xA0];
	[tilespmem:v52+s20+$0x0] =	vst.idx.msk vm0, v13;
	v54 =	vadd.f32 v54, v6;
	v51 =	vadd.f32 v4, v2  }
0x1e5: {  	s12 =	sadd.s32 $0x4, s12;
	s2 =	smov.u32 s1;
	s1 =	smov.u32 s23;
	v63 =	vld [tilespmem:s6+$0x1C0];
	v49 =	vadd.f32 v11, v9;
	v3, _, _ =	vpop (xrf2);
	[tilespmem:v16+s15+$0x20 ss:$0x1] =	vst.idx.msk $0xffff, v57;
	v2 =	vadd.f32 v5, v7  }
0x1e6: {  	_ =	sdelay $0x3  }
0x1e7: {  	v4 =	vld.idx.msk [tilespmem:v16+s15+$0xFFFFFF20 ss:$0x1], $0xffff  }
0x1e8: {  	v5 =	vld [tilespmem:s10+$0x20]  }
0x1e9: {  	v6 =	vadd.f32 v62, v58  }
0x1ea: {  	v7 =	vld [tilespmem:s17+$0x130]  }
0x1eb: {  	v9 =	vld.idx.msk [tilespmem:v16+s15+$0x30 ss:$0x1], $0xffff;
	v15 =	vadd.f32 v56, v60;
	[tilespmem:v16+s15+$0x90 ss:$0x1] =	vst.idx.msk $0xffff, v6  }
0x1ec: {  	v10 =	vld.idx.msk [tilespmem:v16+s15+$0xA0 ss:$0x1], $0xffff  }
0x1ed: {  	v11 =	vld [tilespmem:s18+$0x1A0];
	[tilespmem:v16+s3+$0xFFFFFFD0 ss:$0x1] =	vst.idx.msk $0xffff, v15;
	v5 =	vadd.f32 v5, v4  }
0x1ee: {  	[tilespmem:v55+s21+$0x0] =	vst.idx.msk vm0, v3;
	v50 =	vld.idx.msk [tilespmem:v16+s3+$0xFFFFFFE0 ss:$0x1], $0xffff  }
0x1ef: {  	v8 =	vadd.f32 v61, v1;
	v3 =	vld [tilespmem:s16+$0xE0];
	[tilespmem:v16+s15+$0xFFFFFF20 ss:$0x1] =	vst.idx.msk $0xffff, v5  }
0x1f0: {  	v61 =	vld.idx.msk [tilespmem:v16+s15+$0xFFFFFF30 ss:$0x1], $0xffff  }
0x1f1: {  	v1 =	vadd.f32 v63, v47;
	[tilespmem:v16+s15+$0xFFFFFFA0 ss:$0x1] =	vst.idx.msk $0xffff, v8;
	v62 =	vld [tilespmem:s10+$0x30]  }
0x1f2: {  	v12 =	vld.idx.msk [tilespmem:v16+s15+$0xFFFFFFB0 ss:$0x1], $0xffff  }
0x1f3: {  	v7 =	vadd.f32 v7, v9;
	v13 =	vld [tilespmem:s13+$0xB0];
	[tilespmem:v16+s3+$0xC0 ss:$0x1] =	vst.idx.msk $0xffff, v1  }
0x1f4: {  	v14 =	vld [tilespmem:s6+$0x1D0]  }
0x1f5: {  	[tilespmem:v16+s15+$0x30 ss:$0x1] =	vst.idx.msk $0xffff, v7;
	v17 =	vld.idx.msk [tilespmem:v16+s3+$0xD0 ss:$0x1], $0xffff  }
0x1f6: {  	v18 =	vld.idx.msk [tilespmem:v16+s15+$0x40 ss:$0x1], $0xffff;
	v9 =	vadd.f32 v62, v61  }
0x1f7: {  	v19 =	vld [tilespmem:s17+$0x140]  }
0x1f8: {  	v55 =	vadd.f32 v53, v40;
	v10 =	vadd.f32 v11, v10;
	[tilespmem:v16+s15+$0xFFFFFF30 ss:$0x1] =	vst.idx.msk $0xffff, v9  }
0x1f9: {  	v59 =	vmul.f32 v0, v0;
	v2 =	vadd.f32 v2, v54;
	v3 =	vadd.f32 v3, v50;
	v11 =	vld [tilespmem:s10+$0x40]  }
0x1fa: {  	[tilespmem:v16+s15+$0xA0 ss:$0x1] =	vst.idx.msk $0xffff, v10;
	v12 =	vadd.f32 v13, v12;
	v13 =	vadd.f32 v14, v17;
	v14 =	vld.idx.msk [tilespmem:v16+s15+$0xFFFFFF40 ss:$0x1], $0xffff  }
0x1fb: {  	v4 =	vadd.f32 v0, v31;
	v0 =	vmul.f32 v57, v57;
	v54 =	vmul.f32 v8, v8;
	v60 =	vld.idx.msk [tilespmem:v16+s15+$0xB0 ss:$0x1], $0xffff  }
0x1fc: {  	[tilespmem:v16+s3+$0xFFFFFFE0 ss:$0x1] =	vst.idx.msk $0xffff, v3;
	v17 =	vmul.f32 v7, v7;
	v47 =	vadd.f32 v19, v18;
	v19 =	vld [tilespmem:s18+$0x1B0]  }
0x1fd: {  	v56 =	vadd.f32 v7, v57;
	v50 =	vmul.f32 v5, v5;
	v62 =	vld.idx.msk [tilespmem:v16+s3+$0xFFFFFFF0 ss:$0x1], $0xffff;
	[tilespmem:v16+s3+$0xD0 ss:$0x1] =	vst.idx.msk $0xffff, v13  }
0x1fe: {  	v18 =	vmul.f32 v12, v12;
	v57 =	vadd.f32 v17, v0;
	v7 =	vld.idx.msk [tilespmem:v16+s3+$0xE0 ss:$0x1], $0xffff;
	[tilespmem:v16+s15+$0x40 ss:$0x1] =	vst.idx.msk $0xffff, v47  }
0x1ff: {  	v61 =	vmul.f32 v9, v9;
	v17 =	vadd.f32 v9, v5;
	v5 =	vld [tilespmem:s16+$0xF0];
	v11 =	vadd.f32 v11, v14  }
0x200: {  	v42 =	vadd.f32 v23, v42;
	v20 =	vmul.f32 v20, v20;
	v54 =	vadd.f32 v18, v54;
	v18 =	vld.idx.msk [tilespmem:v16+s15+$0x50 ss:$0x1], $0xffff  }
0x201: {  	v0 =	vmul.f32 v22, v22;
	v9 =	vadd.f32 v61, v50;
	v61 =	vld [tilespmem:s6+$0x1E0];
	[tilespmem:v16+s15+$0xFFFFFF40 ss:$0x1] =	vst.idx.msk $0xffff, v11  }
0x202: {  	v58 =	vadd.f32 v6, v37;
	v20 =	vadd.f32 v43, v20;
	v14 =	vmul.f32 v24, v24;
	v22 =	vld [tilespmem:$0x1FED0]  }
0x203: {  	v50 =	vadd.f32 v29, v0;
	v19 =	vadd.f32 v19, v60;
	v60 =	vld [tilespmem:s17+$0x150]  }
0x204: {  	v29 =	vmul.f32 v53, v53;
	v14 =	vadd.f32 v34, v14;
	v34 =	vld.idx.msk [tilespmem:v16+s15+$0xFFFFFF50 ss:$0x1], $0xffff;
	[tilespmem:v16+s3+$0x60 ss:$0x1] =	vst.idx.msk $0xffff, v49  }
0x205: {  	v0 =	vadd.f32 v12, v8;
	v8 =	vmul.f32 v28, v28;
	v28 =	vld [tilespmem:s10+$0x50];
	[tilespmem:v16+s15+$0xFFFFFFB0 ss:$0x1] =	vst.idx.msk $0xffff, v12  }
0x206: {  	v53 =	vadd.f32 v15, v46;
	v12 =	vadd.f32 v36, v32;
	[tilespmem:v16+s15+$0xB0 ss:$0x1] =	vst.idx.msk $0xffff, v19;
	v32 =	vld.idx.msk [tilespmem:v16+s15+$0xFFFFFFC0 ss:$0x1], $0xffff  }
0x207: {  	v4 =	vadd.f32 v17, v4;
	v24 =	vld [tilespmem:$0x1FEF0];
	v50 =	vadd.f32 v22, v50  }
0x208: {  	v63 =	vmul.f32 v19, v19;
	v22 =	vadd.f32 v19, v10;
	v19 =	vadd.f32 v45, v33;
	v33 =	vld [tilespmem:s13+$0xC0]  }
0x209: {  	v8 =	vadd.f32 v35, v8;
	v0 =	vadd.f32 v0, v55  }
0x20a: {  	v23 =	vmul.f32 v10, v10;
	v5 =	vadd.f32 v5, v62;
	v7 =	vadd.f32 v61, v7;
	v35 =	vld.idx.msk [tilespmem:v16+s3+$0x70 ss:$0x1], $0xffff  }
0x20b: {  	v15 =	vmul.f32 v15, v15;
	v8 =	vadd.f32 v44, v8;
	v36 =	vld.idx.msk [tilespmem:v16+s15+$0xC0 ss:$0x1], $0xffff;
	v10 =	vadd.f32 v28, v34  }
0x20c: {  	v44 =	vmul.f32 v46, v46;
	[tilespmem:v16+s3+$0xE0 ss:$0x1] =	vst.idx.msk $0xffff, v7;
	v24 =	vadd.f32 v26, v24;
	v26 =	vld [tilespmem:s4+$0x170]  }
0x20d: {  	v28 =	vadd.f32 v60, v18;
	v34 =	vld [tilespmem:s6+$0x1F0];
	v18, _, _ =	vpop (xrf2);
	[tilespmem:v16+s15+$0xFFFFFF50 ss:$0x1] =	vst.idx.msk $0xffff, v10;
	v32 =	vadd.f32 v33, v32  }
0x20e: {  	v45 =	vadd.f32 v5, v3;
	v3 =	vmul.f32 v3, v3;
	[tilespmem:v52+s21+$0x0] =	vst.idx.msk vm0, v18;
	v46 =	vld.idx.msk [tilespmem:v16+s15+$0xFFFFFF60 ss:$0x1], $0xffff  }
0x20f: {  	v24 =	vadd.f32 v51, v24;
	v51 =	vmul.f32 v5, v5;
	v60 =	vld [tilespmem:s10+$0x60];
	[tilespmem:v16+s15+$0xFFFFFFC0 ss:$0x1] =	vst.idx.msk $0xffff, v32  }
0x210: {  	v23 =	vadd.f32 v63, v23;
	v15 =	vadd.f32 v15, v44;
	v61 =	vld [tilespmem:$0x1FEE0]  }
0x211: {  	v6 =	vmul.f32 v6, v6;
	v33 =	vld.idx.msk [tilespmem:v16+s3+$0xF0 ss:$0x1], $0xffff;
	v3 =	vadd.f32 v51, v3;
	v26 =	vadd.f32 v26, v35  }
0x212: {  	v63 =	vmul.f32 v49, v49;
	v18 =	vadd.f32 v28, v47;
	v44 =	vadd.f32 v45, v53;
	v35 =	vld [tilespmem:s18+$0x1C0]  }
0x213: {  	v52 =	vmul.f32 v13, v13;
	v3 =	vadd.f32 v3, v15;
	v45 =	vld [tilespmem:s13+$0xD0];
	v15 =	vadd.f32 v26, v49  }
0x214: {  	v22 =	vadd.f32 v22, v58;
	v62 =	vld.idx.msk [tilespmem:v16+s15+$0xFFFFFFD0 ss:$0x1], $0xffff;
	v43 =	vadd.f32 v60, v46;
	v49 =	vmul.f32 v26, v26  }
0x215: {  	(xrf2) =	vadd.scan.msk.f32 $0xffff, v2;
	v2 =	vmul.f32 v28, v28;
	v15 =	vadd.f32 v15, v41;
	v14 =	vadd.f32 v61, v14  }
0x216: {  	[tilespmem:v16+s15+$0x50 ss:$0x1] =	vst.idx.msk $0xffff, v28;
	v53 =	vadd.f32 v49, v63;
	v33 =	vadd.f32 v34, v33  }
0x217: {  	[tilespmem:v16+s15+$0xFFFFFF60 ss:$0x1] =	vst.idx.msk $0xffff, v43;
	v3 =	vadd.f32 v3, v14;
	v14 =	vadd.f32 v35, v36  }
0x218: {  	[tilespmem:v16+s3+$0xFFFFFFF0 ss:$0x1] =	vst.idx.msk $0xffff, v5;
	v60 =	vld [tilespmem:s10+$0x70];
	v20 =	vadd.f32 v53, v20;
	v63 =	vadd.f32 v33, v7  }
0x219: {  	v7 =	vmul.f32 v7, v7;
	v61 =	vld.idx.msk [tilespmem:v16+s15+$0xFFFFFF70 ss:$0x1], $0xffff;
	v41 =	vadd.f32 v45, v62;
	[tilespmem:v16+s15+$0xC0 ss:$0x1] =	vst.idx.msk $0xffff, v14  }
0x21a: {  	v49 =	vmul.f32 v33, v33;
	v62 =	vmul.f32 v1, v1;
	v1 =	vadd.f32 v13, v1;
	v13 =	vld [tilespmem:s18+$0x1D0]  }
0x21b: {  	v12 =	vadd.f32 v44, v12;
	v15 =	vadd.f32 v15, v42;
	[tilespmem:v16+s15+$0xFFFFFFD0 ss:$0x1] =	vst.idx.msk $0xffff, v41;
	v42 =	vld.idx.msk [tilespmem:v16+s15+$0xD0 ss:$0x1], $0xffff  }
0x21c: {  	[tilespmem:v16+s3+$0x70 ss:$0x1] =	vst.idx.msk $0xffff, v26;
	v20 =	vadd.f32 v20, v50;
	v7 =	vadd.f32 v49, v7;
	v51 =	vld.idx.msk [tilespmem:v16+s15+$0xFFFFFFE0 ss:$0x1], $0xffff  }
0x21d: {  	(xrf2) =	vadd.scan.msk.f32 $0xffff, v24;
	[tilespmem:v16+s3+$0xF0 ss:$0x1] =	vst.idx.msk $0xffff, v33;
	v44 =	vadd.f32 v52, v62;
	v1 =	vadd.f32 v63, v1;
	v52 =	vld [tilespmem:s13+$0xE0]  }
0x21e: {  	v35 =	vadd.f32 v10, v11;
	v10 =	vmul.f32 v10, v10;
	v26 =	vadd.f32 v41, v32  }
0x21f: {  	(xrf2) =	vadd.scan.msk.f32 $0xffff, v12;
	v11 =	vmul.f32 v11, v11;
	v1 =	vadd.f32 v1, v19;
	v7 =	vadd.f32 v7, v44  }
0x220: {  	v24 =	vld.idx.msk [tilespmem:v16+s15+$0x60 ss:$0x1], $0xffff;
	v62 =	vmul.f32 v43, v43;
	v19 =	vadd.f32 v60, v61;
	v13 =	vadd.f32 v13, v42  }
0x221: {  	v10 =	vadd.f32 v10, v11;
	v60 =	vmul.f32 v31, v31;
	v61 =	vld [tilespmem:s17+$0x160];
	v7 =	vadd.f32 v7, v8  }
0x222: {  	v53 =	vmov s2;
	v63 =	vmul.f32 v19, v19;
	v28 =	vadd.f32 v52, v51;
	[tilespmem:v16+s15+$0xD0 ss:$0x1] =	vst.idx.msk $0xffff, v13  }
0x223: {  	v46 =	vmul.f32 v41, v41;
	v45 =	vadd.f32 v59, v60;
	v50 =	vadd.f32 v19, v43;
	v51 =	vld.idx.msk [tilespmem:v16+s15+$0xE0 ss:$0x1], $0xffff  }
0x224: {  	v5 =	vand.u32 $0xFFFFFFFC, v53;
	v59 =	vmul.f32 v40, v40;
	v49 =	vadd.f32 v63, v62;
	[tilespmem:v16+s15+$0xFFFFFFE0 ss:$0x1] =	vst.idx.msk $0xffff, v28;
	v60 =	vld [tilespmem:s18+$0x1E0]  }
0x225: {  	v52 =	vmul.f32 v38, v38;
	v9 =	vadd.f32 v9, v45;
	v8 =	vadd.f32 v50, v35;
	v53 =	vld.idx.msk [tilespmem:v16+s15+$0xFFFFFFF0 ss:$0x1], $0xffff  }
0x226: {  	v5 =	vbroadcast v5, $0x0;
	v40, _, _ =	vpop (xrf2);
	[tilespmem:v16+s15+$0xFFFFFF70 ss:$0x1] =	vst.idx.msk $0xffff, v19;
	v29 =	vadd.f32 v29, v59;
	v24 =	vadd.f32 v61, v24;
	v62 =	vld [tilespmem:s13+$0xF0]  }
0x227: {  	v43, _, _ =	vpop (xrf2);
	(xrf2) =	vadd.scan.msk.f32 $0xffff, v3;
	v63 =	vmul.f32 v37, v37;
	v61 =	vadd.f32 v48, v52;
	v42 =	vadd.f32 v56, v39  }
0x228: {  	(xrf2) =	vadd.scan.msk.f32 $0xffff, v15;
	v48 =	vmul.f32 v32, v32;
	v10 =	vadd.f32 v49, v10;
	[tilespmem:v16+s15+$0x60 ss:$0x1] =	vst.idx.msk $0xffff, v24  }
0x229: {  	v6 =	vadd.f32 v6, v63;
	v50, _, _ =	vpop (xrf2);
	(xrf2) =	vadd.scan.msk.f32 $0xffff, v1;
	v44 =	vld.idx.msk [tilespmem:v16+s15+$0x70 ss:$0x1], $0xffff;
	v31 =	vadd.f32 v60, v51  }
0x22a: {  	v4 =	vadd.f32 v8, v4;
	v49 =	vmul.f32 v28, v28;
	(xrf2) =	vadd.scan.msk.f32 $0xffff, v20;
	v20 =	vmul.f32 v13, v13;
	v45 =	vld [tilespmem:s17+$0x170]  }
0x22b: {  	v13 =	vadd.f32 v13, v14;
	v11 =	vadd.f32 v62, v53;
	[tilespmem:v16+s15+$0xE0 ss:$0x1] =	vst.idx.msk $0xffff, v31  }
0x22c: {  	v1 =	vmul.f32 v47, v47;
	v9 =	vadd.f32 v10, v9;
	v10 =	vadd.f32 v57, v61;
	v15 =	vld [tilespmem:s18+$0x1F0]  }
0x22d: {  	v3 =	vadd.f32 v23, v6;
	v6 =	vadd.f32 v46, v48;
	v12 =	vmul.f32 v11, v11;
	v23 =	vld.idx.msk [tilespmem:v16+s15+$0xF0 ss:$0x1], $0xffff  }
0x22e: {  	v30 =	vbroadcast v30, $0x0;
	[tilespmem:v5+s20+$0x0] =	vst.idx.msk vm0, v43;
	v1 =	vadd.f32 v2, v1;
	v17 =	vadd.f32 v11, v28  }
0x22f: {  	v2 =	vmul.f32 v24, v24;
	v52 =	vadd.f32 v45, v44;
	v8 =	vadd.f32 v12, v49  }
0x230: {  	[tilespmem:v5+s21+$0x0] =	vst.idx.msk vm0, v40;
	v51 =	vbroadcast v27, $0x0;
	v17 =	vadd.f32 v17, v26;
	v26 =	vadd.f32 v54, v29  }
0x231: {  	(xrf2) =	vadd.scan.msk.f32 $0xffff, v7;
	v53 =	vadd.f32 v52, v24;
	v54 =	vmul.f32 v52, v52;
	v6 =	vadd.f32 v8, v6  }
0x232: {  	v55 =	vmul.f32 v31, v31;
	v0 =	vadd.f32 v17, v0;
	v15 =	vadd.f32 v15, v23  }
0x233: {  	(xrf2) =	vadd.scan.msk.f32 $0xffff, v9;
	v8 =	vadd.f32 v53, v18;
	v17 =	vmul.f32 v14, v14;
	v2 =	vadd.f32 v54, v2  }
0x234: {  	s0 =	sadd.s32 $0x3, s2;
	(xrf2) =	vadd.scan.msk.f32 $0xffff, v4;
	v6 =	vadd.f32 v6, v26;
	v56 =	vadd.f32 v15, v31;
	v18 =	vmul.f32 v15, v15  }
0x235: {  	v24 =	vmov s0;
	v57 =	vadd.f32 v20, v17;
	v23, _, _ =	vpop (xrf2);
	(xrf2) =	vadd.scan.msk.f32 $0xffff, v0;
	v0 =	vadd.f32 v8, v42  }
0x236: {  	[tilespmem:v30+s20+$0x0] =	vst.idx.msk vm0, v50;
	v13 =	vadd.f32 v56, v13;
	v9 =	vadd.f32 v18, v55  }
0x237: {  	[tilespmem:v16+s15+$0xFFFFFFF0 ss:$0x1] =	vst.idx.msk $0xffff, v11;
	v1 =	vadd.f32 v2, v1  }
0x238: {  	v2 =	vmov s1;
	v58, _, _ =	vpop (xrf2);
	(xrf2) =	vadd.scan.msk.f32 $0xffff, v6;
	v59 =	vadd.f32 v13, v22;
	v4 =	vadd.f32 v9, v57  }
0x239: {  	v2 =	vand.u32 $0xFFFFFFFC, v2;
	v1 =	vadd.f32 v1, v10;
	[tilespmem:v51+s20+$0x0] =	vst.idx.msk vm0, v58;
	v60, _, _ =	vpop (xrf2);
	(xrf2) =	vadd.scan.msk.f32 $0xffff, v0  }
0x23a: {  	v2 =	vbroadcast v2, $0x0;
	[tilespmem:v24+s20+$0x0] =	vst.idx.msk vm0, v60;
	v0, _, _ =	vpop (xrf2);
	v3 =	vadd.f32 v4, v3;
	(xrf2) =	vadd.scan.msk.f32 $0xffff, v59  }
0x23b: {  	[tilespmem:v51+s21+$0x0] =	vst.idx.msk vm0, v0;
	v0, _, _ =	vpop (xrf2);
	(xrf2) =	vadd.scan.msk.f32 $0xffff, v1  }
0x23c: {  	[tilespmem:v24+s21+$0x0] =	vst.idx.msk vm0, v0;
	v0 =	vbroadcast v21, $0x0;
	(xrf2) =	vadd.scan.msk.f32 $0xffff, v3  }
0x23d: {  	[tilespmem:v16+s15+$0x70 ss:$0x1] =	vst.idx.msk $0xffff, v52  }
0x23e: {  	[tilespmem:v30+s21+$0x0] =	vst.idx.msk vm0, v23;
	v1, _, _ =	vpop (xrf2);
	v3 =	vbroadcast v25, $0x0  }
0x23f: {  	s24 =	sadd.s32 $0x3, s1;
	[tilespmem:v16+s15+$0xF0 ss:$0x1] =	vst.idx.msk $0xffff, v15;
	v61, _, _ =	vpop (xrf2)  }
0x240: {  	v62 =	vmov s24;
	[tilespmem:v2+s20+$0x0] =	vst.idx.msk vm0, v61  }
0x241: {  	v63, _, _ =	vpop (xrf2);
	[tilespmem:v2+s21+$0x0] =	vst.idx.msk vm0, v1  }
0x242: {  	v1, _, _ =	vpop (xrf2);
	[tilespmem:v0+s20+$0x0] =	vst.idx.msk vm0, v63  }
0x243: {  	v2, _, _ =	vpop (xrf2);
	[tilespmem:v0+s21+$0x0] =	vst.idx.msk vm0, v1  }
0x244: {  	[tilespmem:v3+s20+$0x0] =	vst.idx.msk vm0, v2;
	v0, _, _ =	vpop (xrf2)  }
0x245: {  	[tilespmem:v62+s20+$0x0] =	vst.idx.msk vm0, v0;
	v0, _, _ =	vpop (xrf2)  }
0x246: {  	[tilespmem:v3+s21+$0x0] =	vst.idx.msk vm0, v0;
	v0, _, _ =	vpop (xrf2)  }
0x247: {  	s1 =	simm.s32 $0x1C320;
	[tilespmem:v62+s21+$0x0] =	vst.idx.msk vm0, v0  }
0x248: {  	s2 =	simm.s32 $0x1C3F8;
	v0 =	vld [tilespmem:s1+$0x0]  }
0x249: {  	v1 =	vld [tilespmem:s2+$0x0]  }
0x24a: {  	v2 =	vld [tilespmem:s1+$0xFFFFFFF0];
	_ =	sdelay $0x1  }
0x24b: {  	p4 =	por $0x1, $0x1;
	v3 =	vld [tilespmem:s2+$0xFFFFFFF0]  }
.Ltmp6:
0x24c: {  	v16 =	vmul.f32 $7.812500000e-03, v0;
	(pc) =	sbr.rel @!p4 .LBB2_11-.Ltmp6, $4  }
0x24d: {  	v0 =	vmul.f32 $7.812500000e-03, v1  }
0x24e: {  	v2 =	vmul.f32 $7.812500000e-03, v2;
	v1 =	vmul.f32 v16, v16  }
0x24f: {  	p1 =	por $0x0, $0x0  }
0x250: {  	p2 =	por $0x0, $0x0;
	p3 =	por $0x0, $0x0;
	s4 =	simm.s32 $0x1C340;
	v23 =	vmul.f32 $7.812500000e-03, v3;
	[tilespmem:s1+$0xFFFFFFF0] =	vst v2;
	v26 =	vsub.f32 v0, v1;
	v0 =	vmul.f32 v2, v2  }
0x251: {  	_ = 	snop  }
0x252: {  	v1 =	vadd.f32 $9.999999740e-06, v26;
	_ =	sdelay $0x1  }
0x253: {  	v4 =	vshrl.u32 v1, $0x1;
	v17 =	vmul.f32 $5.000000000e-01, v1;
	v1 =	vld [tilespmem:s4+$0xFFFFFFF0];
	_ =	sdelay $0x4  }
0x254: {  	v2 =	vld [tilespmem:s4+$0x0];
	s3 =	simm.s32 $0x1C418;
	v1 =	vmul.f32 $7.812500000e-03, v1  }
0x255: {  	v3 =	vld [tilespmem:s3+$0x0]  }
0x256: {  	v5 =	vld [tilespmem:s3+$0xFFFFFFF0];
	[tilespmem:s4+$0xFFFFFFF0] =	vst v1  }
0x257: {  	v57 =	vld [tilespmem:$0x1FF50]  }
0x258: {  	v49 =	vld [tilespmem:$0x1FF60]  }
0x259: {  	v0 =	vsub.f32 v23, v0;
	v4 =	vsub.s32 $0x5F3759DF, v4;
	v53 =	vld [tilespmem:$0x1FF70]  }
0x25a: {  	v6 =	vmul.f32 v4, v17;
	v56 =	vld [tilespmem:$0x1FF80]  }
0x25b: {  	p4 =	por $0x1, $0x1;
	v0 =	vadd.f32 $9.999999740e-06, v0;
	v47 =	vld [tilespmem:$0x1FF90]  }
.Ltmp7:
0x25c: {  	v27 =	vmul.f32 $7.812500000e-03, v2;
	v2 =	vmul.f32 v4, v6;
	v58 =	vld [tilespmem:$0x1FFA0];
	(pc) =	sbr.rel @!p4 .LBB2_13-.Ltmp7, $4  }
0x25d: {  	v63 =	vshrl.u32 v0, $0x1;
	v59 =	vld [tilespmem:$0x1FFB0]  }
0x25e: {  	v3 =	vmul.f32 $7.812500000e-03, v3;
	v7 =	vmul.f32 v27, v27;
	v2 =	vsub.f32 $1.500000000e+00, v2;
	v41 =	vld [tilespmem:$0x1FFC0]  }
0x25f: {  	v18 =	vmul.f32 $5.000000000e-01, v0;
	v19 =	vsub.s32 $0x5F3759DF, v63;
	v23 =	vmul.f32 $7.812500000e-03, v5;
	v55 =	vld [tilespmem:$0x1FFF0]  }
0x260: {  	s6 =	simm.s32 $0x1C360;
	p1 =	por $0x1, $0x1;
	v26 =	vsub.f32 v3, v7;
	v0 =	vmul.f32 v1, v1;
	v20 =	vmul.f32 v4, v2;
	v31 =	vld [tilespmem:$0x1FFD0]  }
0x261: {  	_ = 	snop  }
0x262: {  	v1 =	vld [tilespmem:s6+$0x0];
	v2 =	vadd.f32 $9.999999740e-06, v26  }
0x263: {  	s0 =	simm.s32 $0x1C438;
	v5 =	vmul.f32 v19, v18;
	v6 =	vld [tilespmem:s6+$0xFFFFFFF0]  }
0x264: {  	v3 =	vld [tilespmem:s0+$0x0];
	v4 =	vmul.f32 v20, v17;
	v7 =	vshrl.u32 v2, $0x1;
	v17 =	vmul.f32 $5.000000000e-01, v2  }
0x265: {  	v0 =	vsub.f32 v23, v0;
	v5 =	vmul.f32 v19, v5;
	v2 =	vld [tilespmem:s0+$0xFFFFFFF0];
	v7 =	vsub.s32 $0x5F3759DF, v7  }
0x266: {  	v4 =	vmul.f32 v4, v20;
	v8 =	vmul.f32 v7, v17  }
0x267: {  	p4 =	por $0x1, $0x1;
	v0 =	vadd.f32 $9.999999740e-06, v0;
	v61 =	vsub.f32 $1.500000000e+00, v5;
	v24 =	vmul.f32 $7.812500000e-03, v1  }
.Ltmp8:
0x268: {  	v1 =	vsub.f32 $1.500000000e+00, v4;
	v6 =	vmul.f32 $7.812500000e-03, v6;
	v62 =	vmul.f32 v7, v8;
	(pc) =	sbr.rel @!p4 .LBB2_15-.Ltmp8, $4  }
0x269: {  	v63 =	vshrl.u32 v0, $0x1;
	v3 =	vmul.f32 $7.812500000e-03, v3;
	v9 =	vmul.f32 v24, v24  }
0x26a: {  	[tilespmem:s1+$0x0] =	vst v16;
	v10 =	vmul.f32 v1, v20;
	v23 =	vmul.f32 $7.812500000e-03, v2;
	v2 =	vsub.f32 $1.500000000e+00, v62  }
0x26b: {  	v21 =	vmul.f32 $5.000000000e-01, v0;
	v22 =	vmul.f32 v19, v61;
	v1 =	vsub.s32 $0x5F3759DF, v63;
	[tilespmem:s6+$0xFFFFFFF0] =	vst v6  }
0x26c: {  	s1 =	simm.s32 $0x1C380;
	p2 =	por $0x1, $0x1;
	v0 =	vmul.f32 v6, v6;
	[tilespmem:s2+$0x0] =	vst v10;
	v26 =	vsub.f32 v3, v9;
	v20 =	vmul.f32 v7, v2  }
0x26d: {  	_ = 	snop  }
0x26e: {  	v2 =	vld [tilespmem:s1+$0x0];
	v4 =	vmul.f32 v1, v21;
	v3 =	vadd.f32 $9.999999740e-06, v26  }
0x26f: {  	s11 =	simm.s32 $0x1C458;
	v7 =	vld [tilespmem:s1+$0xFFFFFFF0];
	v60 =	vmul.f32 v22, v18;
	v6 =	vmul.f32 v20, v17  }
0x270: {  	v5 =	vld [tilespmem:s11+$0x0];
	v0 =	vsub.f32 v23, v0;
	v8 =	vshrl.u32 v3, $0x1;
	v17 =	vmul.f32 $5.000000000e-01, v3  }
0x271: {  	v3 =	vmul.f32 v1, v4;
	v6 =	vmul.f32 v6, v20;
	v8 =	vsub.s32 $0x5F3759DF, v8  }
0x272: {  	v9 =	vld [tilespmem:s11+$0xFFFFFFF0];
	v0 =	vadd.f32 $9.999999740e-06, v0;
	v4 =	vmul.f32 v60, v22;
	v10 =	vmul.f32 v8, v17  }
0x273: {  	p4 =	por $0x1, $0x1;
	v3 =	vsub.f32 $1.500000000e+00, v3;
	v16 =	vmul.f32 $7.812500000e-03, v2;
	v2 =	vsub.f32 $1.500000000e+00, v6  }
.Ltmp9:
0x274: {  	v61 =	vshrl.u32 v0, $0x1;
	v7 =	vmul.f32 $7.812500000e-03, v7;
	v10 =	vmul.f32 v8, v10;
	(pc) =	sbr.rel @!p4 .LBB2_17-.Ltmp9, $4  }
0x275: {  	v28 =	vsub.f32 $1.500000000e+00, v4;
	v5 =	vmul.f32 $7.812500000e-03, v5;
	v62 =	vmul.f32 v16, v16  }
0x276: {  	[tilespmem:s4+$0x0] =	vst v27;
	v25 =	vmul.f32 $5.000000000e-01, v0;
	v2 =	vmul.f32 v2, v20;
	v63 =	vsub.f32 $1.500000000e+00, v10  }
0x277: {  	s4 =	simm.s32 $0x6;
	s12 =	simm.s32 $0x1C3A0;
	v23 =	vmul.f32 $7.812500000e-03, v9;
	v29 =	vmul.f32 v1, v3;
	[tilespmem:s1+$0xFFFFFFF0] =	vst v7;
	v26 =	vsub.f32 v5, v62  }
0x278: {  	p3 =	por $0x1, $0x1;
	s13 =	simm.s32 $0x1C458;
	s10 =	simm.s32 $0x1C3F8;
	v19 =	vsub.s32 $0x5F3759DF, v61;
	v0 =	vmul.f32 v7, v7;
	v1 =	vmovc v22;
	[tilespmem:s3+$0x0] =	vst v2;
	v20 =	vmul.f32 v8, v63  }
.LBB2_18:
0x279: {  	v2 =	vld [tilespmem:s12+$0x0];
	s4 =	sadd.s32 $0x2, s4;
	v3 =	vadd.f32 $9.999999740e-06, v26;
	s13 =	sadd.s32 $0x20, s13;
	v4 =	vmul.f32 v19, v25;
	v5 =	vmul.f32 v29, v21;
	v21 =	vmovc v25  }
0x27a: {  	v8 =	vmul.f32 v28, v1;
	v1 =	vmovc v29;
	v6 =	vld [tilespmem:s13+$0x0];
	p4 =	slt.u32 s4, $0xA;
	v0 =	vsub.f32 v23, v0;
	v7 =	vmul.f32 v20, v17  }
0x27b: {  	v9 =	vld [tilespmem:s12+$0xFFFFFFF0];
	v10 =	vshrl.u32 v3, $0x1;
	v17 =	vmul.f32 $5.000000000e-01, v3;
	v3 =	vmul.f32 v19, v4  }
0x27c: {  	v4 =	vld [tilespmem:s13+$0xFFFFFFF0];
	v0 =	vadd.f32 $9.999999740e-06, v0;
	v10 =	vsub.s32 $0x5F3759DF, v10;
	v7 =	vmul.f32 v7, v20;
	[tilespmem:s10+$0xFFFFFFF0] =	vst v8;
	s10 =	smov.u32 s3;
	s3 =	smov.u32 s0;
	s0 =	smov.u32 s11  }
0x27d: {  	v5 =	vmul.f32 v5, v1;
	s11 =	smov.u32 s13;
	v8 =	vmul.f32 v10, v17;
	v3 =	vsub.f32 $1.500000000e+00, v3  }
0x27e: {  	v2 =	vmul.f32 $7.812500000e-03, v2;
	v11 =	vshrl.u32 v0, $0x1;
	v7 =	vsub.f32 $1.500000000e+00, v7  }
.Ltmp10:
0x27f: {  	v6 =	vmul.f32 $7.812500000e-03, v6;
	v11 =	vsub.s32 $0x5F3759DF, v11;
	v8 =	vmul.f32 v10, v8;
	(pc) =	sbr.rel @p4 .LBB2_18-.Ltmp10, $4  }
0x280: {  	v28 =	vsub.f32 $1.500000000e+00, v5;
	v12 =	vmul.f32 v2, v2;
	v7 =	vmul.f32 v7, v20  }
0x281: {  	v5 =	vmul.f32 $7.812500000e-03, v9;
	v23 =	vmul.f32 $7.812500000e-03, v4;
	v4 =	vsub.f32 $1.500000000e+00, v8;
	[tilespmem:s6+$0x0] =	vst v24;
	v24 =	vmovc v16;
	v16 =	vmovc v2;
	s6 =	smov.u32 s1;
	s1 =	smov.u32 s12  }
0x282: {  	v25 =	vmul.f32 $5.000000000e-01, v0;
	v29 =	vmul.f32 v19, v3;
	v19 =	vmovc v11;
	v26 =	vsub.f32 v6, v12;
	[tilespmem:s3+$0x0] =	vst v7  }
0x283: {  	s12 =	sadd.s32 $0x20, s12;
	v0 =	vmul.f32 v5, v5;
	[tilespmem:s1+$0xFFFFFFF0] =	vst v5;
	v20 =	vmul.f32 v10, v4  }
0x284: {  	s12 =	smov.u32 s3;
	s3 =	smov.u32 s11;
	v30 =	vmov v24;
	s4 =	smov.u32 s6  }
.LBB2_20:
0x285: {  	v2 =	vadd.f32 $9.999999740e-06, v26  }
0x286: {  	v0 =	vsub.f32 v23, v0  }
0x287: {  	v3 =	vshrl.u32 v2, $0x1;
	v2 =	vmul.f32 $5.000000000e-01, v2  }
0x288: {  	v0 =	vadd.f32 $9.999999740e-06, v0;
	v3 =	vsub.s32 $0x5F3759DF, v3  }
0x289: {  	v4 =	vmul.f32 @p1 v19, v25;
	v5 =	vmul.f32 v3, v2  }
0x28a: {  	v7 =	vshrl.u32 v0, $0x1;
	v0 =	vmul.f32 $5.000000000e-01, v0  }
0x28b: {  	v4 =	vmul.f32 @p1 v19, v4;
	v7 =	vsub.s32 $0x5F3759DF, v7;
	v5 =	vmul.f32 v3, v5  }
0x28c: {  	v9 =	vmul.f32 v7, v0  }
0x28d: {  	v4 =	vsub.f32 @p1 $1.500000000e+00, v4;
	v5 =	vsub.f32 $1.500000000e+00, v5  }
0x28e: {  	v9 =	vmul.f32 v7, v9  }
0x28f: {  	v6 =	vmul.f32 @p2 v29, v21;
	v4 =	vmul.f32 @p1 v19, v4  }
0x290: {  	v8 =	vmul.f32 @p1 v20, v17;
	v10 =	vmovc @p2 v29;
	v3 =	vmul.f32 v3, v5;
	v9 =	vsub.f32 $1.500000000e+00, v9  }
0x291: {  	v1 =	vmul.f32 @p3 v28, v1;
	v6 =	vmul.f32 @p2 v6, v10;
	v4 =	vpsel p1, v4, v22;
	v5 =	vmovc @p1 v25  }
0x292: {  	v2 =	vmul.f32 v3, v2;
	v7 =	vmul.f32 v7, v9;
	v5 =	vpsel p1, v5, v18  }
0x293: {  	v8 =	vmul.f32 @p1 v8, v20;
	v5 =	vmul.f32 @p1 v4, v5  }
0x294: {  	v6 =	vsub.f32 @p2 $1.500000000e+00, v6;
	v2 =	vmul.f32 v2, v3;
	v0 =	vmul.f32 v7, v0  }
0x295: {  	v8 =	vsub.f32 @p1 $1.500000000e+00, v8;
	v5 =	vmul.f32 @p1 v5, v4  }
0x296: {  	[tilespmem:s10+$0xFFFFFFF0] =	vst @p3 v1;
	v1 =	vpsel p2, v10, v0;
	v6 =	vpsel p2, v6, v0;
	v2 =	vsub.f32 $1.500000000e+00, v2  }
0x297: {  	s6 =	smov.u32 @p2 s12;
	[tilespmem:s4+$0x0] =	vst @p1 v30;
	v0 =	vmul.f32 v0, v7;
	v1 =	vmul.f32 @p2 v6, v1;
	v5 =	vsub.f32 @p1 $1.500000000e+00, v5  }
0x298: {  	[tilespmem:s1+$0x0] =	vst v16;
	s4 =	smov.u32 @p2 s6;
	v8 =	vmul.f32 @p1 v8, v20;
	v2 =	vmul.f32 v2, v3  }
0x299: {  	s2 =	smov.u32 @p1 s0;
	[tilespmem:s4+$0xFFFFFFF0] =	vst @p2 v1;
	v1 =	vpsel p1, v4, v0;
	v3 =	vpsel p1, v5, v0;
	v0 =	vsub.f32 $1.500000000e+00, v0  }
0x29a: {  	[tilespmem:s0+$0x0] =	vst @p1 v8;
	s0 =	smov.u32 @p1 s2;
	v1 =	vmul.f32 @p1 v3, v1  }
0x29b: {  	s0 =	smov.u32 @p1 s0;
	[tilespmem:s3+$0x0] =	vst v2;
	v0 =	vmul.f32 v0, v7  }
0x29c: {  	[tilespmem:s0+$0xFFFFFFF0] =	vst @p1 v1  }
0x29d: {  	[tilespmem:s3+$0xFFFFFFF0] =	vst v0  }
0x29e: {  	v0 =	vld [tilespmem:$0x1C3D0];
	_ =	sdelay $0x1  }
0x29f: {  	v1 =	vld [tilespmem:$0x1C4A8];
	_ =	sdelay $0x2  }
0x2a0: {  	v0 =	vmul.f32 $7.812500000e-03, v0;
	_ =	sdelay $0x1  }
0x2a1: {  	v1 =	vmul.f32 $7.812500000e-03, v1;
	v2 =	vmul.f32 v0, v0;
	_ =	sdelay $0x1  }
0x2a2: {  	v1 =	vsub.f32 v1, v2;
	_ =	sdelay $0x1  }
0x2a3: {  	v1 =	vadd.f32 $9.999999740e-06, v1;
	_ =	sdelay $0x1  }
0x2a4: {  	v2 =	vshrl.u32 v1, $0x1;
	v1 =	vmul.f32 $5.000000000e-01, v1  }
0x2a5: {  	v2 =	vsub.s32 $0x5F3759DF, v2  }
0x2a6: {  	v3 =	vmul.f32 v2, v1;
	_ =	sdelay $0x1  }
0x2a7: {  	v3 =	vmul.f32 v2, v3;
	_ =	sdelay $0x1  }
0x2a8: {  	v3 =	vsub.f32 $1.500000000e+00, v3;
	_ =	sdelay $0x1  }
0x2a9: {  	v2 =	vmul.f32 v2, v3;
	_ =	sdelay $0x1  }
0x2aa: {  	v1 =	vmul.f32 v2, v1;
	_ =	sdelay $0x1  }
0x2ab: {  	v1 =	vmul.f32 v1, v2;
	_ =	sdelay $0x1  }
0x2ac: {  	v1 =	vsub.f32 $1.500000000e+00, v1;
	_ =	sdelay $0x1  }
0x2ad: {  	v1 =	vmul.f32 v1, v2  }
0x2ae: {  	[tilespmem:$0x1C3D0] =	vst v0  }
0x2af: {  	[tilespmem:$0x1C4A8] =	vst v1  }
0x2b0: {  	v0 =	vld [tilespmem:s30+$0x0]  }
0x2b1: {  	s22 =	simm.s32 $0x3;
	v1 =	vld [tilespmem:s30+$0xFFFFFFA0]  }
0x2b2: {  	s23 =	simm.s32 $0x2;
	v5 =	vmov s22;
	v3 =	vld [tilespmem:s30+$0x90]  }
0x2b3: {  	s19 =	simm.s32 $0x1;
	v34 =	vmov s23;
	v4 =	vld [tilespmem:s30+$0xFFFFFFE0]  }
0x2b4: {  	v8 =	vand.u32 $0xFFFFFFFE, v34;
	v2 =	vmov s19;
	v32 =	vld [tilespmem:s30+$0xFFFFFFF0]  }
0x2b5: {  	v8 =	vbroadcast v8, $0x0;
	v2 =	vand.u32 $0xFFFFFFFD, v2;
	v33 =	vld [tilespmem:s30+$0x80]  }
0x2b6: {  	v2 =	vbroadcast v2, $0x0;
	v36 =	vld [tilespmem:s30+$0xE0]  }
0x2b7: {  	v11 =	vld.idx.msk [tilespmem:v5+s20+$0x0], $0xffff  }
0x2b8: {  	v35 =	vld [tilespmem:s30+$0xF0]  }
0x2b9: {  	v5 =	vld.idx.msk [tilespmem:v5+s21+$0x0], $0xffff  }
0x2ba: {  	v13 =	vld [tilespmem:s30+$0xB0]  }
0x2bb: {  	v14 =	vld.idx.msk [tilespmem:v8+s20+$0x0], $0xffff  }
0x2bc: {  	v19 =	vld.idx.msk [tilespmem:v2+s21+$0x0], $0xffff;
	v10 =	vsub.f32 v36, v11  }
0x2bd: {  	v12 =	vld.idx.msk [tilespmem:v2+s20+$0x0], $0xffff;
	v7 =	vsub.f32 v33, v11  }
0x2be: {  	v2 =	vld [tilespmem:s30+$0xA0];
	v37 =	vmul.f32 v5, v59;
	[tilespmem:$0x1FE80] =	vst v10  }
0x2bf: {  	v8 =	vld.idx.msk [tilespmem:v8+s21+$0x0], $0xffff;
	[tilespmem:$0x1FE90] =	vst v7  }
0x2c0: {  	v17 =	vld [tilespmem:$0x1FF40];
	[tilespmem:$0x1FEA0] =	vst v37  }
0x2c1: {  	s24 =	simm.s32 $0x0;
	v38 =	vld [tilespmem:s30+$0x10];
	v16 =	vmul.f32 v19, v59  }
0x2c2: {  	v25 =	vmov s24;
	v7 =	vld [tilespmem:s30+$0xFFFFFFD0]  }
0x2c3: {  	v27 =	vand.u32 $0xFFFFFFFC, v25;
	v15 =	vld [tilespmem:s30+$0xFFFFFFB0];
	[tilespmem:$0x1FEB0] =	vst v16  }
0x2c4: {  	v34 =	vbroadcast v27, $0x0;
	v26 =	vld [tilespmem:s30+$0x70]  }
0x2c5: {  	v44 =	vmul.f32 v5, v41;
	v22 =	vsub.f32 v3, v11;
	v3 =	vmul.f32 v5, v56;
	v46 =	vld [tilespmem:s30+$0x30]  }
0x2c6: {  	v23 =	vmul.f32 v5, v57;
	v0 =	vsub.f32 v0, v14;
	v29 =	vld [tilespmem:s30+$0xFFFFFFC0];
	v45 =	vmul.f32 v8, v57  }
0x2c7: {  	v25 =	vmul.f32 v5, v49;
	v27 =	vmul.f32 v5, v53;
	v30 =	vld [tilespmem:s30+$0x40]  }
0x2c8: {  	v9 =	vsub.f32 v35, v11;
	v52 =	vmul.f32 v5, v47;
	v48 =	vld [tilespmem:s30+$0x50];
	v0 =	vmul.f32 v0, v45  }
0x2c9: {  	v20 =	vsub.f32 v2, v11;
	v2 =	vsub.f32 v13, v11;
	v13 =	vmul.f32 v19, v49;
	v33 =	vld [tilespmem:s30+$0xFFFFFF90]  }
0x2ca: {  	v39 =	vld [tilespmem:s30+$0xFFFFFF80];
	v0 =	vadd.f32 v0, v31;
	v31 =	vmul.f32 v8, v56;
	v10 =	vsub.f32 v46, v14  }
0x2cb: {  	v51 =	vsub.f32 v1, v12;
	v1 =	vmul.f32 v9, v44;
	v54 =	vmul.f32 v19, v53;
	v44 =	vld [tilespmem:s30+$0xD0]  }
0x2cc: {  	v24 =	vsub.f32 v32, v12;
	v40 =	vmul.f32 v19, v56;
	v50 =	vld [tilespmem:s30+$0xC0];
	v10 =	vmul.f32 v10, v31  }
0x2cd: {  	v1 =	vadd.f32 v1, v17;
	v51 =	vmul.f32 v51, v54;
	v28 =	vmul.f32 v8, v58;
	v42 =	vld.idx.msk [tilespmem:v34+s20+$0x0], $0xffff  }
0x2ce: {  	v43 =	vmul.f32 v8, v49;
	v35 =	vld.idx.msk [tilespmem:v34+s21+$0x0], $0xffff;
	v6 =	vsub.f32 v38, v14;
	v10 =	vadd.f32 v10, v55  }
0x2cf: {  	v36 =	vmul.f32 v8, v59;
	v7 =	vsub.f32 v7, v12;
	v38 =	vld [tilespmem:s30+$0xFFFFFF20];
	v37 =	vsub.f32 v26, v14;
	[tilespmem:s30+$0x0] =	vst v0  }
0x2d0: {  	v45 =	vmul.f32 v8, v41;
	v26 =	vsub.f32 v4, v12;
	v0 =	vsub.f32 v15, v12;
	v15 =	vld [tilespmem:s30+$0x20];
	[tilespmem:s30+$0x30] =	vst v10  }
0x2d1: {  	v4 =	vmul.f32 v8, v47;
	v32 =	vsub.f32 v29, v12;
	v29 =	vmul.f32 v19, v41;
	v61 =	vld [tilespmem:$0x1FF20]  }
0x2d2: {  	v16 =	vmovc v41;
	v30 =	vsub.f32 v30, v14;
	v41 =	vmul.f32 v2, v3;
	v2 =	vmul.f32 v19, v58;
	v60 =	vld [tilespmem:$0x1FF10]  }
0x2d3: {  	v9 =	vsub.f32 v50, v11;
	v50 =	vld [tilespmem:s30+$0xFFFFFF70];
	v31 =	vsub.f32 v48, v14;
	v3 =	vmul.f32 v37, v45  }
0x2d4: {  	v4 =	vmul.f32 v30, v4;
	v30 =	vsub.f32 v39, v12;
	v39 =	vld [tilespmem:s30+$0xFFFFFF00];
	v2 =	vmul.f32 v7, v2  }
0x2d5: {  	v12 =	vsub.f32 v33, v12;
	v33 =	vmul.f32 v8, v53;
	v8 =	vld [tilespmem:s30+$0xFFFFFF30];
	v3 =	vadd.f32 v3, v17  }
0x2d6: {  	v7 =	vld [tilespmem:s30+$0x60];
	v34 =	vsub.f32 v15, v14;
	[tilespmem:s30+$0xF0] =	vst v1;
	v15 =	vadd.f32 v2, v61;
	v2 =	vmul.f32 v9, v52  }
0x2d7: {  	v37 =	vmul.f32 v19, v47;
	v48 =	vmul.f32 v5, v58;
	v5 =	vld [tilespmem:s30+$0xFFFFFF60];
	[tilespmem:s30+$0x70] =	vst v3;
	v4 =	vadd.f32 v4, v60  }
0x2d8: {  	v17 =	vmov v47;
	v47 =	vsub.f32 v44, v11;
	v11 =	vld [tilespmem:s30+$0xFFFFFF50];
	v62 =	vadd.f32 v2, v60;
	[tilespmem:s30+$0xFFFFFFD0] =	vst v15  }
0x2d9: {  	v18 =	vmov v49;
	v46 =	vmul.f32 v35, v57;
	v49 =	vmul.f32 v35, v49;
	v3 =	vld [tilespmem:s30+$0xFFFFFF40];
	[tilespmem:s30+$0x40] =	vst v4  }
0x2da: {  	v63 =	vmul.f32 v35, v56;
	v38 =	vsub.f32 v38, v42;
	v8 =	vsub.f32 v8, v42;
	v2 =	vld [tilespmem:s30+$0xFFFFFF10];
	[tilespmem:s30+$0xC0] =	vst v62  }
0x2db: {  	v44 =	vmul.f32 v6, v43;
	v1 =	vsub.f32 v39, v42;
	v52 =	vmul.f32 v0, v40;
	v54 =	vld [tilespmem:$0x1FFE0]  }
0x2dc: {  	v21 =	vmovc v53;
	v45 =	vsub.f32 v7, v14;
	v0 =	vmul.f32 v35, v53;
	v53 =	vmul.f32 v8, v63;
	v63 =	vld [tilespmem:$0x1FF00]  }
0x2dd: {  	s1 =	sadd.s32 $0x200, s30;
	s3 =	simm.s32 $0x4;
	v39 =	vmul.f32 v12, v13;
	v43 =	vsub.f32 v5, v42;
	v40 =	vsub.f32 v11, v42;
	v62 =	vld [tilespmem:$0x1FF30]  }
.LBB2_21:
0x2de: {  	v9 =	vld [tilespmem:s1+$0xFFFFFFA0]  }
0x2df: {  	v12 =	vld [tilespmem:s1+$0x90]  }
0x2e0: {  	v22 =	vmul.f32 v22, v25;
	v25 =	vld [tilespmem:$0x1FEB0]  }
0x2e1: {  	v5 =	vmul.f32 v45, v36;
	v45 =	vld [tilespmem:s1+$0x0];
	v8 =	vadd.f32 v52, v55  }
0x2e2: {  	v13 =	vadd.f32 v53, v55;
	v53 =	vadd.f32 v41, v55;
	v41 =	vld [tilespmem:s1+$0xFFFFFFF0]  }
0x2e3: {  	v24 =	vmul.f32 v24, v29;
	v29 =	vadd.f32 v22, v54;
	v22 =	vld [tilespmem:$0x1FEA0];
	[tilespmem:s30+$0xFFFFFFB0] =	vst v8  }
0x2e4: {  	s4 =	sadd.s32 $0x1, s3;
	v4 =	vmul.f32 v35, v17;
	v10 =	vmul.f32 v35, v58;
	v2 =	vsub.f32 v2, v42;
	v36 =	vld [tilespmem:s1+$0xFFFFFFE0]  }
0x2e5: {  	v6 =	vmov s4;
	[tilespmem:s30+$0xB0] =	vst v53;
	v3 =	vsub.f32 v3, v42;
	v11 =	vsub.f32 v50, v42;
	v42 =	vld [tilespmem:s1+$0xFFFFFFD0]  }
0x2e6: {  	v15 =	vmul.f32 v35, v16;
	v6 =	vand.u32 $0xFFFFFFFD, v6;
	v8 =	vmul.f32 v35, v59;
	v35 =	vld [tilespmem:s1+$0x80]  }
0x2e7: {  	s0 =	smov.u32 s3;
	v14 =	vadd.f32 v51, v63;
	v6 =	vbroadcast v6, $0x0;
	v50 =	vld [tilespmem:s1+$0xF0];
	v2 =	vmul.f32 v2, v49  }
0x2e8: {  	s24 =	sadd.s32 $0x3, s0;
	v51 =	vld [tilespmem:s1+$0xE0];
	v49 =	vmul.f32 v47, v48  }
0x2e9: {  	[tilespmem:s30+$0xFFFFFFA0] =	vst v14;
	v11 =	vmul.f32 v11, v15;
	v15 =	vmov s24;
	v47 =	vld [tilespmem:$0x1FF40];
	v2 =	vadd.f32 v2, v54  }
0x2ea: {  	v19 =	vmul.f32 v19, v57;
	v46 =	vmul.f32 v1, v46;
	v53 =	vadd.f32 v44, v54;
	v1 =	vld [tilespmem:s1+$0xFFFFFFB0]  }
0x2eb: {  	s6 =	sadd.s32 $0x2, s3;
	v3 =	vmul.f32 v3, v4;
	v4 =	vmul.f32 v32, v37;
	v37 =	vld [tilespmem:s1+$0xFFFFFF90];
	[tilespmem:s30+$0xFFFFFF10] =	vst v2;
	v2 =	vadd.f32 v49, v61  }
0x2ec: {  	v7 =	vmov s6;
	v52 =	vmul.f32 v30, v19;
	v19 =	vmul.f32 v31, v28;
	[tilespmem:s30+$0x10] =	vst v53;
	v32 =	vld [tilespmem:$0x1FFD0]  }
0x2ed: {  	v7 =	vand.u32 $0xFFFFFFFE, v7;
	v30 =	vmul.f32 v38, v0;
	v3 =	vadd.f32 v3, v60;
	v0 =	vld.idx.msk [tilespmem:v6+s20+$0x0], $0xffff;
	[tilespmem:s30+$0xD0] =	vst v2  }
0x2ee: {  	v8 =	vmul.f32 v43, v8;
	v11 =	vadd.f32 v11, v47;
	v2 =	vmul.f32 v40, v10;
	v40 =	vld.idx.msk [tilespmem:v15+s20+$0x0], $0xffff  }
0x2ef: {  	v31 =	vadd.f32 v39, v54;
	v7 =	vbroadcast v7, $0x0;
	v5 =	vadd.f32 v5, v62;
	[tilespmem:s30+$0xFFFFFF40] =	vst v3;
	v38 =	vld.idx.msk [tilespmem:v15+s21+$0x0], $0xffff  }
0x2f0: {  	v8 =	vadd.f32 v8, v62;
	v4 =	vadd.f32 v4, v60;
	[tilespmem:s30+$0xFFFFFF70] =	vst v11;
	v11 =	vld [tilespmem:s1+$0xFFFFFFC0]  }
0x2f1: {  	v3 =	vmul.f32 v34, v33;
	v34 =	vadd.f32 v30, v63;
	v15 =	vadd.f32 v19, v61;
	v19 =	vld.idx.msk [tilespmem:v6+s21+$0x0], $0xffff  }
0x2f2: {  	v25 =	vmul.f32 v26, v25;
	v28 =	vadd.f32 v46, v32;
	v26 =	vadd.f32 v24, v47;
	[tilespmem:s30+$0xFFFFFFC0] =	vst v4;
	v4 =	vld [tilespmem:$0x1FE90]  }
0x2f3: {  	v10 =	vadd.f32 v52, v32;
	v3 =	vadd.f32 v3, v63;
	v30 =	vld [tilespmem:s1+$0xB0];
	[tilespmem:s30+$0xFFFFFF90] =	vst v31  }
0x2f4: {  	v31 =	vadd.f32 v25, v62;
	v2 =	vadd.f32 v2, v61;
	[tilespmem:s30+$0x50] =	vst v15;
	v15 =	vmul.f32 v20, v27;
	v20 =	vld [tilespmem:$0x1FE80]  }
0x2f5: {  	[tilespmem:s30+$0xFFFFFF30] =	vst v13;
	v24 =	vsub.f32 v41, v0;
	v9 =	vsub.f32 v9, v0;
	v43 =	vld.idx.msk [tilespmem:v7+s20+$0x0], $0xffff  }
0x2f6: {  	v33 =	vsub.f32 v42, v0;
	v7 =	vld.idx.msk [tilespmem:v7+s21+$0x0], $0xffff;
	[tilespmem:s30+$0x60] =	vst v5;
	v5 =	vadd.f32 v15, v63  }
0x2f7: {  	[tilespmem:s30+$0xFFFFFF20] =	vst v34;
	v4 =	vmul.f32 v4, v23;
	v14 =	vsub.f32 v51, v40;
	v39 =	vmul.f32 v38, v59  }
0x2f8: {  	[tilespmem:s30+$0xFFFFFF00] =	vst v28;
	v27 =	vld [tilespmem:s1+$0x10];
	v35 =	vsub.f32 v35, v40;
	v44 =	vmul.f32 v38, v16;
	v23 =	vmul.f32 v38, v57  }
0x2f9: {  	v28 =	vld [tilespmem:s1+$0xA0];
	[tilespmem:s30+$0xFFFFFFF0] =	vst v26;
	v15 =	vsub.f32 v30, v40;
	v13 =	vsub.f32 v50, v40;
	v6 =	vmul.f32 v19, v18  }
0x2fa: {  	v52 =	vld [tilespmem:s1+$0x40];
	v51 =	vmul.f32 v19, v56;
	v25 =	vmul.f32 v38, v18;
	[tilespmem:s30+$0xA0] =	vst v5;
	v5 =	vmov s0  }
0x2fb: {  	[tilespmem:s30+$0x90] =	vst v29;
	v30 =	vld [tilespmem:s1+$0x70];
	v20 =	vmul.f32 v20, v22;
	v22 =	vsub.f32 v12, v40;
	v12 =	vmul.f32 v38, v56  }
0x2fc: {  	v29 =	vld [tilespmem:s1+$0x50];
	[tilespmem:$0x1FE80] =	vst v14;
	v4 =	vadd.f32 v4, v32;
	v13 =	vmul.f32 v13, v44;
	v5 =	vand.u32 $0xFFFFFFFC, v5  }
0x2fd: {  	v26 =	vsub.f32 v45, v43;
	v50 =	vmul.f32 v7, v57;
	v14 =	vsub.f32 v27, v43;
	v27 =	vld [tilespmem:s1+$0x30];
	[tilespmem:s30+$0x20] =	vst v3  }
0x2fe: {  	v3 =	vld [tilespmem:s1+$0xFFFFFF20];
	v41 =	vmul.f32 v7, v56;
	[tilespmem:s30+$0xFFFFFF50] =	vst v2;
	v46 =	vadd.f32 v20, v62;
	v20 =	vmul.f32 v19, v59  }
0x2ff: {  	v53 =	vld [tilespmem:s1+$0xFFFFFF80];
	[tilespmem:s30+$0x80] =	vst v4;
	v4 =	vbroadcast v5, $0x0;
	v13 =	vadd.f32 v13, v47;
	v2 =	vsub.f32 v52, v43  }
0x300: {  	[tilespmem:s30+$0xFFFFFF60] =	vst v8;
	v8 =	vmul.f32 v26, v50;
	v5 =	vsub.f32 v30, v43;
	v30 =	vmul.f32 v7, v17  }
0x301: {  	v26 =	vsub.f32 v36, v0;
	v36 =	vmul.f32 v7, v59;
	v50 =	vmul.f32 v7, v16;
	[tilespmem:$0x1FEB0] =	vst v20  }
0x302: {  	v20 =	vsub.f32 v28, v40;
	[tilespmem:s30+$0xE0] =	vst v46;
	v28 =	vmul.f32 v7, v58;
	v8 =	vadd.f32 v8, v32  }
0x303: {  	v52 =	vld [tilespmem:s1+$0xFFFFFF00];
	v32 =	vsub.f32 v11, v0;
	v11 =	vmul.f32 v7, v18;
	[tilespmem:s1+$0xF0] =	vst v13;
	v13 =	vsub.f32 v1, v0  }
0x304: {  	[tilespmem:s30+$0xFFFFFFE0] =	vst v31;
	v44 =	vld [tilespmem:s1+$0xD0];
	v2 =	vmul.f32 v2, v30;
	v30 =	vsub.f32 v53, v0;
	v0 =	vsub.f32 v37, v0  }
0x305: {  	[tilespmem:$0x1FE90] =	vst v35;
	v1 =	vld [tilespmem:s1+$0x20];
	v5 =	vmul.f32 v5, v50;
	v37 =	vmul.f32 v19, v17;
	v31 =	vsub.f32 v27, v43  }
0x306: {  	[tilespmem:$0x1FEA0] =	vst v39;
	v49 =	vld [tilespmem:s1+$0xC0];
	v27 =	vmul.f32 v38, v21;
	v39 =	vmul.f32 v0, v6  }
0x307: {  	v48 =	vmul.f32 v31, v41;
	v31 =	vsub.f32 v29, v43;
	v29 =	vmul.f32 v19, v16;
	v42 =	vld.idx.msk [tilespmem:v4+s20+$0x0], $0xffff  }
0x308: {  	v5 =	vadd.f32 v5, v47;
	v41 =	vmul.f32 v15, v12;
	v35 =	vld.idx.msk [tilespmem:v4+s21+$0x0], $0xffff;
	v4 =	vmul.f32 v19, v58  }
0x309: {  	[tilespmem:s30+$0xFFFFFF80] =	vst v10;
	v53 =	vld [tilespmem:s1+$0xFFFFFF30];
	v12 =	vmul.f32 v19, v21;
	v15 =	vmul.f32 v38, v17;
	v10 =	vadd.f32 v48, v55  }
0x30a: {  	v45 =	vld [tilespmem:s1+$0xFFFFFF50];
	v4 =	vmul.f32 v33, v4;
	v33 =	vmul.f32 v7, v21;
	v34 =	vsub.f32 v1, v43  }
0x30b: {  	[tilespmem:s1+$0x70] =	vst v5;
	v5 =	vld [tilespmem:s1+$0xFFFFFF60];
	v1 =	vsub.f32 v49, v40;
	v47 =	vsub.f32 v44, v40;
	v48 =	vmul.f32 v38, v58  }
0x30c: {  	p1 =	slt.u32 s3, $0xC4;
	v7 =	vld [tilespmem:s1+$0x60];
	v44 =	vmul.f32 v14, v11;
	v4 =	vadd.f32 v4, v61;
	v38 =	vsub.f32 v3, v42  }
.Ltmp11:
0x30d: {  	[tilespmem:s1+$0x0] =	vst v8;
	v15 =	vmul.f32 v1, v15;
	v3 =	vadd.f32 v2, v60;
	v1 =	vsub.f32 v52, v42;
	(pc) =	sbr.rel @p1 .LBB2_21-.Ltmp11, $4  }
0x30e: {  	[tilespmem:s1+$0x30] =	vst v10;
	v46 =	vmul.f32 v35, v57;
	v49 =	vmul.f32 v35, v18;
	v6 =	vsub.f32 v53, v42  }
0x30f: {  	v50 =	vld [tilespmem:s1+$0xFFFFFF70];
	v14 =	vmul.f32 v35, v56;
	v52 =	vmul.f32 v13, v51;
	[tilespmem:s1+$0xFFFFFFD0] =	vst v4;
	v4 =	vadd.f32 v15, v60  }
0x310: {  	s2 =	sadd.s32 $0x4, s3;
	v2 =	vld [tilespmem:s1+$0xFFFFFF10];
	v0 =	vmul.f32 v35, v21;
	v40 =	vsub.f32 v45, v42;
	v51 =	vmul.f32 v9, v12;
	[tilespmem:s1+$0x40] =	vst v3  }
0x311: {  	s3 =	smov.u32 s2;
	s30 =	smov.u32 s1;
	v3 =	vld [tilespmem:s1+$0xFFFFFF40];
	v45 =	vsub.f32 v7, v43;
	v53 =	vmul.f32 v6, v14;
	v43 =	vsub.f32 v5, v42;
	[tilespmem:s1+$0xC0] =	vst v4;
	s1 =	sadd.s32 $0x200, s1  }
0x312: {  	_ =	sdelay $0x2  }
0x313: {  	v2 =	vsub.f32 v2, v42  }
0x314: {  	v4 =	vadd.f32 v52, v55  }
0x315: {  	v8 =	vadd.f32 v41, v55;
	v2 =	vmul.f32 v2, v49  }
0x316: {  	v6 =	vadd.f32 v53, v55;
	[tilespmem:s30+$0xFFFFFFB0] =	vst v4  }
0x317: {  	[tilespmem:s30+$0xB0] =	vst v8;
	v2 =	vadd.f32 v2, v54  }
0x318: {  	[tilespmem:s30+$0xFFFFFF30] =	vst v6  }
0x319: {  	[tilespmem:s30+$0xFFFFFF10] =	vst v2  }
0x31a: {  	v8 =	vld [tilespmem:$0x1FF40]  }
0x31b: {  	v13 =	vmul.f32 v35, v16;
	v7 =	vsub.f32 v50, v42  }
0x31c: {  	v14 =	vmul.f32 v47, v48  }
0x31d: {  	v9 =	vadd.f32 v51, v63;
	v4 =	vmul.f32 v7, v13  }
0x31e: {  	v5 =	vmul.f32 v35, v17;
	v15 =	vadd.f32 v14, v61;
	v3 =	vsub.f32 v3, v42  }
0x31f: {  	[tilespmem:s30+$0xFFFFFFA0] =	vst v9;
	v4 =	vadd.f32 v4, v8  }
0x320: {  	v3 =	vmul.f32 v3, v5;
	[tilespmem:s30+$0xD0] =	vst v15  }
0x321: {  	[tilespmem:s30+$0xFFFFFF70] =	vst v4  }
0x322: {  	v17 =	vmul.f32 v32, v37;
	v16 =	vadd.f32 v3, v60;
	v37 =	vld [tilespmem:$0x1FFD0]  }
0x323: {  	v18 =	vadd.f32 v44, v54;
	v32 =	vmul.f32 v31, v28  }
0x324: {  	v41 =	vadd.f32 v17, v60;
	[tilespmem:s30+$0xFFFFFF40] =	vst v16  }
0x325: {  	v1 =	vmul.f32 v1, v46;
	v42 =	vadd.f32 v32, v61;
	[tilespmem:s30+$0x10] =	vst v18  }
0x326: {  	v46 =	vadd.f32 v39, v54;
	[tilespmem:s30+$0xFFFFFFC0] =	vst v41  }
0x327: {  	[tilespmem:s30+$0x50] =	vst v42;
	v1 =	vadd.f32 v1, v37  }
0x328: {  	[tilespmem:s30+$0xFFFFFF90] =	vst v46  }
0x329: {  	[tilespmem:s30+$0xFFFFFF00] =	vst v1  }
0x32a: {  	v49 =	vld [tilespmem:$0x1FE80]  }
0x32b: {  	v5 =	vld [tilespmem:$0x1FEA0]  }
0x32c: {  	v21 =	vmul.f32 v35, v59;
	v45 =	vmul.f32 v45, v36  }
0x32d: {  	v0 =	vmul.f32 v38, v0  }
0x32e: {  	v44 =	vmul.f32 v43, v21;
	v47 =	vadd.f32 v45, v62  }
0x32f: {  	v48 =	vmul.f32 v24, v29;
	v0 =	vadd.f32 v0, v63  }
0x330: {  	v1 =	vadd.f32 v44, v62;
	[tilespmem:s30+$0x60] =	vst v47;
	v4 =	vmul.f32 v49, v5  }
0x331: {  	v50 =	vadd.f32 v48, v8;
	[tilespmem:s30+$0xFFFFFF20] =	vst v0  }
0x332: {  	[tilespmem:s30+$0xFFFFFF60] =	vst v1;
	v4 =	vadd.f32 v4, v62  }
0x333: {  	v0 =	vld [tilespmem:$0x1FE90];
	[tilespmem:s30+$0xFFFFFFF0] =	vst v50  }
0x334: {  	[tilespmem:s30+$0xE0] =	vst v4  }
0x335: {  	v51 =	vmul.f32 v20, v27;
	v56 =	vmul.f32 v19, v57;
	v57 =	vld [tilespmem:$0x1FEB0]  }
0x336: {  	v52 =	vmul.f32 v22, v25  }
0x337: {  	v55 =	vmul.f32 v34, v33;
	v3 =	vadd.f32 v51, v63  }
0x338: {  	v59 =	vmul.f32 v30, v56;
	v2 =	vadd.f32 v52, v54  }
0x339: {  	v53 =	vmul.f32 v35, v58;
	v58 =	vadd.f32 v55, v63;
	v0 =	vmul.f32 v0, v23;
	[tilespmem:s30+$0xA0] =	vst v3  }
0x33a: {  	v63 =	vadd.f32 v59, v37;
	[tilespmem:s30+$0x90] =	vst v2;
	v6 =	vmul.f32 v26, v57  }
0x33b: {  	v1 =	vmul.f32 v40, v53;
	v0 =	vadd.f32 v0, v37;
	[tilespmem:s30+$0x20] =	vst v58  }
0x33c: {  	p1 =	sne.s32 s28, $0x20;
	[tilespmem:s30+$0xFFFFFF80] =	vst v63;
	v60 =	vadd.f32 v6, v62  }
.Ltmp12:
0x33d: {  	s0 =	sadd.s32 s9, s31;
	[tilespmem:s30+$0x80] =	vst v0;
	v62 =	vadd.f32 v1, v61;
	(pc) =	sbr.rel @p1 .LBB2_4-.Ltmp12, $4  }
.Ltmp13:
0x33e: {  	s2 =	rddreg [dreg:$0x7];
	s0 =	sshll.u32 s0, $0x4;
	[tilespmem:s30+$0xFFFFFFE0] =	vst v60;
	(pc) =	sbr.rel @!p1 .LBB2_23-.Ltmp13, $4  }
0x33f: {  	s1 =	sadd.s32 $0x3, s29;
	s26 =	sadd.s32 $0xC8, s26;
	s0 =	sadd.s32 s2, s0;
	[tilespmem:s30+$0xFFFFFF50] =	vst v62  }
0x340: {  	[hbm4b:s0+s8] =	stream.linear.scatter [tilespmem:s5], [sflag:s1], $0x6400, $0x38;
	[tilespmem:$0x1C4C0] =	vst v63  }
0x341: {  	s25 =	sadd.s32 $0xC8, s25;
	p0 =	por !p0, !p0;
	s5 =	smov.u32 s28  }
0x342: {  	_ = 	snop  }
.LBB2_11:
0x343: {  	v57 =	vld [tilespmem:$0x1FF50]  }
0x344: {  	v49 =	vld [tilespmem:$0x1FF60]  }
0x345: {  	v53 =	vld [tilespmem:$0x1FF70]  }
0x346: {  	v56 =	vld [tilespmem:$0x1FF80]  }
0x347: {  	v47 =	vld [tilespmem:$0x1FF90]  }
.Ltmp14:
0x348: {  	v58 =	vld [tilespmem:$0x1FFA0];
	(pc) =	sbr.rel .LBB2_20-.Ltmp14, $4  }
0x349: {  	v59 =	vld [tilespmem:$0x1FFB0]  }
0x34a: {  	v41 =	vld [tilespmem:$0x1FFC0]  }
0x34b: {  	v55 =	vld [tilespmem:$0x1FFF0]  }
0x34c: {  	s3 =	simm.s32 $0x1C3F8;
	v31 =	vld [tilespmem:$0x1FFD0]  }
.LBB2_13:
.Ltmp15:
0x34d: {  	(pc) =	sbr.rel .LBB2_20-.Ltmp15, $2  }
0x34e: {  	_ =	sdelay $0x2  }
0x34f: {  	v25 =	vmov v18;
	v30 =	vmov v16;
	s0 =	simm.s32 $0x1C3F8;
	s4 =	simm.s32 $0x1C320;
	v16 =	vmov v27;
	s1 =	simm.s32 $0x1C340  }
.LBB2_15:
.Ltmp16:
0x350: {  	(pc) =	sbr.rel .LBB2_20-.Ltmp16, $3  }
0x351: {  	_ =	sdelay $0x1  }
0x352: {  	v25 =	vmov v21;
	s12 =	simm.s32 $0x1C3F8  }
0x353: {  	v19 =	vmovc v1;
	v21 =	vmovc v18;
	v29 =	vmov v22;
	s0 =	simm.s32 $0x1C418;
	s3 =	simm.s32 $0x1C438;
	v30 =	vmov v27;
	v16 =	vmov v24;
	s1 =	simm.s32 $0x1C360  }
.LBB2_17:
.Ltmp17:
0x354: {  	(pc) =	sbr.rel .LBB2_20-.Ltmp17, $3  }
0x355: {  	_ =	sdelay $0x1  }
0x356: {  	s10 =	simm.s32 $0x1C3F8  }
0x357: {  	v1 =	vmov v22;
	s12 =	simm.s32 $0x1C418;
	s3 =	simm.s32 $0x1C458;
	v30 =	vmov v24;
	s4 =	simm.s32 $0x1C360  }
.LBB2_24:
0x358: {  	_ =	sfence.sel $0x180000  }
0x359: {  	[bflag:$0x0] =	sbarrier.arrive $0xFFFF  }
0x35a: {  	_ =	strace $0x90000047  }
0x35b: {  	s0 =	stileid.u32;
	[bflag:$0x2] =	sbarrier.arrive $0xFFFF  }
0x35c: {  	p0 =	sne.s32 s0, $0x0;
	s0 =	rddreg [dreg:$0x8]  }
0x35d: {  	s0 =	sadd.s32 @!p0 $0x100000, s0  }
0x35e: {  	[sflag:s0] =	ssyncadd.tile.s32 @!p0 $0x1;
	_ =	shalt  }
.Lfunc_end2:
_tile_overlayer_lowered:
.L_overlay_start_2:
0x35f: {  	(tag) =	ssettag $0x2  }
0x360: {  	s0 =	rddreg [dreg:$0x0];
	s2 =	stileid.u32  }
0x361: {  	s1 =	rddreg [dreg:$0x1];
	p0 =	sne.s32 s2, $0x0  }
0x362: {  	s3 =	rddreg [dreg:$0x2];
	[bflag:$0x3] =	sbarrier.arrive $0xFFFF;
	s2 =	simm.s32 @!p0 $0x1C05  }
0x363: {  	[timem:s3], [sflag:s2] =	dma.local @!p0 [hbm:s0], s1  }
0x364: {  	s0 =	simm.s32 @!p0 $0x5  }
0x365: {  	_ =	swait.ge @!p0 [sflag:s0], s1  }
0x366: {  	s1 =	ssub.s32 @!p0 $0x0, s1;
	[sflag:s0] =	ssyncset.done @!p0 $0x0  }
0x367: {  	[sflag:s0] =	ssyncadd.s32 @!p0 s1  }
0x368: {  	[bflag:$0x3] =	sbarrier.arrive $0xFFFF  }
0x369: {  	_ =	shalt  }

</sc_bundles>
